<compile_context>
chip_gen: v7x
topology: tpu7x:2x2x1
jax: 0.10.2.dev20260603
libtpu: 0.0.44.dev20260713+nightly
codegen_flags: <defaults>
</compile_context>

<pallas_src>
import jax
import jax.numpy as jnp
from jax import lax
from jax.experimental import pallas as pl
from jax.experimental.pallas import tpu as pltpu
from jax.experimental.pallas import tpu_sc as plsc

N = 10000
E = 320000
D = 128
NPAD = 10240
NC = 2
NS = 16
NW = NC * NS
EW = E // NW
EWP = 10240
PADW = EWP - EW
K = 128
NR = EWP // K // 8
RPC = NPAD // NS


def _z16():
    return jnp.zeros((16,), jnp.float32)


def _deg_body(src_hbm, dst_hbm, dego_hbm, degi_hbm, cs_hbm,
              sbuf, dbuf, dov, div, csv, red, outv, spm, sems):
    c = lax.axis_index("c")
    s = lax.axis_index("s")
    wid = s * NC + c

    pltpu.async_copy(src_hbm.at[pl.ds(wid * EW, EW)], sbuf, sems)
    pltpu.async_copy(dst_hbm.at[pl.ds(wid * EW, EW)], dbuf, sems)

    def zero(i, _):
        dov[pl.ds(i * 16, 16)] = _z16()
        div[pl.ds(i * 16, 16)] = _z16()
        csv[pl.ds(i * 16, 16)] = _z16()
    lax.fori_loop(0, NPAD // 16, zero, None)

    pltpu.make_async_copy(src_hbm.at[pl.ds(wid * EW, EW)], sbuf, sems).wait()
    pltpu.make_async_copy(dst_hbm.at[pl.ds(wid * EW, EW)], dbuf, sems).wait()

    ones16 = jnp.ones((16,), jnp.float32)

    def count(i, _):
        sv = sbuf[pl.ds(i * 16, 16)]
        dv = dbuf[pl.ds(i * 16, 16)]
        m = sv != dv
        plsc.addupdate_scatter(dov, [sv], ones16, mask=m)
        plsc.addupdate_scatter(div, [dv], ones16, mask=m)
        plsc.addupdate_scatter(csv, [sv], ones16, mask=jnp.logical_not(m))
    lax.fori_loop(0, EW // 16, count, None)

    pltpu.sync_copy(dov, spm.at[0, s])
    pltpu.sync_copy(div, spm.at[1, s])
    pltpu.sync_copy(csv, spm.at[2, s])
    plsc.subcore_barrier()

    for a, out_hbm in ((0, dego_hbm), (1, degi_hbm), (2, cs_hbm)):
        pltpu.sync_copy(spm.at[a, :, pl.ds(s * RPC, RPC)], red)

        def reduce(j, _):
            accv = _z16()
            for r in range(NS):
                accv = accv + red[r, pl.ds(j * 16, 16)]
            outv[pl.ds(j * 16, 16)] = accv
        lax.fori_loop(0, RPC // 16, reduce, None)
        pltpu.sync_copy(outv, out_hbm.at[c, pl.ds(s * RPC, RPC)])


def _sc_degrees(src, dst):
    return pl.kernel(
        _deg_body,
        out_type=[jax.ShapeDtypeStruct((NC, NPAD), jnp.float32)] * 3,
        mesh=plsc.VectorSubcoreMesh(core_axis_name="c", subcore_axis_name="s"),
        scratch_types=[
            pltpu.VMEM((EW,), jnp.int32),
            pltpu.VMEM((EW,), jnp.int32),
            pltpu.VMEM((NPAD,), jnp.float32),
            pltpu.VMEM((NPAD,), jnp.float32),
            pltpu.VMEM((NPAD,), jnp.float32),
            pltpu.VMEM((NS, RPC), jnp.float32),
            pltpu.VMEM((RPC,), jnp.float32),
            pltpu.VMEM_SHARED((3, NS, NPAD), jnp.float32),
            pltpu.SemaphoreType.DMA,
        ],
        compiler_params=pltpu.CompilerParams(needs_layout_passes=False),
    )(src, dst)


def _agg_body(h_hbm, srcm_hbm, dstm_hbm, acc_hbm,
              bs0, bd0, bs1, bd1, rows0, rows1, zb, spm,
              semg0, semg1, semi0, semi1):
    c = lax.axis_index("c")
    s = lax.axis_index("s")
    wid = s * NC + c

    bigs = ((bs0, bd0, semi0), (bs1, bd1, semi1))
    rowbufs = ((rows0, semg0), (rows1, semg1))

    def stage(t2, slot):
        bs, bd, semi = bigs[slot]
        pltpu.async_copy(srcm_hbm.at[wid, pl.ds(t2 * 8, 8), :], bs, semi)
        pltpu.async_copy(dstm_hbm.at[wid, pl.ds(t2 * 8, 8), :], bd, semi)

    stage(0, 0)
    stage(1, 1)

    def zero(i, _):
        for j in range(8):
            zb[i, pl.ds(j * 16, 16)] = _z16()
    lax.fori_loop(0, 32, zero, None)

    def zacc(t, _):
        pltpu.sync_copy(zb, spm.at[pl.ds(s * RPC + t * 32, 32), :])
    lax.fori_loop(0, RPC // 32, zacc, None)
    plsc.subcore_barrier()

    def wait_stage(t2, slot):
        bs, bd, semi = bigs[slot]
        pltpu.make_async_copy(srcm_hbm.at[wid, pl.ds(t2 * 8, 8), :],
                              bs, semi).wait()
        pltpu.make_async_copy(dstm_hbm.at[wid, pl.ds(t2 * 8, 8), :],
                              bd, semi).wait()

    def fire_g(si, slot):
        rows, semg = rowbufs[slot]
        pltpu.async_copy(h_hbm.at[si], rows, semg)

    def wait_g(si, slot):
        rows, semg = rowbufs[slot]
        pltpu.make_async_copy(h_hbm.at[si], rows, semg).wait()

    wait_stage(0, 0)
    fire_g(bs0.at[0], 0)

    def titer(t, _):
        for j in range(16):
            half, q = (0, j) if j < 8 else (1, j - 8)
            jn = j + 1
            if jn < 16:
                hn, qn = (0, jn) if jn < 8 else (1, jn - 8)
                if jn == 8:
                    wait_stage(2 * t + 1, 1)
                fire_g(bigs[hn][0].at[qn], jn % 2)
            else:
                @pl.when(t < NR // 2 - 1)
                def _():
                    wait_stage(2 * t + 2, 0)
                    fire_g(bs0.at[0], 0)
            wait_g(bigs[half][0].at[q], j % 2)
            rows = rowbufs[j % 2][0]
            pltpu.sync_copy(rows, spm.at[bigs[half][1].at[q]], add=True)
            if j == 7:
                @pl.when(t < NR // 2 - 1)
                def _():
                    stage(2 * t + 2, 0)
            if j == 15:
                @pl.when(t < NR // 2 - 1)
                def _():
                    stage(2 * t + 3, 1)
    lax.fori_loop(0, NR // 2, titer, None)

    plsc.subcore_barrier()

    def epi(t, _):
        r0 = s * RPC + t * 32
        pltpu.sync_copy(spm.at[pl.ds(r0, 32), :], zb)
        pltpu.sync_copy(zb, acc_hbm.at[c, pl.ds(r0, 32), :])
    lax.fori_loop(0, RPC // 32, epi, None)


def _sc_aggregate(h, srcm, dstm):
    return pl.kernel(
        _agg_body,
        out_type=jax.ShapeDtypeStruct((NC, NPAD, D), jnp.float32),
        mesh=plsc.VectorSubcoreMesh(core_axis_name="c", subcore_axis_name="s"),
        scratch_types=[
            pltpu.VMEM((8, K), jnp.int32),
            pltpu.VMEM((8, K), jnp.int32),
            pltpu.VMEM((8, K), jnp.int32),
            pltpu.VMEM((8, K), jnp.int32),
            pltpu.VMEM((K, D), jnp.float32),
            pltpu.VMEM((K, D), jnp.float32),
            pltpu.VMEM((32, D), jnp.float32),
            pltpu.VMEM_SHARED((NPAD, D), jnp.float32),
            pltpu.SemaphoreType.DMA,
            pltpu.SemaphoreType.DMA,
            pltpu.SemaphoreType.DMA,
            pltpu.SemaphoreType.DMA,
        ],
        compiler_params=pltpu.CompilerParams(needs_layout_passes=False),
    )(h, srcm, dstm)


def _scale_body(nf_ref, dego_ref, h_ref):
    deg = dego_ref[0] + dego_ref[1] + 1.0
    h_ref[...] = nf_ref[...] * lax.rsqrt(deg)


def _tc_scale(nf, dego3):
    rb = 1000
    return pl.pallas_call(
        _scale_body,
        grid=(N // rb,),
        in_specs=[
            pl.BlockSpec((rb, D), lambda i: (i, 0)),
            pl.BlockSpec((NC, rb, 1), lambda i: (0, i, 0)),
        ],
        out_specs=pl.BlockSpec((rb, D), lambda i: (i, 0)),
        out_shape=jax.ShapeDtypeStruct((N, D), jnp.float32),
    )(nf, dego3)


def _out_body(acc_ref, h_ref, degi_ref, cs_ref, w_ref, b_ref, o_ref):
    rd = h_ref.shape[0]
    ridx = lax.broadcasted_iota(jnp.int32, (rd, 1), 0) + pl.program_id(0) * rd
    pad_ind = (ridx < NW * PADW).astype(jnp.float32)
    hterm = (1.0 - cs_ref[0] - cs_ref[1] - pad_ind) * h_ref[...]
    x = acc_ref[0] + acc_ref[1] + hterm
    nrm = lax.rsqrt(degi_ref[0] + degi_ref[1] + 1.0)
    x = x * nrm
    o_ref[...] = (
        jnp.dot(x, w_ref[...], preferred_element_type=jnp.float32) + b_ref[...]
    )


def _tc_out(acc, h, degi3, cs3, W, b2):
    rd = 1000
    return pl.pallas_call(
        _out_body,
        grid=(N // rd,),
        in_specs=[
            pl.BlockSpec((NC, rd, D), lambda i: (0, i, 0)),
            pl.BlockSpec((rd, D), lambda i: (i, 0)),
            pl.BlockSpec((NC, rd, 1), lambda i: (0, i, 0)),
            pl.BlockSpec((NC, rd, 1), lambda i: (0, i, 0)),
            pl.BlockSpec((D, D), lambda i: (0, 0)),
            pl.BlockSpec((1, D), lambda i: (0, 0)),
        ],
        out_specs=pl.BlockSpec((rd, D), lambda i: (i, 0)),
        out_shape=jax.ShapeDtypeStruct((N, D), jnp.float32),
    )(acc, h, degi3, cs3, W, b2)


def kernel(nf, edge_index, W, b):
    src = edge_index[0]
    dst = edge_index[1]

    dego, degi, cs = _sc_degrees(src, dst)
    h = _tc_scale(nf, dego.reshape(NC, NPAD, 1))

    pad_v = (jnp.arange(NW * PADW, dtype=jnp.int32) % N).reshape(NW, PADW)
    srcm = jnp.concatenate([src.reshape(NW, EW), pad_v], axis=1)
    dstm = jnp.concatenate([dst.reshape(NW, EW), pad_v], axis=1)
    srcm = srcm.reshape(NW, EWP // K, K)
    dstm = dstm.reshape(NW, EWP // K, K)

    acc = _sc_aggregate(h, srcm, dstm)
    out = _tc_out(acc, h, degi.reshape(NC, NPAD, 1),
                  cs.reshape(NC, NPAD, 1), W, b.reshape(1, D))
    return out

# --- scband reference (transcript-rebuilt; emitter-appended) ---
"""Pipeline reference for scband-dgl-mpnnlayer-88648124989657 (READ-ONLY COPY).

The authoritative reference and input builder live on the scoring server;
editing this copy changes nothing except your own understanding.
"""

import jax, jax.numpy as jnp
import numpy as np

N = 10000
E = 320000
D = 128


def setup_inputs(seed: int = 0) -> dict:
    key = jax.random.key(seed)
    k1, k2, k3 = jax.random.split(key, 3)
    nf = jax.random.normal(k1, (N, D), dtype=jnp.float32)
    edge_index = jax.random.randint(k2, (2, E), 0, N, dtype=jnp.int32)
    W = jax.random.normal(k3, (D, D), dtype=jnp.float32) * (1.0 / np.sqrt(D))
    b = jnp.zeros((D,), dtype=jnp.float32)
    return {"nf": nf, "edge_index": edge_index, "W": W, "b": b}


def reference(nf, edge_index, W, b):
    # DGL GraphConv with norm='both', after remove_self_loop + add_self_loop.
    # Self-loop removal is emulated by masking edges with src == dst; the
    # added self-loops contribute exactly one incoming/outgoing edge per node
    # (the '+ 1.0' in the degrees and the '+ h' in the aggregation).
    src = edge_index[0]
    dst = edge_index[1]
    mask = (src != dst).astype(nf.dtype)
    deg_out = jnp.zeros((N,), dtype=nf.dtype).at[src].add(mask) + 1.0
    deg_in = jnp.zeros((N,), dtype=nf.dtype).at[dst].add(mask) + 1.0
    norm_src = jax.lax.rsqrt(deg_out)
    norm_dst = jax.lax.rsqrt(deg_in)
    h = nf * norm_src[:, None]
    msg = h[src] * mask[:, None]
    agg = jnp.zeros_like(h).at[dst].add(msg) + h
    rst = agg * norm_dst[:, None]
    out = rst @ W + b
    return out

if __name__ == "__main__":
    import jax
    _d = setup_inputs()
    print(jax.jit(kernel)(*tuple(_d.values())))

</pallas_src>

<mosaic_0001>
#map = affine_map<(d0, d1) -> (0, 0)>
#map1 = affine_map<(d0, d1) -> (0, 0, 0)>
module attributes {stable_mosaic.version = 14 : i64} {
  func.func @_agg_body(%arg0: i32, %arg1: i32, %arg2: memref<10000x128xf32, #tpu.memory_space<hbm>>, %arg3: memref<32x80x128xi32, #tpu.memory_space<hbm>>, %arg4: memref<32x80x128xi32, #tpu.memory_space<hbm>>, %arg5: memref<2x10240x128xf32, #tpu.memory_space<hbm>>, %arg6: memref<8x128xi32, #tpu.memory_space<vmem>>, %arg7: memref<8x128xi32, #tpu.memory_space<vmem>>, %arg8: memref<8x128xi32, #tpu.memory_space<vmem>>, %arg9: memref<8x128xi32, #tpu.memory_space<vmem>>, %arg10: memref<128x128xf32, #tpu.memory_space<vmem>>, %arg11: memref<128x128xf32, #tpu.memory_space<vmem>>, %arg12: memref<32x128xf32, #tpu.memory_space<vmem>>, %arg13: memref<10240x128xf32, #tpu.memory_space<vmem_shared>>, %arg14: memref<!tpu.dma_semaphore, #tpu.memory_space<semaphore_mem>>, %arg15: memref<!tpu.dma_semaphore, #tpu.memory_space<semaphore_mem>>, %arg16: memref<!tpu.dma_semaphore, #tpu.memory_space<semaphore_mem>>, %arg17: memref<!tpu.dma_semaphore, #tpu.memory_space<semaphore_mem>>) attributes {dimension_semantics = [#tpu.dimension_semantics<core_parallel>, #tpu.dimension_semantics<subcore_parallel>], iteration_bounds = array<i64: 2, 16>, scalar_prefetch = 0 : i64, scratch_operands = 12 : i64, tpu.core_type = #tpu.core_type<sc_vector_subcore>, window_params = [{transform_indices = #map}, {transform_indices = #map1}, {transform_indices = #map1}, {transform_indices = #map1}]} {
    %mul3A = arith.constant 2 : i32
    %mul3A_0 = arith.muli %arg1, %mul3A : i32
    %add3A = arith.addi %mul3A_0, %arg0 : i32
    %dma_start3A = arith.constant 0 : i32
    %dma_start3A_1 = arith.constant 0 : i32
    %dma_start3A_2 = tpu.memref_slice %arg3[%add3A, %dma_start3A, %dma_start3A_1] : memref<32x80x128xi32, #tpu.memory_space<hbm>> -> memref<1x8x128xi32, #tpu.memory_space<hbm>>
    %dma_start3A_3 = tpu.memref_squeeze %dma_start3A_2 : memref<1x8x128xi32, #tpu.memory_space<hbm>> -> memref<8x128xi32, #tpu.memory_space<hbm>>
    %dma_start3A_4 = arith.constant 0 : i32
    %dma_start3A_5 = arith.constant 0 : i32
    %dma_start3A_6 = tpu.memref_slice %arg3[%add3A, %dma_start3A_4, %dma_start3A_5] : memref<32x80x128xi32, #tpu.memory_space<hbm>> -> memref<1x8x128xi32, #tpu.memory_space<hbm>>
    %dma_start3A_7 = tpu.memref_squeeze %dma_start3A_6 : memref<1x8x128xi32, #tpu.memory_space<hbm>> -> memref<8x128xi32, #tpu.memory_space<hbm>>
    tpu.enqueue_dma source(%dma_start3A_7 : memref<8x128xi32, #tpu.memory_space<hbm>>) target(%arg6 : memref<8x128xi32, #tpu.memory_space<vmem>>) target_semaphore(%arg16 : memref<!tpu.dma_semaphore, #tpu.memory_space<semaphore_mem>>)
    %dma_start3A_8 = arith.constant 0 : i32
    %dma_start3A_9 = arith.constant 0 : i32
    %dma_start3A_10 = tpu.memref_slice %arg4[%add3A, %dma_start3A_8, %dma_start3A_9] : memref<32x80x128xi32, #tpu.memory_space<hbm>> -> memref<1x8x128xi32, #tpu.memory_space<hbm>>
    %dma_start3A_11 = tpu.memref_squeeze %dma_start3A_10 : memref<1x8x128xi32, #tpu.memory_space<hbm>> -> memref<8x128xi32, #tpu.memory_space<hbm>>
    %dma_start3A_12 = arith.constant 0 : i32
    %dma_start3A_13 = arith.constant 0 : i32
    %dma_start3A_14 = tpu.memref_slice %arg4[%add3A, %dma_start3A_12, %dma_start3A_13] : memref<32x80x128xi32, #tpu.memory_space<hbm>> -> memref<1x8x128xi32, #tpu.memory_space<hbm>>
    %dma_start3A_15 = tpu.memref_squeeze %dma_start3A_14 : memref<1x8x128xi32, #tpu.memory_space<hbm>> -> memref<8x128xi32, #tpu.memory_space<hbm>>
    tpu.enqueue_dma source(%dma_start3A_15 : memref<8x128xi32, #tpu.memory_space<hbm>>) target(%arg7 : memref<8x128xi32, #tpu.memory_space<vmem>>) target_semaphore(%arg16 : memref<!tpu.dma_semaphore, #tpu.memory_space<semaphore_mem>>)
    %dma_start3A_16 = arith.constant 8 : i32
    %dma_start3A_17 = arith.constant 0 : i32
    %dma_start3A_18 = tpu.memref_slice %arg3[%add3A, %dma_start3A_16, %dma_start3A_17] : memref<32x80x128xi32, #tpu.memory_space<hbm>> -> memref<1x8x128xi32, #tpu.memory_space<hbm>>
    %dma_start3A_19 = tpu.memref_squeeze %dma_start3A_18 : memref<1x8x128xi32, #tpu.memory_space<hbm>> -> memref<8x128xi32, #tpu.memory_space<hbm>>
    %dma_start3A_20 = arith.constant 8 : i32
    %dma_start3A_21 = arith.constant 0 : i32
    %dma_start3A_22 = tpu.memref_slice %arg3[%add3A, %dma_start3A_20, %dma_start3A_21] : memref<32x80x128xi32, #tpu.memory_space<hbm>> -> memref<1x8x128xi32, #tpu.memory_space<hbm>>
    %dma_start3A_23 = tpu.memref_squeeze %dma_start3A_22 : memref<1x8x128xi32, #tpu.memory_space<hbm>> -> memref<8x128xi32, #tpu.memory_space<hbm>>
    tpu.enqueue_dma source(%dma_start3A_23 : memref<8x128xi32, #tpu.memory_space<hbm>>) target(%arg8 : memref<8x128xi32, #tpu.memory_space<vmem>>) target_semaphore(%arg17 : memref<!tpu.dma_semaphore, #tpu.memory_space<semaphore_mem>>)
    %dma_start3A_24 = arith.constant 8 : i32
    %dma_start3A_25 = arith.constant 0 : i32
    %dma_start3A_26 = tpu.memref_slice %arg4[%add3A, %dma_start3A_24, %dma_start3A_25] : memref<32x80x128xi32, #tpu.memory_space<hbm>> -> memref<1x8x128xi32, #tpu.memory_space<hbm>>
    %dma_start3A_27 = tpu.memref_squeeze %dma_start3A_26 : memref<1x8x128xi32, #tpu.memory_space<hbm>> -> memref<8x128xi32, #tpu.memory_space<hbm>>
    %dma_start3A_28 = arith.constant 8 : i32
    %dma_start3A_29 = arith.constant 0 : i32
    %dma_start3A_30 = tpu.memref_slice %arg4[%add3A, %dma_start3A_28, %dma_start3A_29] : memref<32x80x128xi32, #tpu.memory_space<hbm>> -> memref<1x8x128xi32, #tpu.memory_space<hbm>>
    %dma_start3A_31 = tpu.memref_squeeze %dma_start3A_30 : memref<1x8x128xi32, #tpu.memory_space<hbm>> -> memref<8x128xi32, #tpu.memory_space<hbm>>
    tpu.enqueue_dma source(%dma_start3A_31 : memref<8x128xi32, #tpu.memory_space<hbm>>) target(%arg9 : memref<8x128xi32, #tpu.memory_space<vmem>>) target_semaphore(%arg17 : memref<!tpu.dma_semaphore, #tpu.memory_space<semaphore_mem>>)
    %scan3A = arith.constant 0 : i32
    %scan3A_32 = arith.constant 32 : i32
    %scan3A_33 = arith.addi %scan3A, %scan3A_32 : i32
    %scan3A_34 = arith.constant 1 : i32
    scf.for %scan3A_74 = %scan3A to %scan3A_33 step %scan3A_34  : i32 {
      %broadcast_in_dim3A = arith.constant 0.000000e+00 : f32
      %broadcast_in_dim3A_75 = vector.broadcast %broadcast_in_dim3A : f32 to vector<16xf32>
      %swap3A = arith.index_cast %scan3A_74 : i32 to index
      %swap3A_76 = arith.constant 0 : index
      %swap3A_77 = tpu.vector_load %arg12[%swap3A, %swap3A_76] {strides = array<i32>} : memref<32x128xf32, #tpu.memory_space<vmem>>, vector<16xf32>,
      tpu.vector_store %arg12[%swap3A, %swap3A_76], %broadcast_in_dim3A_75 {strides = array<i32>} : memref<32x128xf32, #tpu.memory_space<vmem>>, vector<16xf32>,
      %broadcast_in_dim3A_78 = arith.constant 0.000000e+00 : f32
      %broadcast_in_dim3A_79 = vector.broadcast %broadcast_in_dim3A_78 : f32 to vector<16xf32>
      %swap3A_80 = arith.index_cast %scan3A_74 : i32 to index
      %swap3A_81 = arith.constant 16 : index
      %swap3A_82 = tpu.vector_load %arg12[%swap3A_80, %swap3A_81] {strides = array<i32>} : memref<32x128xf32, #tpu.memory_space<vmem>>, vector<16xf32>,
      tpu.vector_store %arg12[%swap3A_80, %swap3A_81], %broadcast_in_dim3A_79 {strides = array<i32>} : memref<32x128xf32, #tpu.memory_space<vmem>>, vector<16xf32>,
      %broadcast_in_dim3A_83 = arith.constant 0.000000e+00 : f32
      %broadcast_in_dim3A_84 = vector.broadcast %broadcast_in_dim3A_83 : f32 to vector<16xf32>
      %swap3A_85 = arith.index_cast %scan3A_74 : i32 to index
      %swap3A_86 = arith.constant 32 : index
      %swap3A_87 = tpu.vector_load %arg12[%swap3A_85, %swap3A_86] {strides = array<i32>} : memref<32x128xf32, #tpu.memory_space<vmem>>, vector<16xf32>,
      tpu.vector_store %arg12[%swap3A_85, %swap3A_86], %broadcast_in_dim3A_84 {strides = array<i32>} : memref<32x128xf32, #tpu.memory_space<vmem>>, vector<16xf32>,
      %broadcast_in_dim3A_88 = arith.constant 0.000000e+00 : f32
      %broadcast_in_dim3A_89 = vector.broadcast %broadcast_in_dim3A_88 : f32 to vector<16xf32>
      %swap3A_90 = arith.index_cast %scan3A_74 : i32 to index
      %swap3A_91 = arith.constant 48 : index
      %swap3A_92 = tpu.vector_load %arg12[%swap3A_90, %swap3A_91] {strides = array<i32>} : memref<32x128xf32, #tpu.memory_space<vmem>>, vector<16xf32>,
      tpu.vector_store %arg12[%swap3A_90, %swap3A_91], %broadcast_in_dim3A_89 {strides = array<i32>} : memref<32x128xf32, #tpu.memory_space<vmem>>, vector<16xf32>,
      %broadcast_in_dim3A_93 = arith.constant 0.000000e+00 : f32
      %broadcast_in_dim3A_94 = vector.broadcast %broadcast_in_dim3A_93 : f32 to vector<16xf32>
      %swap3A_95 = arith.index_cast %scan3A_74 : i32 to index
      %swap3A_96 = arith.constant 64 : index
      %swap3A_97 = tpu.vector_load %arg12[%swap3A_95, %swap3A_96] {strides = array<i32>} : memref<32x128xf32, #tpu.memory_space<vmem>>, vector<16xf32>,
      tpu.vector_store %arg12[%swap3A_95, %swap3A_96], %broadcast_in_dim3A_94 {strides = array<i32>} : memref<32x128xf32, #tpu.memory_space<vmem>>, vector<16xf32>,
      %broadcast_in_dim3A_98 = arith.constant 0.000000e+00 : f32
      %broadcast_in_dim3A_99 = vector.broadcast %broadcast_in_dim3A_98 : f32 to vector<16xf32>
      %swap3A_100 = arith.index_cast %scan3A_74 : i32 to index
      %swap3A_101 = arith.constant 80 : index
      %swap3A_102 = tpu.vector_load %arg12[%swap3A_100, %swap3A_101] {strides = array<i32>} : memref<32x128xf32, #tpu.memory_space<vmem>>, vector<16xf32>,
      tpu.vector_store %arg12[%swap3A_100, %swap3A_101], %broadcast_in_dim3A_99 {strides = array<i32>} : memref<32x128xf32, #tpu.memory_space<vmem>>, vector<16xf32>,
      %broadcast_in_dim3A_103 = arith.constant 0.000000e+00 : f32
      %broadcast_in_dim3A_104 = vector.broadcast %broadcast_in_dim3A_103 : f32 to vector<16xf32>
      %swap3A_105 = arith.index_cast %scan3A_74 : i32 to index
      %swap3A_106 = arith.constant 96 : index
      %swap3A_107 = tpu.vector_load %arg12[%swap3A_105, %swap3A_106] {strides = array<i32>} : memref<32x128xf32, #tpu.memory_space<vmem>>, vector<16xf32>,
      tpu.vector_store %arg12[%swap3A_105, %swap3A_106], %broadcast_in_dim3A_104 {strides = array<i32>} : memref<32x128xf32, #tpu.memory_space<vmem>>, vector<16xf32>,
      %broadcast_in_dim3A_108 = arith.constant 0.000000e+00 : f32
      %broadcast_in_dim3A_109 = vector.broadcast %broadcast_in_dim3A_108 : f32 to vector<16xf32>
      %swap3A_110 = arith.index_cast %scan3A_74 : i32 to index
      %swap3A_111 = arith.constant 112 : index
      %swap3A_112 = tpu.vector_load %arg12[%swap3A_110, %swap3A_111] {strides = array<i32>} : memref<32x128xf32, #tpu.memory_space<vmem>>, vector<16xf32>,
      tpu.vector_store %arg12[%swap3A_110, %swap3A_111], %broadcast_in_dim3A_109 {strides = array<i32>} : memref<32x128xf32, #tpu.memory_space<vmem>>, vector<16xf32>,
    }
    %scan3A_35 = arith.constant 32 : i32
    %scan3A_36 = arith.constant 0 : i32
    %scan3A_37 = arith.constant 20 : i32
    %scan3A_38 = arith.addi %scan3A_36, %scan3A_37 : i32
    %scan3A_39 = arith.constant 1 : i32
    scf.for %scan3A_74 = %scan3A_36 to %scan3A_38 step %scan3A_39  : i32 {
      %mul3A_75 = arith.constant 640 : i32
      %mul3A_76 = arith.muli %arg1, %mul3A_75 : i32
      %mul3A_77 = arith.constant 32 : i32
      %mul3A_78 = arith.muli %scan3A_74, %mul3A_77 : i32
      %add3A_79 = arith.addi %mul3A_76, %mul3A_78 : i32
      "tpu.region"() ({
        %run_scoped3A = tpu.sem_alloc : memref<!tpu.dma_semaphore, #tpu.memory_space<semaphore_mem>>
        %dma_start3A_80 = arith.constant 0 : i32
        %dma_start3A_81 = tpu.memref_slice %arg13[%add3A_79, %dma_start3A_80] : memref<10240x128xf32, #tpu.memory_space<vmem_shared>> -> memref<32x128xf32, #tpu.memory_space<vmem_shared>>
        %dma_start3A_82 = arith.constant 0 : i32
        %dma_start3A_83 = tpu.memref_slice %arg13[%add3A_79, %dma_start3A_82] : memref<10240x128xf32, #tpu.memory_space<vmem_shared>> -> memref<32x128xf32, #tpu.memory_space<vmem_shared>>
        tpu.enqueue_dma source(%arg12 : memref<32x128xf32, #tpu.memory_space<vmem>>) target(%dma_start3A_83 : memref<32x128xf32, #tpu.memory_space<vmem_shared>>) target_semaphore(%run_scoped3A : memref<!tpu.dma_semaphore, #tpu.memory_space<semaphore_mem>>)
        %dma_wait3A_84 = arith.constant 0 : i32
        %dma_wait3A_85 = tpu.memref_slice %arg13[%add3A_79, %dma_wait3A_84] : memref<10240x128xf32, #tpu.memory_space<vmem_shared>> -> memref<32x128xf32, #tpu.memory_space<vmem_shared>>
        %dma_wait3A_86 = arith.constant 0 : i32
        %dma_wait3A_87 = tpu.memref_slice %arg13[%add3A_79, %dma_wait3A_86] : memref<10240x128xf32, #tpu.memory_space<vmem_shared>> -> memref<32x128xf32, #tpu.memory_space<vmem_shared>>
        tpu.wait_dma2 semaphore(%run_scoped3A : memref<!tpu.dma_semaphore, #tpu.memory_space<semaphore_mem>>) src(%arg12 : memref<32x128xf32, #tpu.memory_space<vmem>>) dst(%dma_wait3A_87 : memref<32x128xf32, #tpu.memory_space<vmem_shared>>)
        tpu.yield
      }) : () -> ()
    }
    %scan3A_40 = arith.constant 20 : i32
    %barrier3A = arith.constant 0 : index
    tpu.barrier barrier_id(%barrier3A)
    %dma_wait3A = arith.constant 0 : i32
    %dma_wait3A_41 = arith.constant 0 : i32
    %dma_wait3A_42 = tpu.memref_slice %arg3[%add3A, %dma_wait3A, %dma_wait3A_41] : memref<32x80x128xi32, #tpu.memory_space<hbm>> -> memref<1x8x128xi32, #tpu.memory_space<hbm>>
    %dma_wait3A_43 = tpu.memref_squeeze %dma_wait3A_42 : memref<1x8x128xi32, #tpu.memory_space<hbm>> -> memref<8x128xi32, #tpu.memory_space<hbm>>
    %dma_wait3A_44 = arith.constant 0 : i32
    %dma_wait3A_45 = arith.constant 0 : i32
    %dma_wait3A_46 = tpu.memref_slice %arg3[%add3A, %dma_wait3A_44, %dma_wait3A_45] : memref<32x80x128xi32, #tpu.memory_space<hbm>> -> memref<1x8x128xi32, #tpu.memory_space<hbm>>
    %dma_wait3A_47 = tpu.memref_squeeze %dma_wait3A_46 : memref<1x8x128xi32, #tpu.memory_space<hbm>> -> memref<8x128xi32, #tpu.memory_space<hbm>>
    tpu.wait_dma2 semaphore(%arg16 : memref<!tpu.dma_semaphore, #tpu.memory_space<semaphore_mem>>) src(%dma_wait3A_47 : memref<8x128xi32, #tpu.memory_space<hbm>>) dst(%arg6 : memref<8x128xi32, #tpu.memory_space<vmem>>)
    %dma_wait3A_48 = arith.constant 0 : i32
    %dma_wait3A_49 = arith.constant 0 : i32
    %dma_wait3A_50 = tpu.memref_slice %arg4[%add3A, %dma_wait3A_48, %dma_wait3A_49] : memref<32x80x128xi32, #tpu.memory_space<hbm>> -> memref<1x8x128xi32, #tpu.memory_space<hbm>>
    %dma_wait3A_51 = tpu.memref_squeeze %dma_wait3A_50 : memref<1x8x128xi32, #tpu.memory_space<hbm>> -> memref<8x128xi32, #tpu.memory_space<hbm>>
    %dma_wait3A_52 = arith.constant 0 : i32
    %dma_wait3A_53 = arith.constant 0 : i32
    %dma_wait3A_54 = tpu.memref_slice %arg4[%add3A, %dma_wait3A_52, %dma_wait3A_53] : memref<32x80x128xi32, #tpu.memory_space<hbm>> -> memref<1x8x128xi32, #tpu.memory_space<hbm>>
    %dma_wait3A_55 = tpu.memref_squeeze %dma_wait3A_54 : memref<1x8x128xi32, #tpu.memory_space<hbm>> -> memref<8x128xi32, #tpu.memory_space<hbm>>
    tpu.wait_dma2 semaphore(%arg16 : memref<!tpu.dma_semaphore, #tpu.memory_space<semaphore_mem>>) src(%dma_wait3A_55 : memref<8x128xi32, #tpu.memory_space<hbm>>) dst(%arg7 : memref<8x128xi32, #tpu.memory_space<vmem>>)
    %dma_start3A_56 = arith.constant 0 : i32
    %dma_start3A_57 = arith.constant 0 : i32
    %dma_start3A_58 = tpu.memref_slice %arg6[%dma_start3A_56, %dma_start3A_57] : memref<8x128xi32, #tpu.memory_space<vmem>> -> memref<1x128xi32, #tpu.memory_space<vmem>>
    %dma_start3A_59 = tpu.memref_squeeze %dma_start3A_58 : memref<1x128xi32, #tpu.memory_space<vmem>> -> memref<128xi32, #tpu.memory_space<vmem>>
    %dma_start3A_60 = arith.constant 0 : i32
    %dma_start3A_61 = arith.constant 0 : i32
    %dma_start3A_62 = tpu.memref_slice %arg2[%dma_start3A_60, %dma_start3A_61] : memref<10000x128xf32, #tpu.memory_space<hbm>> -> memref<10000x128xf32, #tpu.memory_space<hbm>>
    tpu.enqueue_indirect_dma source(%dma_start3A_62 : memref<10000x128xf32, #tpu.memory_space<hbm>>) target(%arg10 : memref<128x128xf32, #tpu.memory_space<vmem>>) offsets(%dma_start3A_59 : memref<128xi32, #tpu.memory_space<vmem>>) semaphore(%arg14 : memref<!tpu.dma_semaphore, #tpu.memory_space<semaphore_mem>>)
    %scan3A_63 = arith.constant 0 : i32
    %scan3A_64 = arith.constant 5 : i32
    %scan3A_65 = arith.addi %scan3A_63, %scan3A_64 : i32
    %scan3A_66 = arith.constant 1 : i32
    scf.for %scan3A_74 = %scan3A_63 to %scan3A_65 step %scan3A_66  : i32 {
      %dma_start3A_75 = arith.constant 1 : i32
      %dma_start3A_76 = arith.constant 0 : i32
      %dma_start3A_77 = tpu.memref_slice %arg6[%dma_start3A_75, %dma_start3A_76] : memref<8x128xi32, #tpu.memory_space<vmem>> -> memref<1x128xi32, #tpu.memory_space<vmem>>
      %dma_start3A_78 = tpu.memref_squeeze %dma_start3A_77 : memref<1x128xi32, #tpu.memory_space<vmem>> -> memref<128xi32, #tpu.memory_space<vmem>>
      %dma_start3A_79 = arith.constant 0 : i32
      %dma_start3A_80 = arith.constant 0 : i32
      %dma_start3A_81 = tpu.memref_slice %arg2[%dma_start3A_79, %dma_start3A_80] : memref<10000x128xf32, #tpu.memory_space<hbm>> -> memref<10000x128xf32, #tpu.memory_space<hbm>>
      tpu.enqueue_indirect_dma source(%dma_start3A_81 : memref<10000x128xf32, #tpu.memory_space<hbm>>) target(%arg11 : memref<128x128xf32, #tpu.memory_space<vmem>>) offsets(%dma_start3A_78 : memref<128xi32, #tpu.memory_space<vmem>>) semaphore(%arg15 : memref<!tpu.dma_semaphore, #tpu.memory_space<semaphore_mem>>)
      %dma_wait3A_82 = arith.constant 0 : i32
      %dma_wait3A_83 = arith.constant 0 : i32
      %dma_wait3A_84 = tpu.memref_slice %arg6[%dma_wait3A_82, %dma_wait3A_83] : memref<8x128xi32, #tpu.memory_space<vmem>> -> memref<1x128xi32, #tpu.memory_space<vmem>>
      %dma_wait3A_85 = tpu.memref_squeeze %dma_wait3A_84 : memref<1x128xi32, #tpu.memory_space<vmem>> -> memref<128xi32, #tpu.memory_space<vmem>>
      %dma_wait3A_86 = arith.constant 0 : i32
      %dma_wait3A_87 = arith.constant 0 : i32
      %dma_wait3A_88 = tpu.memref_slice %arg2[%dma_wait3A_86, %dma_wait3A_87] : memref<10000x128xf32, #tpu.memory_space<hbm>> -> memref<10000x128xf32, #tpu.memory_space<hbm>>
      tpu.wait_indirect_dma semaphore(%arg14 : memref<!tpu.dma_semaphore, #tpu.memory_space<semaphore_mem>>) src(%dma_wait3A_88 : memref<10000x128xf32, #tpu.memory_space<hbm>>) dst(%arg10 : memref<128x128xf32, #tpu.memory_space<vmem>>)
      %run_scoped3A = arith.constant 0 : i32
      "tpu.region"() ({
        %run_scoped3A_339 = tpu.sem_alloc : memref<!tpu.dma_semaphore, #tpu.memory_space<semaphore_mem>>
        %dma_start3A_340 = arith.constant 0 : i32
        %dma_start3A_341 = tpu.memref_slice %arg7[%run_scoped3A, %dma_start3A_340] : memref<8x128xi32, #tpu.memory_space<vmem>> -> memref<1x128xi32, #tpu.memory_space<vmem>>
        %dma_start3A_342 = tpu.memref_squeeze %dma_start3A_341 : memref<1x128xi32, #tpu.memory_space<vmem>> -> memref<128xi32, #tpu.memory_space<vmem>>
        %dma_start3A_343 = arith.constant 0 : i32
        %dma_start3A_344 = arith.constant 0 : i32
        %dma_start3A_345 = tpu.memref_slice %arg13[%dma_start3A_343, %dma_start3A_344] : memref<10240x128xf32, #tpu.memory_space<vmem_shared>> -> memref<10240x128xf32, #tpu.memory_space<vmem_shared>>
        tpu.enqueue_indirect_dma source(%arg10 : memref<128x128xf32, #tpu.memory_space<vmem>>) target(%dma_start3A_345 : memref<10240x128xf32, #tpu.memory_space<vmem_shared>>) offsets(%dma_start3A_342 : memref<128xi32, #tpu.memory_space<vmem>>) semaphore(%run_scoped3A_339 : memref<!tpu.dma_semaphore, #tpu.memory_space<semaphore_mem>>) {add = true}
        %dma_wait3A_346 = arith.constant 0 : i32
        %dma_wait3A_347 = tpu.memref_slice %arg7[%run_scoped3A, %dma_wait3A_346] : memref<8x128xi32, #tpu.memory_space<vmem>> -> memref<1x128xi32, #tpu.memory_space<vmem>>
        %dma_wait3A_348 = tpu.memref_squeeze %dma_wait3A_347 : memref<1x128xi32, #tpu.memory_space<vmem>> -> memref<128xi32, #tpu.memory_space<vmem>>
        %dma_wait3A_349 = arith.constant 0 : i32
        %dma_wait3A_350 = arith.constant 0 : i32
        %dma_wait3A_351 = tpu.memref_slice %arg13[%dma_wait3A_349, %dma_wait3A_350] : memref<10240x128xf32, #tpu.memory_space<vmem_shared>> -> memref<10240x128xf32, #tpu.memory_space<vmem_shared>>
        tpu.wait_indirect_dma semaphore(%run_scoped3A_339 : memref<!tpu.dma_semaphore, #tpu.memory_space<semaphore_mem>>) src(%arg10 : memref<128x128xf32, #tpu.memory_space<vmem>>) dst(%dma_wait3A_351 : memref<10240x128xf32, #tpu.memory_space<vmem_shared>>)
        tpu.yield
      }) : () -> ()
      %dma_start3A_89 = arith.constant 2 : i32
      %dma_start3A_90 = arith.constant 0 : i32
      %dma_start3A_91 = tpu.memref_slice %arg6[%dma_start3A_89, %dma_start3A_90] : memref<8x128xi32, #tpu.memory_space<vmem>> -> memref<1x128xi32, #tpu.memory_space<vmem>>
      %dma_start3A_92 = tpu.memref_squeeze %dma_start3A_91 : memref<1x128xi32, #tpu.memory_space<vmem>> -> memref<128xi32, #tpu.memory_space<vmem>>
      %dma_start3A_93 = arith.constant 0 : i32
      %dma_start3A_94 = arith.constant 0 : i32
      %dma_start3A_95 = tpu.memref_slice %arg2[%dma_start3A_93, %dma_start3A_94] : memref<10000x128xf32, #tpu.memory_space<hbm>> -> memref<10000x128xf32, #tpu.memory_space<hbm>>
      tpu.enqueue_indirect_dma source(%dma_start3A_95 : memref<10000x128xf32, #tpu.memory_space<hbm>>) target(%arg10 : memref<128x128xf32, #tpu.memory_space<vmem>>) offsets(%dma_start3A_92 : memref<128xi32, #tpu.memory_space<vmem>>) semaphore(%arg14 : memref<!tpu.dma_semaphore, #tpu.memory_space<semaphore_mem>>)
      %dma_wait3A_96 = arith.constant 1 : i32
      %dma_wait3A_97 = arith.constant 0 : i32
      %dma_wait3A_98 = tpu.memref_slice %arg6[%dma_wait3A_96, %dma_wait3A_97] : memref<8x128xi32, #tpu.memory_space<vmem>> -> memref<1x128xi32, #tpu.memory_space<vmem>>
      %dma_wait3A_99 = tpu.memref_squeeze %dma_wait3A_98 : memref<1x128xi32, #tpu.memory_space<vmem>> -> memref<128xi32, #tpu.memory_space<vmem>>
      %dma_wait3A_100 = arith.constant 0 : i32
      %dma_wait3A_101 = arith.constant 0 : i32
      %dma_wait3A_102 = tpu.memref_slice %arg2[%dma_wait3A_100, %dma_wait3A_101] : memref<10000x128xf32, #tpu.memory_space<hbm>> -> memref<10000x128xf32, #tpu.memory_space<hbm>>
      tpu.wait_indirect_dma semaphore(%arg15 : memref<!tpu.dma_semaphore, #tpu.memory_space<semaphore_mem>>) src(%dma_wait3A_102 : memref<10000x128xf32, #tpu.memory_space<hbm>>) dst(%arg11 : memref<128x128xf32, #tpu.memory_space<vmem>>)
      %run_scoped3A_103 = arith.constant 1 : i32
      "tpu.region"() ({
        %run_scoped3A_339 = tpu.sem_alloc : memref<!tpu.dma_semaphore, #tpu.memory_space<semaphore_mem>>
        %dma_start3A_340 = arith.constant 0 : i32
        %dma_start3A_341 = tpu.memref_slice %arg7[%run_scoped3A_103, %dma_start3A_340] : memref<8x128xi32, #tpu.memory_space<vmem>> -> memref<1x128xi32, #tpu.memory_space<vmem>>
        %dma_start3A_342 = tpu.memref_squeeze %dma_start3A_341 : memref<1x128xi32, #tpu.memory_space<vmem>> -> memref<128xi32, #tpu.memory_space<vmem>>
        %dma_start3A_343 = arith.constant 0 : i32
        %dma_start3A_344 = arith.constant 0 : i32
        %dma_start3A_345 = tpu.memref_slice %arg13[%dma_start3A_343, %dma_start3A_344] : memref<10240x128xf32, #tpu.memory_space<vmem_shared>> -> memref<10240x128xf32, #tpu.memory_space<vmem_shared>>
        tpu.enqueue_indirect_dma source(%arg11 : memref<128x128xf32, #tpu.memory_space<vmem>>) target(%dma_start3A_345 : memref<10240x128xf32, #tpu.memory_space<vmem_shared>>) offsets(%dma_start3A_342 : memref<128xi32, #tpu.memory_space<vmem>>) semaphore(%run_scoped3A_339 : memref<!tpu.dma_semaphore, #tpu.memory_space<semaphore_mem>>) {add = true}
        %dma_wait3A_346 = arith.constant 0 : i32
        %dma_wait3A_347 = tpu.memref_slice %arg7[%run_scoped3A_103, %dma_wait3A_346] : memref<8x128xi32, #tpu.memory_space<vmem>> -> memref<1x128xi32, #tpu.memory_space<vmem>>
        %dma_wait3A_348 = tpu.memref_squeeze %dma_wait3A_347 : memref<1x128xi32, #tpu.memory_space<vmem>> -> memref<128xi32, #tpu.memory_space<vmem>>
        %dma_wait3A_349 = arith.constant 0 : i32
        %dma_wait3A_350 = arith.constant 0 : i32
        %dma_wait3A_351 = tpu.memref_slice %arg13[%dma_wait3A_349, %dma_wait3A_350] : memref<10240x128xf32, #tpu.memory_space<vmem_shared>> -> memref<10240x128xf32, #tpu.memory_space<vmem_shared>>
        tpu.wait_indirect_dma semaphore(%run_scoped3A_339 : memref<!tpu.dma_semaphore, #tpu.memory_space<semaphore_mem>>) src(%arg11 : memref<128x128xf32, #tpu.memory_space<vmem>>) dst(%dma_wait3A_351 : memref<10240x128xf32, #tpu.memory_space<vmem_shared>>)
        tpu.yield
      }) : () -> ()
      %dma_start3A_104 = arith.constant 3 : i32
      %dma_start3A_105 = arith.constant 0 : i32
      %dma_start3A_106 = tpu.memref_slice %arg6[%dma_start3A_104, %dma_start3A_105] : memref<8x128xi32, #tpu.memory_space<vmem>> -> memref<1x128xi32, #tpu.memory_space<vmem>>
      %dma_start3A_107 = tpu.memref_squeeze %dma_start3A_106 : memref<1x128xi32, #tpu.memory_space<vmem>> -> memref<128xi32, #tpu.memory_space<vmem>>
      %dma_start3A_108 = arith.constant 0 : i32
      %dma_start3A_109 = arith.constant 0 : i32
      %dma_start3A_110 = tpu.memref_slice %arg2[%dma_start3A_108, %dma_start3A_109] : memref<10000x128xf32, #tpu.memory_space<hbm>> -> memref<10000x128xf32, #tpu.memory_space<hbm>>
      tpu.enqueue_indirect_dma source(%dma_start3A_110 : memref<10000x128xf32, #tpu.memory_space<hbm>>) target(%arg11 : memref<128x128xf32, #tpu.memory_space<vmem>>) offsets(%dma_start3A_107 : memref<128xi32, #tpu.memory_space<vmem>>) semaphore(%arg15 : memref<!tpu.dma_semaphore, #tpu.memory_space<semaphore_mem>>)
      %dma_wait3A_111 = arith.constant 2 : i32
      %dma_wait3A_112 = arith.constant 0 : i32
      %dma_wait3A_113 = tpu.memref_slice %arg6[%dma_wait3A_111, %dma_wait3A_112] : memref<8x128xi32, #tpu.memory_space<vmem>> -> memref<1x128xi32, #tpu.memory_space<vmem>>
      %dma_wait3A_114 = tpu.memref_squeeze %dma_wait3A_113 : memref<1x128xi32, #tpu.memory_space<vmem>> -> memref<128xi32, #tpu.memory_space<vmem>>
      %dma_wait3A_115 = arith.constant 0 : i32
      %dma_wait3A_116 = arith.constant 0 : i32
      %dma_wait3A_117 = tpu.memref_slice %arg2[%dma_wait3A_115, %dma_wait3A_116] : memref<10000x128xf32, #tpu.memory_space<hbm>> -> memref<10000x128xf32, #tpu.memory_space<hbm>>
      tpu.wait_indirect_dma semaphore(%arg14 : memref<!tpu.dma_semaphore, #tpu.memory_space<semaphore_mem>>) src(%dma_wait3A_117 : memref<10000x128xf32, #tpu.memory_space<hbm>>) dst(%arg10 : memref<128x128xf32, #tpu.memory_space<vmem>>)
      %run_scoped3A_118 = arith.constant 2 : i32
      "tpu.region"() ({
        %run_scoped3A_339 = tpu.sem_alloc : memref<!tpu.dma_semaphore, #tpu.memory_space<semaphore_mem>>
        %dma_start3A_340 = arith.constant 0 : i32
        %dma_start3A_341 = tpu.memref_slice %arg7[%run_scoped3A_118, %dma_start3A_340] : memref<8x128xi32, #tpu.memory_space<vmem>> -> memref<1x128xi32, #tpu.memory_space<vmem>>
        %dma_start3A_342 = tpu.memref_squeeze %dma_start3A_341 : memref<1x128xi32, #tpu.memory_space<vmem>> -> memref<128xi32, #tpu.memory_space<vmem>>
        %dma_start3A_343 = arith.constant 0 : i32
        %dma_start3A_344 = arith.constant 0 : i32
        %dma_start3A_345 = tpu.memref_slice %arg13[%dma_start3A_343, %dma_start3A_344] : memref<10240x128xf32, #tpu.memory_space<vmem_shared>> -> memref<10240x128xf32, #tpu.memory_space<vmem_shared>>
        tpu.enqueue_indirect_dma source(%arg10 : memref<128x128xf32, #tpu.memory_space<vmem>>) target(%dma_start3A_345 : memref<10240x128xf32, #tpu.memory_space<vmem_shared>>) offsets(%dma_start3A_342 : memref<128xi32, #tpu.memory_space<vmem>>) semaphore(%run_scoped3A_339 : memref<!tpu.dma_semaphore, #tpu.memory_space<semaphore_mem>>) {add = true}
        %dma_wait3A_346 = arith.constant 0 : i32
        %dma_wait3A_347 = tpu.memref_slice %arg7[%run_scoped3A_118, %dma_wait3A_346] : memref<8x128xi32, #tpu.memory_space<vmem>> -> memref<1x128xi32, #tpu.memory_space<vmem>>
        %dma_wait3A_348 = tpu.memref_squeeze %dma_wait3A_347 : memref<1x128xi32, #tpu.memory_space<vmem>> -> memref<128xi32, #tpu.memory_space<vmem>>
        %dma_wait3A_349 = arith.constant 0 : i32
        %dma_wait3A_350 = arith.constant 0 : i32
        %dma_wait3A_351 = tpu.memref_slice %arg13[%dma_wait3A_349, %dma_wait3A_350] : memref<10240x128xf32, #tpu.memory_space<vmem_shared>> -> memref<10240x128xf32, #tpu.memory_space<vmem_shared>>
        tpu.wait_indirect_dma semaphore(%run_scoped3A_339 : memref<!tpu.dma_semaphore, #tpu.memory_space<semaphore_mem>>) src(%arg10 : memref<128x128xf32, #tpu.memory_space<vmem>>) dst(%dma_wait3A_351 : memref<10240x128xf32, #tpu.memory_space<vmem_shared>>)
        tpu.yield
      }) : () -> ()
      %dma_start3A_119 = arith.constant 4 : i32
      %dma_start3A_120 = arith.constant 0 : i32
      %dma_start3A_121 = tpu.memref_slice %arg6[%dma_start3A_119, %dma_start3A_120] : memref<8x128xi32, #tpu.memory_space<vmem>> -> memref<1x128xi32, #tpu.memory_space<vmem>>
      %dma_start3A_122 = tpu.memref_squeeze %dma_start3A_121 : memref<1x128xi32, #tpu.memory_space<vmem>> -> memref<128xi32, #tpu.memory_space<vmem>>
      %dma_start3A_123 = arith.constant 0 : i32
      %dma_start3A_124 = arith.constant 0 : i32
      %dma_start3A_125 = tpu.memref_slice %arg2[%dma_start3A_123, %dma_start3A_124] : memref<10000x128xf32, #tpu.memory_space<hbm>> -> memref<10000x128xf32, #tpu.memory_space<hbm>>
      tpu.enqueue_indirect_dma source(%dma_start3A_125 : memref<10000x128xf32, #tpu.memory_space<hbm>>) target(%arg10 : memref<128x128xf32, #tpu.memory_space<vmem>>) offsets(%dma_start3A_122 : memref<128xi32, #tpu.memory_space<vmem>>) semaphore(%arg14 : memref<!tpu.dma_semaphore, #tpu.memory_space<semaphore_mem>>)
      %dma_wait3A_126 = arith.constant 3 : i32
      %dma_wait3A_127 = arith.constant 0 : i32
      %dma_wait3A_128 = tpu.memref_slice %arg6[%dma_wait3A_126, %dma_wait3A_127] : memref<8x128xi32, #tpu.memory_space<vmem>> -> memref<1x128xi32, #tpu.memory_space<vmem>>
      %dma_wait3A_129 = tpu.memref_squeeze %dma_wait3A_128 : memref<1x128xi32, #tpu.memory_space<vmem>> -> memref<128xi32, #tpu.memory_space<vmem>>
      %dma_wait3A_130 = arith.constant 0 : i32
      %dma_wait3A_131 = arith.constant 0 : i32
      %dma_wait3A_132 = tpu.memref_slice %arg2[%dma_wait3A_130, %dma_wait3A_131] : memref<10000x128xf32, #tpu.memory_space<hbm>> -> memref<10000x128xf32, #tpu.memory_space<hbm>>
      tpu.wait_indirect_dma semaphore(%arg15 : memref<!tpu.dma_semaphore, #tpu.memory_space<semaphore_mem>>) src(%dma_wait3A_132 : memref<10000x128xf32, #tpu.memory_space<hbm>>) dst(%arg11 : memref<128x128xf32, #tpu.memory_space<vmem>>)
      %run_scoped3A_133 = arith.constant 3 : i32
      "tpu.region"() ({
        %run_scoped3A_339 = tpu.sem_alloc : memref<!tpu.dma_semaphore, #tpu.memory_space<semaphore_mem>>
        %dma_start3A_340 = arith.constant 0 : i32
        %dma_start3A_341 = tpu.memref_slice %arg7[%run_scoped3A_133, %dma_start3A_340] : memref<8x128xi32, #tpu.memory_space<vmem>> -> memref<1x128xi32, #tpu.memory_space<vmem>>
        %dma_start3A_342 = tpu.memref_squeeze %dma_start3A_341 : memref<1x128xi32, #tpu.memory_space<vmem>> -> memref<128xi32, #tpu.memory_space<vmem>>
        %dma_start3A_343 = arith.constant 0 : i32
        %dma_start3A_344 = arith.constant 0 : i32
        %dma_start3A_345 = tpu.memref_slice %arg13[%dma_start3A_343, %dma_start3A_344] : memref<10240x128xf32, #tpu.memory_space<vmem_shared>> -> memref<10240x128xf32, #tpu.memory_space<vmem_shared>>
        tpu.enqueue_indirect_dma source(%arg11 : memref<128x128xf32, #tpu.memory_space<vmem>>) target(%dma_start3A_345 : memref<10240x128xf32, #tpu.memory_space<vmem_shared>>) offsets(%dma_start3A_342 : memref<128xi32, #tpu.memory_space<vmem>>) semaphore(%run_scoped3A_339 : memref<!tpu.dma_semaphore, #tpu.memory_space<semaphore_mem>>) {add = true}
        %dma_wait3A_346 = arith.constant 0 : i32
        %dma_wait3A_347 = tpu.memref_slice %arg7[%run_scoped3A_133, %dma_wait3A_346] : memref<8x128xi32, #tpu.memory_space<vmem>> -> memref<1x128xi32, #tpu.memory_space<vmem>>
        %dma_wait3A_348 = tpu.memref_squeeze %dma_wait3A_347 : memref<1x128xi32, #tpu.memory_space<vmem>> -> memref<128xi32, #tpu.memory_space<vmem>>
        %dma_wait3A_349 = arith.constant 0 : i32
        %dma_wait3A_350 = arith.constant 0 : i32
        %dma_wait3A_351 = tpu.memref_slice %arg13[%dma_wait3A_349, %dma_wait3A_350] : memref<10240x128xf32, #tpu.memory_space<vmem_shared>> -> memref<10240x128xf32, #tpu.memory_space<vmem_shared>>
        tpu.wait_indirect_dma semaphore(%run_scoped3A_339 : memref<!tpu.dma_semaphore, #tpu.memory_space<semaphore_mem>>) src(%arg11 : memref<128x128xf32, #tpu.memory_space<vmem>>) dst(%dma_wait3A_351 : memref<10240x128xf32, #tpu.memory_space<vmem_shared>>)
        tpu.yield
      }) : () -> ()
      %dma_start3A_134 = arith.constant 5 : i32
      %dma_start3A_135 = arith.constant 0 : i32
      %dma_start3A_136 = tpu.memref_slice %arg6[%dma_start3A_134, %dma_start3A_135] : memref<8x128xi32, #tpu.memory_space<vmem>> -> memref<1x128xi32, #tpu.memory_space<vmem>>
      %dma_start3A_137 = tpu.memref_squeeze %dma_start3A_136 : memref<1x128xi32, #tpu.memory_space<vmem>> -> memref<128xi32, #tpu.memory_space<vmem>>
      %dma_start3A_138 = arith.constant 0 : i32
      %dma_start3A_139 = arith.constant 0 : i32
      %dma_start3A_140 = tpu.memref_slice %arg2[%dma_start3A_138, %dma_start3A_139] : memref<10000x128xf32, #tpu.memory_space<hbm>> -> memref<10000x128xf32, #tpu.memory_space<hbm>>
      tpu.enqueue_indirect_dma source(%dma_start3A_140 : memref<10000x128xf32, #tpu.memory_space<hbm>>) target(%arg11 : memref<128x128xf32, #tpu.memory_space<vmem>>) offsets(%dma_start3A_137 : memref<128xi32, #tpu.memory_space<vmem>>) semaphore(%arg15 : memref<!tpu.dma_semaphore, #tpu.memory_space<semaphore_mem>>)
      %dma_wait3A_141 = arith.constant 4 : i32
      %dma_wait3A_142 = arith.constant 0 : i32
      %dma_wait3A_143 = tpu.memref_slice %arg6[%dma_wait3A_141, %dma_wait3A_142] : memref<8x128xi32, #tpu.memory_space<vmem>> -> memref<1x128xi32, #tpu.memory_space<vmem>>
      %dma_wait3A_144 = tpu.memref_squeeze %dma_wait3A_143 : memref<1x128xi32, #tpu.memory_space<vmem>> -> memref<128xi32, #tpu.memory_space<vmem>>
      %dma_wait3A_145 = arith.constant 0 : i32
      %dma_wait3A_146 = arith.constant 0 : i32
      %dma_wait3A_147 = tpu.memref_slice %arg2[%dma_wait3A_145, %dma_wait3A_146] : memref<10000x128xf32, #tpu.memory_space<hbm>> -> memref<10000x128xf32, #tpu.memory_space<hbm>>
      tpu.wait_indirect_dma semaphore(%arg14 : memref<!tpu.dma_semaphore, #tpu.memory_space<semaphore_mem>>) src(%dma_wait3A_147 : memref<10000x128xf32, #tpu.memory_space<hbm>>) dst(%arg10 : memref<128x128xf32, #tpu.memory_space<vmem>>)
      %run_scoped3A_148 = arith.constant 4 : i32
      "tpu.region"() ({
        %run_scoped3A_339 = tpu.sem_alloc : memref<!tpu.dma_semaphore, #tpu.memory_space<semaphore_mem>>
        %dma_start3A_340 = arith.constant 0 : i32
        %dma_start3A_341 = tpu.memref_slice %arg7[%run_scoped3A_148, %dma_start3A_340] : memref<8x128xi32, #tpu.memory_space<vmem>> -> memref<1x128xi32, #tpu.memory_space<vmem>>
        %dma_start3A_342 = tpu.memref_squeeze %dma_start3A_341 : memref<1x128xi32, #tpu.memory_space<vmem>> -> memref<128xi32, #tpu.memory_space<vmem>>
        %dma_start3A_343 = arith.constant 0 : i32
        %dma_start3A_344 = arith.constant 0 : i32
        %dma_start3A_345 = tpu.memref_slice %arg13[%dma_start3A_343, %dma_start3A_344] : memref<10240x128xf32, #tpu.memory_space<vmem_shared>> -> memref<10240x128xf32, #tpu.memory_space<vmem_shared>>
        tpu.enqueue_indirect_dma source(%arg10 : memref<128x128xf32, #tpu.memory_space<vmem>>) target(%dma_start3A_345 : memref<10240x128xf32, #tpu.memory_space<vmem_shared>>) offsets(%dma_start3A_342 : memref<128xi32, #tpu.memory_space<vmem>>) semaphore(%run_scoped3A_339 : memref<!tpu.dma_semaphore, #tpu.memory_space<semaphore_mem>>) {add = true}
        %dma_wait3A_346 = arith.constant 0 : i32
        %dma_wait3A_347 = tpu.memref_slice %arg7[%run_scoped3A_148, %dma_wait3A_346] : memref<8x128xi32, #tpu.memory_space<vmem>> -> memref<1x128xi32, #tpu.memory_space<vmem>>
        %dma_wait3A_348 = tpu.memref_squeeze %dma_wait3A_347 : memref<1x128xi32, #tpu.memory_space<vmem>> -> memref<128xi32, #tpu.memory_space<vmem>>
        %dma_wait3A_349 = arith.constant 0 : i32
        %dma_wait3A_350 = arith.constant 0 : i32
        %dma_wait3A_351 = tpu.memref_slice %arg13[%dma_wait3A_349, %dma_wait3A_350] : memref<10240x128xf32, #tpu.memory_space<vmem_shared>> -> memref<10240x128xf32, #tpu.memory_space<vmem_shared>>
        tpu.wait_indirect_dma semaphore(%run_scoped3A_339 : memref<!tpu.dma_semaphore, #tpu.memory_space<semaphore_mem>>) src(%arg10 : memref<128x128xf32, #tpu.memory_space<vmem>>) dst(%dma_wait3A_351 : memref<10240x128xf32, #tpu.memory_space<vmem_shared>>)
        tpu.yield
      }) : () -> ()
      %dma_start3A_149 = arith.constant 6 : i32
      %dma_start3A_150 = arith.constant 0 : i32
      %dma_start3A_151 = tpu.memref_slice %arg6[%dma_start3A_149, %dma_start3A_150] : memref<8x128xi32, #tpu.memory_space<vmem>> -> memref<1x128xi32, #tpu.memory_space<vmem>>
      %dma_start3A_152 = tpu.memref_squeeze %dma_start3A_151 : memref<1x128xi32, #tpu.memory_space<vmem>> -> memref<128xi32, #tpu.memory_space<vmem>>
      %dma_start3A_153 = arith.constant 0 : i32
      %dma_start3A_154 = arith.constant 0 : i32
      %dma_start3A_155 = tpu.memref_slice %arg2[%dma_start3A_153, %dma_start3A_154] : memref<10000x128xf32, #tpu.memory_space<hbm>> -> memref<10000x128xf32, #tpu.memory_space<hbm>>
      tpu.enqueue_indirect_dma source(%dma_start3A_155 : memref<10000x128xf32, #tpu.memory_space<hbm>>) target(%arg10 : memref<128x128xf32, #tpu.memory_space<vmem>>) offsets(%dma_start3A_152 : memref<128xi32, #tpu.memory_space<vmem>>) semaphore(%arg14 : memref<!tpu.dma_semaphore, #tpu.memory_space<semaphore_mem>>)
      %dma_wait3A_156 = arith.constant 5 : i32
      %dma_wait3A_157 = arith.constant 0 : i32
      %dma_wait3A_158 = tpu.memref_slice %arg6[%dma_wait3A_156, %dma_wait3A_157] : memref<8x128xi32, #tpu.memory_space<vmem>> -> memref<1x128xi32, #tpu.memory_space<vmem>>
      %dma_wait3A_159 = tpu.memref_squeeze %dma_wait3A_158 : memref<1x128xi32, #tpu.memory_space<vmem>> -> memref<128xi32, #tpu.memory_space<vmem>>
      %dma_wait3A_160 = arith.constant 0 : i32
      %dma_wait3A_161 = arith.constant 0 : i32
      %dma_wait3A_162 = tpu.memref_slice %arg2[%dma_wait3A_160, %dma_wait3A_161] : memref<10000x128xf32, #tpu.memory_space<hbm>> -> memref<10000x128xf32, #tpu.memory_space<hbm>>
      tpu.wait_indirect_dma semaphore(%arg15 : memref<!tpu.dma_semaphore, #tpu.memory_space<semaphore_mem>>) src(%dma_wait3A_162 : memref<10000x128xf32, #tpu.memory_space<hbm>>) dst(%arg11 : memref<128x128xf32, #tpu.memory_space<vmem>>)
      %run_scoped3A_163 = arith.constant 5 : i32
      "tpu.region"() ({
        %run_scoped3A_339 = tpu.sem_alloc : memref<!tpu.dma_semaphore, #tpu.memory_space<semaphore_mem>>
        %dma_start3A_340 = arith.constant 0 : i32
        %dma_start3A_341 = tpu.memref_slice %arg7[%run_scoped3A_163, %dma_start3A_340] : memref<8x128xi32, #tpu.memory_space<vmem>> -> memref<1x128xi32, #tpu.memory_space<vmem>>
        %dma_start3A_342 = tpu.memref_squeeze %dma_start3A_341 : memref<1x128xi32, #tpu.memory_space<vmem>> -> memref<128xi32, #tpu.memory_space<vmem>>
        %dma_start3A_343 = arith.constant 0 : i32
        %dma_start3A_344 = arith.constant 0 : i32
        %dma_start3A_345 = tpu.memref_slice %arg13[%dma_start3A_343, %dma_start3A_344] : memref<10240x128xf32, #tpu.memory_space<vmem_shared>> -> memref<10240x128xf32, #tpu.memory_space<vmem_shared>>
        tpu.enqueue_indirect_dma source(%arg11 : memref<128x128xf32, #tpu.memory_space<vmem>>) target(%dma_start3A_345 : memref<10240x128xf32, #tpu.memory_space<vmem_shared>>) offsets(%dma_start3A_342 : memref<128xi32, #tpu.memory_space<vmem>>) semaphore(%run_scoped3A_339 : memref<!tpu.dma_semaphore, #tpu.memory_space<semaphore_mem>>) {add = true}
        %dma_wait3A_346 = arith.constant 0 : i32
        %dma_wait3A_347 = tpu.memref_slice %arg7[%run_scoped3A_163, %dma_wait3A_346] : memref<8x128xi32, #tpu.memory_space<vmem>> -> memref<1x128xi32, #tpu.memory_space<vmem>>
        %dma_wait3A_348 = tpu.memref_squeeze %dma_wait3A_347 : memref<1x128xi32, #tpu.memory_space<vmem>> -> memref<128xi32, #tpu.memory_space<vmem>>
        %dma_wait3A_349 = arith.constant 0 : i32
        %dma_wait3A_350 = arith.constant 0 : i32
        %dma_wait3A_351 = tpu.memref_slice %arg13[%dma_wait3A_349, %dma_wait3A_350] : memref<10240x128xf32, #tpu.memory_space<vmem_shared>> -> memref<10240x128xf32, #tpu.memory_space<vmem_shared>>
        tpu.wait_indirect_dma semaphore(%run_scoped3A_339 : memref<!tpu.dma_semaphore, #tpu.memory_space<semaphore_mem>>) src(%arg11 : memref<128x128xf32, #tpu.memory_space<vmem>>) dst(%dma_wait3A_351 : memref<10240x128xf32, #tpu.memory_space<vmem_shared>>)
        tpu.yield
      }) : () -> ()
      %dma_start3A_164 = arith.constant 7 : i32
      %dma_start3A_165 = arith.constant 0 : i32
      %dma_start3A_166 = tpu.memref_slice %arg6[%dma_start3A_164, %dma_start3A_165] : memref<8x128xi32, #tpu.memory_space<vmem>> -> memref<1x128xi32, #tpu.memory_space<vmem>>
      %dma_start3A_167 = tpu.memref_squeeze %dma_start3A_166 : memref<1x128xi32, #tpu.memory_space<vmem>> -> memref<128xi32, #tpu.memory_space<vmem>>
      %dma_start3A_168 = arith.constant 0 : i32
      %dma_start3A_169 = arith.constant 0 : i32
      %dma_start3A_170 = tpu.memref_slice %arg2[%dma_start3A_168, %dma_start3A_169] : memref<10000x128xf32, #tpu.memory_space<hbm>> -> memref<10000x128xf32, #tpu.memory_space<hbm>>
      tpu.enqueue_indirect_dma source(%dma_start3A_170 : memref<10000x128xf32, #tpu.memory_space<hbm>>) target(%arg11 : memref<128x128xf32, #tpu.memory_space<vmem>>) offsets(%dma_start3A_167 : memref<128xi32, #tpu.memory_space<vmem>>) semaphore(%arg15 : memref<!tpu.dma_semaphore, #tpu.memory_space<semaphore_mem>>)
      %dma_wait3A_171 = arith.constant 6 : i32
      %dma_wait3A_172 = arith.constant 0 : i32
      %dma_wait3A_173 = tpu.memref_slice %arg6[%dma_wait3A_171, %dma_wait3A_172] : memref<8x128xi32, #tpu.memory_space<vmem>> -> memref<1x128xi32, #tpu.memory_space<vmem>>
      %dma_wait3A_174 = tpu.memref_squeeze %dma_wait3A_173 : memref<1x128xi32, #tpu.memory_space<vmem>> -> memref<128xi32, #tpu.memory_space<vmem>>
      %dma_wait3A_175 = arith.constant 0 : i32
      %dma_wait3A_176 = arith.constant 0 : i32
      %dma_wait3A_177 = tpu.memref_slice %arg2[%dma_wait3A_175, %dma_wait3A_176] : memref<10000x128xf32, #tpu.memory_space<hbm>> -> memref<10000x128xf32, #tpu.memory_space<hbm>>
      tpu.wait_indirect_dma semaphore(%arg14 : memref<!tpu.dma_semaphore, #tpu.memory_space<semaphore_mem>>) src(%dma_wait3A_177 : memref<10000x128xf32, #tpu.memory_space<hbm>>) dst(%arg10 : memref<128x128xf32, #tpu.memory_space<vmem>>)
      %run_scoped3A_178 = arith.constant 6 : i32
      "tpu.region"() ({
        %run_scoped3A_339 = tpu.sem_alloc : memref<!tpu.dma_semaphore, #tpu.memory_space<semaphore_mem>>
        %dma_start3A_340 = arith.constant 0 : i32
        %dma_start3A_341 = tpu.memref_slice %arg7[%run_scoped3A_178, %dma_start3A_340] : memref<8x128xi32, #tpu.memory_space<vmem>> -> memref<1x128xi32, #tpu.memory_space<vmem>>
        %dma_start3A_342 = tpu.memref_squeeze %dma_start3A_341 : memref<1x128xi32, #tpu.memory_space<vmem>> -> memref<128xi32, #tpu.memory_space<vmem>>
        %dma_start3A_343 = arith.constant 0 : i32
        %dma_start3A_344 = arith.constant 0 : i32
        %dma_start3A_345 = tpu.memref_slice %arg13[%dma_start3A_343, %dma_start3A_344] : memref<10240x128xf32, #tpu.memory_space<vmem_shared>> -> memref<10240x128xf32, #tpu.memory_space<vmem_shared>>
        tpu.enqueue_indirect_dma source(%arg10 : memref<128x128xf32, #tpu.memory_space<vmem>>) target(%dma_start3A_345 : memref<10240x128xf32, #tpu.memory_space<vmem_shared>>) offsets(%dma_start3A_342 : memref<128xi32, #tpu.memory_space<vmem>>) semaphore(%run_scoped3A_339 : memref<!tpu.dma_semaphore, #tpu.memory_space<semaphore_mem>>) {add = true}
        %dma_wait3A_346 = arith.constant 0 : i32
        %dma_wait3A_347 = tpu.memref_slice %arg7[%run_scoped3A_178, %dma_wait3A_346] : memref<8x128xi32, #tpu.memory_space<vmem>> -> memref<1x128xi32, #tpu.memory_space<vmem>>
        %dma_wait3A_348 = tpu.memref_squeeze %dma_wait3A_347 : memref<1x128xi32, #tpu.memory_space<vmem>> -> memref<128xi32, #tpu.memory_space<vmem>>
        %dma_wait3A_349 = arith.constant 0 : i32
        %dma_wait3A_350 = arith.constant 0 : i32
        %dma_wait3A_351 = tpu.memref_slice %arg13[%dma_wait3A_349, %dma_wait3A_350] : memref<10240x128xf32, #tpu.memory_space<vmem_shared>> -> memref<10240x128xf32, #tpu.memory_space<vmem_shared>>
        tpu.wait_indirect_dma semaphore(%run_scoped3A_339 : memref<!tpu.dma_semaphore, #tpu.memory_space<semaphore_mem>>) src(%arg10 : memref<128x128xf32, #tpu.memory_space<vmem>>) dst(%dma_wait3A_351 : memref<10240x128xf32, #tpu.memory_space<vmem_shared>>)
        tpu.yield
      }) : () -> ()
      %mul3A_179 = arith.constant 2 : i32
      %mul3A_180 = arith.muli %mul3A_179, %scan3A_74 : i32
      %add3A_181 = arith.constant 1 : i32
      %add3A_182 = arith.addi %mul3A_180, %add3A_181 : i32
      %mul3A_183 = arith.constant 8 : i32
      %mul3A_184 = arith.muli %add3A_182, %mul3A_183 : i32
      %dma_wait3A_185 = arith.constant 0 : i32
      %dma_wait3A_186 = tpu.memref_slice %arg3[%add3A, %mul3A_184, %dma_wait3A_185] : memref<32x80x128xi32, #tpu.memory_space<hbm>> -> memref<1x8x128xi32, #tpu.memory_space<hbm>>
      %dma_wait3A_187 = tpu.memref_squeeze %dma_wait3A_186 : memref<1x8x128xi32, #tpu.memory_space<hbm>> -> memref<8x128xi32, #tpu.memory_space<hbm>>
      %dma_wait3A_188 = arith.constant 0 : i32
      %dma_wait3A_189 = tpu.memref_slice %arg3[%add3A, %mul3A_184, %dma_wait3A_188] : memref<32x80x128xi32, #tpu.memory_space<hbm>> -> memref<1x8x128xi32, #tpu.memory_space<hbm>>
      %dma_wait3A_190 = tpu.memref_squeeze %dma_wait3A_189 : memref<1x8x128xi32, #tpu.memory_space<hbm>> -> memref<8x128xi32, #tpu.memory_space<hbm>>
      tpu.wait_dma2 semaphore(%arg17 : memref<!tpu.dma_semaphore, #tpu.memory_space<semaphore_mem>>) src(%dma_wait3A_190 : memref<8x128xi32, #tpu.memory_space<hbm>>) dst(%arg8 : memref<8x128xi32, #tpu.memory_space<vmem>>)
      %mul3A_191 = arith.constant 8 : i32
      %mul3A_192 = arith.muli %add3A_182, %mul3A_191 : i32
      %dma_wait3A_193 = arith.constant 0 : i32
      %dma_wait3A_194 = tpu.memref_slice %arg4[%add3A, %mul3A_192, %dma_wait3A_193] : memref<32x80x128xi32, #tpu.memory_space<hbm>> -> memref<1x8x128xi32, #tpu.memory_space<hbm>>
      %dma_wait3A_195 = tpu.memref_squeeze %dma_wait3A_194 : memref<1x8x128xi32, #tpu.memory_space<hbm>> -> memref<8x128xi32, #tpu.memory_space<hbm>>
      %dma_wait3A_196 = arith.constant 0 : i32
      %dma_wait3A_197 = tpu.memref_slice %arg4[%add3A, %mul3A_192, %dma_wait3A_196] : memref<32x80x128xi32, #tpu.memory_space<hbm>> -> memref<1x8x128xi32, #tpu.memory_space<hbm>>
      %dma_wait3A_198 = tpu.memref_squeeze %dma_wait3A_197 : memref<1x8x128xi32, #tpu.memory_space<hbm>> -> memref<8x128xi32, #tpu.memory_space<hbm>>
      tpu.wait_dma2 semaphore(%arg17 : memref<!tpu.dma_semaphore, #tpu.memory_space<semaphore_mem>>) src(%dma_wait3A_198 : memref<8x128xi32, #tpu.memory_space<hbm>>) dst(%arg9 : memref<8x128xi32, #tpu.memory_space<vmem>>)
      %dma_start3A_199 = arith.constant 0 : i32
      %dma_start3A_200 = arith.constant 0 : i32
      %dma_start3A_201 = tpu.memref_slice %arg8[%dma_start3A_199, %dma_start3A_200] : memref<8x128xi32, #tpu.memory_space<vmem>> -> memref<1x128xi32, #tpu.memory_space<vmem>>
      %dma_start3A_202 = tpu.memref_squeeze %dma_start3A_201 : memref<1x128xi32, #tpu.memory_space<vmem>> -> memref<128xi32, #tpu.memory_space<vmem>>
      %dma_start3A_203 = arith.constant 0 : i32
      %dma_start3A_204 = arith.constant 0 : i32
      %dma_start3A_205 = tpu.memref_slice %arg2[%dma_start3A_203, %dma_start3A_204] : memref<10000x128xf32, #tpu.memory_space<hbm>> -> memref<10000x128xf32, #tpu.memory_space<hbm>>
      tpu.enqueue_indirect_dma source(%dma_start3A_205 : memref<10000x128xf32, #tpu.memory_space<hbm>>) target(%arg10 : memref<128x128xf32, #tpu.memory_space<vmem>>) offsets(%dma_start3A_202 : memref<128xi32, #tpu.memory_space<vmem>>) semaphore(%arg14 : memref<!tpu.dma_semaphore, #tpu.memory_space<semaphore_mem>>)
      %dma_wait3A_206 = arith.constant 7 : i32
      %dma_wait3A_207 = arith.constant 0 : i32
      %dma_wait3A_208 = tpu.memref_slice %arg6[%dma_wait3A_206, %dma_wait3A_207] : memref<8x128xi32, #tpu.memory_space<vmem>> -> memref<1x128xi32, #tpu.memory_space<vmem>>
      %dma_wait3A_209 = tpu.memref_squeeze %dma_wait3A_208 : memref<1x128xi32, #tpu.memory_space<vmem>> -> memref<128xi32, #tpu.memory_space<vmem>>
      %dma_wait3A_210 = arith.constant 0 : i32
      %dma_wait3A_211 = arith.constant 0 : i32
      %dma_wait3A_212 = tpu.memref_slice %arg2[%dma_wait3A_210, %dma_wait3A_211] : memref<10000x128xf32, #tpu.memory_space<hbm>> -> memref<10000x128xf32, #tpu.memory_space<hbm>>
      tpu.wait_indirect_dma semaphore(%arg15 : memref<!tpu.dma_semaphore, #tpu.memory_space<semaphore_mem>>) src(%dma_wait3A_212 : memref<10000x128xf32, #tpu.memory_space<hbm>>) dst(%arg11 : memref<128x128xf32, #tpu.memory_space<vmem>>)
      %run_scoped3A_213 = arith.constant 7 : i32
      "tpu.region"() ({
        %run_scoped3A_339 = tpu.sem_alloc : memref<!tpu.dma_semaphore, #tpu.memory_space<semaphore_mem>>
        %dma_start3A_340 = arith.constant 0 : i32
        %dma_start3A_341 = tpu.memref_slice %arg7[%run_scoped3A_213, %dma_start3A_340] : memref<8x128xi32, #tpu.memory_space<vmem>> -> memref<1x128xi32, #tpu.memory_space<vmem>>
        %dma_start3A_342 = tpu.memref_squeeze %dma_start3A_341 : memref<1x128xi32, #tpu.memory_space<vmem>> -> memref<128xi32, #tpu.memory_space<vmem>>
        %dma_start3A_343 = arith.constant 0 : i32
        %dma_start3A_344 = arith.constant 0 : i32
        %dma_start3A_345 = tpu.memref_slice %arg13[%dma_start3A_343, %dma_start3A_344] : memref<10240x128xf32, #tpu.memory_space<vmem_shared>> -> memref<10240x128xf32, #tpu.memory_space<vmem_shared>>
        tpu.enqueue_indirect_dma source(%arg11 : memref<128x128xf32, #tpu.memory_space<vmem>>) target(%dma_start3A_345 : memref<10240x128xf32, #tpu.memory_space<vmem_shared>>) offsets(%dma_start3A_342 : memref<128xi32, #tpu.memory_space<vmem>>) semaphore(%run_scoped3A_339 : memref<!tpu.dma_semaphore, #tpu.memory_space<semaphore_mem>>) {add = true}
        %dma_wait3A_346 = arith.constant 0 : i32
        %dma_wait3A_347 = tpu.memref_slice %arg7[%run_scoped3A_213, %dma_wait3A_346] : memref<8x128xi32, #tpu.memory_space<vmem>> -> memref<1x128xi32, #tpu.memory_space<vmem>>
        %dma_wait3A_348 = tpu.memref_squeeze %dma_wait3A_347 : memref<1x128xi32, #tpu.memory_space<vmem>> -> memref<128xi32, #tpu.memory_space<vmem>>
        %dma_wait3A_349 = arith.constant 0 : i32
        %dma_wait3A_350 = arith.constant 0 : i32
        %dma_wait3A_351 = tpu.memref_slice %arg13[%dma_wait3A_349, %dma_wait3A_350] : memref<10240x128xf32, #tpu.memory_space<vmem_shared>> -> memref<10240x128xf32, #tpu.memory_space<vmem_shared>>
        tpu.wait_indirect_dma semaphore(%run_scoped3A_339 : memref<!tpu.dma_semaphore, #tpu.memory_space<semaphore_mem>>) src(%arg11 : memref<128x128xf32, #tpu.memory_space<vmem>>) dst(%dma_wait3A_351 : memref<10240x128xf32, #tpu.memory_space<vmem_shared>>)
        tpu.yield
      }) : () -> ()
      %lt3A = arith.constant 4 : i32
      %lt3A_214 = arith.cmpi slt, %scan3A_74, %lt3A : i32
      %convert_element_type3A = arith.extui %lt3A_214 : i1 to i32
      %cond3A = arith.constant 0 : i32
      %cond3A_215 = arith.cmpi ne, %convert_element_type3A, %cond3A : i32
      scf.if %cond3A_215 {
        %mul3A_339 = arith.constant 2 : i32
        %mul3A_340 = arith.muli %mul3A_339, %scan3A_74 : i32
        %add3A_341 = arith.constant 2 : i32
        %add3A_342 = arith.addi %mul3A_340, %add3A_341 : i32
        %mul3A_343 = arith.constant 8 : i32
        %mul3A_344 = arith.muli %add3A_342, %mul3A_343 : i32
        %dma_start3A_345 = arith.constant 0 : i32
        %dma_start3A_346 = tpu.memref_slice %arg3[%add3A, %mul3A_344, %dma_start3A_345] : memref<32x80x128xi32, #tpu.memory_space<hbm>> -> memref<1x8x128xi32, #tpu.memory_space<hbm>>
        %dma_start3A_347 = tpu.memref_squeeze %dma_start3A_346 : memref<1x8x128xi32, #tpu.memory_space<hbm>> -> memref<8x128xi32, #tpu.memory_space<hbm>>
        %dma_start3A_348 = arith.constant 0 : i32
        %dma_start3A_349 = tpu.memref_slice %arg3[%add3A, %mul3A_344, %dma_start3A_348] : memref<32x80x128xi32, #tpu.memory_space<hbm>> -> memref<1x8x128xi32, #tpu.memory_space<hbm>>
        %dma_start3A_350 = tpu.memref_squeeze %dma_start3A_349 : memref<1x8x128xi32, #tpu.memory_space<hbm>> -> memref<8x128xi32, #tpu.memory_space<hbm>>
        tpu.enqueue_dma source(%dma_start3A_350 : memref<8x128xi32, #tpu.memory_space<hbm>>) target(%arg6 : memref<8x128xi32, #tpu.memory_space<vmem>>) target_semaphore(%arg16 : memref<!tpu.dma_semaphore, #tpu.memory_space<semaphore_mem>>)
        %mul3A_351 = arith.constant 8 : i32
        %mul3A_352 = arith.muli %add3A_342, %mul3A_351 : i32
        %dma_start3A_353 = arith.constant 0 : i32
        %dma_start3A_354 = tpu.memref_slice %arg4[%add3A, %mul3A_352, %dma_start3A_353] : memref<32x80x128xi32, #tpu.memory_space<hbm>> -> memref<1x8x128xi32, #tpu.memory_space<hbm>>
        %dma_start3A_355 = tpu.memref_squeeze %dma_start3A_354 : memref<1x8x128xi32, #tpu.memory_space<hbm>> -> memref<8x128xi32, #tpu.memory_space<hbm>>
        %dma_start3A_356 = arith.constant 0 : i32
        %dma_start3A_357 = tpu.memref_slice %arg4[%add3A, %mul3A_352, %dma_start3A_356] : memref<32x80x128xi32, #tpu.memory_space<hbm>> -> memref<1x8x128xi32, #tpu.memory_space<hbm>>
        %dma_start3A_358 = tpu.memref_squeeze %dma_start3A_357 : memref<1x8x128xi32, #tpu.memory_space<hbm>> -> memref<8x128xi32, #tpu.memory_space<hbm>>
        tpu.enqueue_dma source(%dma_start3A_358 : memref<8x128xi32, #tpu.memory_space<hbm>>) target(%arg7 : memref<8x128xi32, #tpu.memory_space<vmem>>) target_semaphore(%arg16 : memref<!tpu.dma_semaphore, #tpu.memory_space<semaphore_mem>>)
      } else {
      }
      %dma_start3A_216 = arith.constant 1 : i32
      %dma_start3A_217 = arith.constant 0 : i32
      %dma_start3A_218 = tpu.memref_slice %arg8[%dma_start3A_216, %dma_start3A_217] : memref<8x128xi32, #tpu.memory_space<vmem>> -> memref<1x128xi32, #tpu.memory_space<vmem>>
      %dma_start3A_219 = tpu.memref_squeeze %dma_start3A_218 : memref<1x128xi32, #tpu.memory_space<vmem>> -> memref<128xi32, #tpu.memory_space<vmem>>
      %dma_start3A_220 = arith.constant 0 : i32
      %dma_start3A_221 = arith.constant 0 : i32
      %dma_start3A_222 = tpu.memref_slice %arg2[%dma_start3A_220, %dma_start3A_221] : memref<10000x128xf32, #tpu.memory_space<hbm>> -> memref<10000x128xf32, #tpu.memory_space<hbm>>
      tpu.enqueue_indirect_dma source(%dma_start3A_222 : memref<10000x128xf32, #tpu.memory_space<hbm>>) target(%arg11 : memref<128x128xf32, #tpu.memory_space<vmem>>) offsets(%dma_start3A_219 : memref<128xi32, #tpu.memory_space<vmem>>) semaphore(%arg15 : memref<!tpu.dma_semaphore, #tpu.memory_space<semaphore_mem>>)
      %dma_wait3A_223 = arith.constant 0 : i32
      %dma_wait3A_224 = arith.constant 0 : i32
      %dma_wait3A_225 = tpu.memref_slice %arg8[%dma_wait3A_223, %dma_wait3A_224] : memref<8x128xi32, #tpu.memory_space<vmem>> -> memref<1x128xi32, #tpu.memory_space<vmem>>
      %dma_wait3A_226 = tpu.memref_squeeze %dma_wait3A_225 : memref<1x128xi32, #tpu.memory_space<vmem>> -> memref<128xi32, #tpu.memory_space<vmem>>
      %dma_wait3A_227 = arith.constant 0 : i32
      %dma_wait3A_228 = arith.constant 0 : i32
      %dma_wait3A_229 = tpu.memref_slice %arg2[%dma_wait3A_227, %dma_wait3A_228] : memref<10000x128xf32, #tpu.memory_space<hbm>> -> memref<10000x128xf32, #tpu.memory_space<hbm>>
      tpu.wait_indirect_dma semaphore(%arg14 : memref<!tpu.dma_semaphore, #tpu.memory_space<semaphore_mem>>) src(%dma_wait3A_229 : memref<10000x128xf32, #tpu.memory_space<hbm>>) dst(%arg10 : memref<128x128xf32, #tpu.memory_space<vmem>>)
      %run_scoped3A_230 = arith.constant 0 : i32
      "tpu.region"() ({
        %run_scoped3A_339 = tpu.sem_alloc : memref<!tpu.dma_semaphore, #tpu.memory_space<semaphore_mem>>
        %dma_start3A_340 = arith.constant 0 : i32
        %dma_start3A_341 = tpu.memref_slice %arg9[%run_scoped3A_230, %dma_start3A_340] : memref<8x128xi32, #tpu.memory_space<vmem>> -> memref<1x128xi32, #tpu.memory_space<vmem>>
        %dma_start3A_342 = tpu.memref_squeeze %dma_start3A_341 : memref<1x128xi32, #tpu.memory_space<vmem>> -> memref<128xi32, #tpu.memory_space<vmem>>
        %dma_start3A_343 = arith.constant 0 : i32
        %dma_start3A_344 = arith.constant 0 : i32
        %dma_start3A_345 = tpu.memref_slice %arg13[%dma_start3A_343, %dma_start3A_344] : memref<10240x128xf32, #tpu.memory_space<vmem_shared>> -> memref<10240x128xf32, #tpu.memory_space<vmem_shared>>
        tpu.enqueue_indirect_dma source(%arg10 : memref<128x128xf32, #tpu.memory_space<vmem>>) target(%dma_start3A_345 : memref<10240x128xf32, #tpu.memory_space<vmem_shared>>) offsets(%dma_start3A_342 : memref<128xi32, #tpu.memory_space<vmem>>) semaphore(%run_scoped3A_339 : memref<!tpu.dma_semaphore, #tpu.memory_space<semaphore_mem>>) {add = true}
        %dma_wait3A_346 = arith.constant 0 : i32
        %dma_wait3A_347 = tpu.memref_slice %arg9[%run_scoped3A_230, %dma_wait3A_346] : memref<8x128xi32, #tpu.memory_space<vmem>> -> memref<1x128xi32, #tpu.memory_space<vmem>>
        %dma_wait3A_348 = tpu.memref_squeeze %dma_wait3A_347 : memref<1x128xi32, #tpu.memory_space<vmem>> -> memref<128xi32, #tpu.memory_space<vmem>>
        %dma_wait3A_349 = arith.constant 0 : i32
        %dma_wait3A_350 = arith.constant 0 : i32
        %dma_wait3A_351 = tpu.memref_slice %arg13[%dma_wait3A_349, %dma_wait3A_350] : memref<10240x128xf32, #tpu.memory_space<vmem_shared>> -> memref<10240x128xf32, #tpu.memory_space<vmem_shared>>
        tpu.wait_indirect_dma semaphore(%run_scoped3A_339 : memref<!tpu.dma_semaphore, #tpu.memory_space<semaphore_mem>>) src(%arg10 : memref<128x128xf32, #tpu.memory_space<vmem>>) dst(%dma_wait3A_351 : memref<10240x128xf32, #tpu.memory_space<vmem_shared>>)
        tpu.yield
      }) : () -> ()
      %dma_start3A_231 = arith.constant 2 : i32
      %dma_start3A_232 = arith.constant 0 : i32
      %dma_start3A_233 = tpu.memref_slice %arg8[%dma_start3A_231, %dma_start3A_232] : memref<8x128xi32, #tpu.memory_space<vmem>> -> memref<1x128xi32, #tpu.memory_space<vmem>>
      %dma_start3A_234 = tpu.memref_squeeze %dma_start3A_233 : memref<1x128xi32, #tpu.memory_space<vmem>> -> memref<128xi32, #tpu.memory_space<vmem>>
      %dma_start3A_235 = arith.constant 0 : i32
      %dma_start3A_236 = arith.constant 0 : i32
      %dma_start3A_237 = tpu.memref_slice %arg2[%dma_start3A_235, %dma_start3A_236] : memref<10000x128xf32, #tpu.memory_space<hbm>> -> memref<10000x128xf32, #tpu.memory_space<hbm>>
      tpu.enqueue_indirect_dma source(%dma_start3A_237 : memref<10000x128xf32, #tpu.memory_space<hbm>>) target(%arg10 : memref<128x128xf32, #tpu.memory_space<vmem>>) offsets(%dma_start3A_234 : memref<128xi32, #tpu.memory_space<vmem>>) semaphore(%arg14 : memref<!tpu.dma_semaphore, #tpu.memory_space<semaphore_mem>>)
      %dma_wait3A_238 = arith.constant 1 : i32
      %dma_wait3A_239 = arith.constant 0 : i32
      %dma_wait3A_240 = tpu.memref_slice %arg8[%dma_wait3A_238, %dma_wait3A_239] : memref<8x128xi32, #tpu.memory_space<vmem>> -> memref<1x128xi32, #tpu.memory_space<vmem>>
      %dma_wait3A_241 = tpu.memref_squeeze %dma_wait3A_240 : memref<1x128xi32, #tpu.memory_space<vmem>> -> memref<128xi32, #tpu.memory_space<vmem>>
      %dma_wait3A_242 = arith.constant 0 : i32
      %dma_wait3A_243 = arith.constant 0 : i32
      %dma_wait3A_244 = tpu.memref_slice %arg2[%dma_wait3A_242, %dma_wait3A_243] : memref<10000x128xf32, #tpu.memory_space<hbm>> -> memref<10000x128xf32, #tpu.memory_space<hbm>>
      tpu.wait_indirect_dma semaphore(%arg15 : memref<!tpu.dma_semaphore, #tpu.memory_space<semaphore_mem>>) src(%dma_wait3A_244 : memref<10000x128xf32, #tpu.memory_space<hbm>>) dst(%arg11 : memref<128x128xf32, #tpu.memory_space<vmem>>)
      %run_scoped3A_245 = arith.constant 1 : i32
      "tpu.region"() ({
        %run_scoped3A_339 = tpu.sem_alloc : memref<!tpu.dma_semaphore, #tpu.memory_space<semaphore_mem>>
        %dma_start3A_340 = arith.constant 0 : i32
        %dma_start3A_341 = tpu.memref_slice %arg9[%run_scoped3A_245, %dma_start3A_340] : memref<8x128xi32, #tpu.memory_space<vmem>> -> memref<1x128xi32, #tpu.memory_space<vmem>>
        %dma_start3A_342 = tpu.memref_squeeze %dma_start3A_341 : memref<1x128xi32, #tpu.memory_space<vmem>> -> memref<128xi32, #tpu.memory_space<vmem>>
        %dma_start3A_343 = arith.constant 0 : i32
        %dma_start3A_344 = arith.constant 0 : i32
        %dma_start3A_345 = tpu.memref_slice %arg13[%dma_start3A_343, %dma_start3A_344] : memref<10240x128xf32, #tpu.memory_space<vmem_shared>> -> memref<10240x128xf32, #tpu.memory_space<vmem_shared>>
        tpu.enqueue_indirect_dma source(%arg11 : memref<128x128xf32, #tpu.memory_space<vmem>>) target(%dma_start3A_345 : memref<10240x128xf32, #tpu.memory_space<vmem_shared>>) offsets(%dma_start3A_342 : memref<128xi32, #tpu.memory_space<vmem>>) semaphore(%run_scoped3A_339 : memref<!tpu.dma_semaphore, #tpu.memory_space<semaphore_mem>>) {add = true}
        %dma_wait3A_346 = arith.constant 0 : i32
        %dma_wait3A_347 = tpu.memref_slice %arg9[%run_scoped3A_245, %dma_wait3A_346] : memref<8x128xi32, #tpu.memory_space<vmem>> -> memref<1x128xi32, #tpu.memory_space<vmem>>
        %dma_wait3A_348 = tpu.memref_squeeze %dma_wait3A_347 : memref<1x128xi32, #tpu.memory_space<vmem>> -> memref<128xi32, #tpu.memory_space<vmem>>
        %dma_wait3A_349 = arith.constant 0 : i32
        %dma_wait3A_350 = arith.constant 0 : i32
        %dma_wait3A_351 = tpu.memref_slice %arg13[%dma_wait3A_349, %dma_wait3A_350] : memref<10240x128xf32, #tpu.memory_space<vmem_shared>> -> memref<10240x128xf32, #tpu.memory_space<vmem_shared>>
        tpu.wait_indirect_dma semaphore(%run_scoped3A_339 : memref<!tpu.dma_semaphore, #tpu.memory_space<semaphore_mem>>) src(%arg11 : memref<128x128xf32, #tpu.memory_space<vmem>>) dst(%dma_wait3A_351 : memref<10240x128xf32, #tpu.memory_space<vmem_shared>>)
        tpu.yield
      }) : () -> ()
      %dma_start3A_246 = arith.constant 3 : i32
      %dma_start3A_247 = arith.constant 0 : i32
      %dma_start3A_248 = tpu.memref_slice %arg8[%dma_start3A_246, %dma_start3A_247] : memref<8x128xi32, #tpu.memory_space<vmem>> -> memref<1x128xi32, #tpu.memory_space<vmem>>
      %dma_start3A_249 = tpu.memref_squeeze %dma_start3A_248 : memref<1x128xi32, #tpu.memory_space<vmem>> -> memref<128xi32, #tpu.memory_space<vmem>>
      %dma_start3A_250 = arith.constant 0 : i32
      %dma_start3A_251 = arith.constant 0 : i32
      %dma_start3A_252 = tpu.memref_slice %arg2[%dma_start3A_250, %dma_start3A_251] : memref<10000x128xf32, #tpu.memory_space<hbm>> -> memref<10000x128xf32, #tpu.memory_space<hbm>>
      tpu.enqueue_indirect_dma source(%dma_start3A_252 : memref<10000x128xf32, #tpu.memory_space<hbm>>) target(%arg11 : memref<128x128xf32, #tpu.memory_space<vmem>>) offsets(%dma_start3A_249 : memref<128xi32, #tpu.memory_space<vmem>>) semaphore(%arg15 : memref<!tpu.dma_semaphore, #tpu.memory_space<semaphore_mem>>)
      %dma_wait3A_253 = arith.constant 2 : i32
      %dma_wait3A_254 = arith.constant 0 : i32
      %dma_wait3A_255 = tpu.memref_slice %arg8[%dma_wait3A_253, %dma_wait3A_254] : memref<8x128xi32, #tpu.memory_space<vmem>> -> memref<1x128xi32, #tpu.memory_space<vmem>>
      %dma_wait3A_256 = tpu.memref_squeeze %dma_wait3A_255 : memref<1x128xi32, #tpu.memory_space<vmem>> -> memref<128xi32, #tpu.memory_space<vmem>>
      %dma_wait3A_257 = arith.constant 0 : i32
      %dma_wait3A_258 = arith.constant 0 : i32
      %dma_wait3A_259 = tpu.memref_slice %arg2[%dma_wait3A_257, %dma_wait3A_258] : memref<10000x128xf32, #tpu.memory_space<hbm>> -> memref<10000x128xf32, #tpu.memory_space<hbm>>
      tpu.wait_indirect_dma semaphore(%arg14 : memref<!tpu.dma_semaphore, #tpu.memory_space<semaphore_mem>>) src(%dma_wait3A_259 : memref<10000x128xf32, #tpu.memory_space<hbm>>) dst(%arg10 : memref<128x128xf32, #tpu.memory_space<vmem>>)
      %run_scoped3A_260 = arith.constant 2 : i32
      "tpu.region"() ({
        %run_scoped3A_339 = tpu.sem_alloc : memref<!tpu.dma_semaphore, #tpu.memory_space<semaphore_mem>>
        %dma_start3A_340 = arith.constant 0 : i32
        %dma_start3A_341 = tpu.memref_slice %arg9[%run_scoped3A_260, %dma_start3A_340] : memref<8x128xi32, #tpu.memory_space<vmem>> -> memref<1x128xi32, #tpu.memory_space<vmem>>
        %dma_start3A_342 = tpu.memref_squeeze %dma_start3A_341 : memref<1x128xi32, #tpu.memory_space<vmem>> -> memref<128xi32, #tpu.memory_space<vmem>>
        %dma_start3A_343 = arith.constant 0 : i32
        %dma_start3A_344 = arith.constant 0 : i32
        %dma_start3A_345 = tpu.memref_slice %arg13[%dma_start3A_343, %dma_start3A_344] : memref<10240x128xf32, #tpu.memory_space<vmem_shared>> -> memref<10240x128xf32, #tpu.memory_space<vmem_shared>>
        tpu.enqueue_indirect_dma source(%arg10 : memref<128x128xf32, #tpu.memory_space<vmem>>) target(%dma_start3A_345 : memref<10240x128xf32, #tpu.memory_space<vmem_shared>>) offsets(%dma_start3A_342 : memref<128xi32, #tpu.memory_space<vmem>>) semaphore(%run_scoped3A_339 : memref<!tpu.dma_semaphore, #tpu.memory_space<semaphore_mem>>) {add = true}
        %dma_wait3A_346 = arith.constant 0 : i32
        %dma_wait3A_347 = tpu.memref_slice %arg9[%run_scoped3A_260, %dma_wait3A_346] : memref<8x128xi32, #tpu.memory_space<vmem>> -> memref<1x128xi32, #tpu.memory_space<vmem>>
        %dma_wait3A_348 = tpu.memref_squeeze %dma_wait3A_347 : memref<1x128xi32, #tpu.memory_space<vmem>> -> memref<128xi32, #tpu.memory_space<vmem>>
        %dma_wait3A_349 = arith.constant 0 : i32
        %dma_wait3A_350 = arith.constant 0 : i32
        %dma_wait3A_351 = tpu.memref_slice %arg13[%dma_wait3A_349, %dma_wait3A_350] : memref<10240x128xf32, #tpu.memory_space<vmem_shared>> -> memref<10240x128xf32, #tpu.memory_space<vmem_shared>>
        tpu.wait_indirect_dma semaphore(%run_scoped3A_339 : memref<!tpu.dma_semaphore, #tpu.memory_space<semaphore_mem>>) src(%arg10 : memref<128x128xf32, #tpu.memory_space<vmem>>) dst(%dma_wait3A_351 : memref<10240x128xf32, #tpu.memory_space<vmem_shared>>)
        tpu.yield
      }) : () -> ()
      %dma_start3A_261 = arith.constant 4 : i32
      %dma_start3A_262 = arith.constant 0 : i32
      %dma_start3A_263 = tpu.memref_slice %arg8[%dma_start3A_261, %dma_start3A_262] : memref<8x128xi32, #tpu.memory_space<vmem>> -> memref<1x128xi32, #tpu.memory_space<vmem>>
      %dma_start3A_264 = tpu.memref_squeeze %dma_start3A_263 : memref<1x128xi32, #tpu.memory_space<vmem>> -> memref<128xi32, #tpu.memory_space<vmem>>
      %dma_start3A_265 = arith.constant 0 : i32
      %dma_start3A_266 = arith.constant 0 : i32
      %dma_start3A_267 = tpu.memref_slice %arg2[%dma_start3A_265, %dma_start3A_266] : memref<10000x128xf32, #tpu.memory_space<hbm>> -> memref<10000x128xf32, #tpu.memory_space<hbm>>
      tpu.enqueue_indirect_dma source(%dma_start3A_267 : memref<10000x128xf32, #tpu.memory_space<hbm>>) target(%arg10 : memref<128x128xf32, #tpu.memory_space<vmem>>) offsets(%dma_start3A_264 : memref<128xi32, #tpu.memory_space<vmem>>) semaphore(%arg14 : memref<!tpu.dma_semaphore, #tpu.memory_space<semaphore_mem>>)
      %dma_wait3A_268 = arith.constant 3 : i32
      %dma_wait3A_269 = arith.constant 0 : i32
      %dma_wait3A_270 = tpu.memref_slice %arg8[%dma_wait3A_268, %dma_wait3A_269] : memref<8x128xi32, #tpu.memory_space<vmem>> -> memref<1x128xi32, #tpu.memory_space<vmem>>
      %dma_wait3A_271 = tpu.memref_squeeze %dma_wait3A_270 : memref<1x128xi32, #tpu.memory_space<vmem>> -> memref<128xi32, #tpu.memory_space<vmem>>
      %dma_wait3A_272 = arith.constant 0 : i32
      %dma_wait3A_273 = arith.constant 0 : i32
      %dma_wait3A_274 = tpu.memref_slice %arg2[%dma_wait3A_272, %dma_wait3A_273] : memref<10000x128xf32, #tpu.memory_space<hbm>> -> memref<10000x128xf32, #tpu.memory_space<hbm>>
      tpu.wait_indirect_dma semaphore(%arg15 : memref<!tpu.dma_semaphore, #tpu.memory_space<semaphore_mem>>) src(%dma_wait3A_274 : memref<10000x128xf32, #tpu.memory_space<hbm>>) dst(%arg11 : memref<128x128xf32, #tpu.memory_space<vmem>>)
      %run_scoped3A_275 = arith.constant 3 : i32
      "tpu.region"() ({
        %run_scoped3A_339 = tpu.sem_alloc : memref<!tpu.dma_semaphore, #tpu.memory_space<semaphore_mem>>
        %dma_start3A_340 = arith.constant 0 : i32
        %dma_start3A_341 = tpu.memref_slice %arg9[%run_scoped3A_275, %dma_start3A_340] : memref<8x128xi32, #tpu.memory_space<vmem>> -> memref<1x128xi32, #tpu.memory_space<vmem>>
        %dma_start3A_342 = tpu.memref_squeeze %dma_start3A_341 : memref<1x128xi32, #tpu.memory_space<vmem>> -> memref<128xi32, #tpu.memory_space<vmem>>
        %dma_start3A_343 = arith.constant 0 : i32
        %dma_start3A_344 = arith.constant 0 : i32
        %dma_start3A_345 = tpu.memref_slice %arg13[%dma_start3A_343, %dma_start3A_344] : memref<10240x128xf32, #tpu.memory_space<vmem_shared>> -> memref<10240x128xf32, #tpu.memory_space<vmem_shared>>
        tpu.enqueue_indirect_dma source(%arg11 : memref<128x128xf32, #tpu.memory_space<vmem>>) target(%dma_start3A_345 : memref<10240x128xf32, #tpu.memory_space<vmem_shared>>) offsets(%dma_start3A_342 : memref<128xi32, #tpu.memory_space<vmem>>) semaphore(%run_scoped3A_339 : memref<!tpu.dma_semaphore, #tpu.memory_space<semaphore_mem>>) {add = true}
        %dma_wait3A_346 = arith.constant 0 : i32
        %dma_wait3A_347 = tpu.memref_slice %arg9[%run_scoped3A_275, %dma_wait3A_346] : memref<8x128xi32, #tpu.memory_space<vmem>> -> memref<1x128xi32, #tpu.memory_space<vmem>>
        %dma_wait3A_348 = tpu.memref_squeeze %dma_wait3A_347 : memref<1x128xi32, #tpu.memory_space<vmem>> -> memref<128xi32, #tpu.memory_space<vmem>>
        %dma_wait3A_349 = arith.constant 0 : i32
        %dma_wait3A_350 = arith.constant 0 : i32
        %dma_wait3A_351 = tpu.memref_slice %arg13[%dma_wait3A_349, %dma_wait3A_350] : memref<10240x128xf32, #tpu.memory_space<vmem_shared>> -> memref<10240x128xf32, #tpu.memory_space<vmem_shared>>
        tpu.wait_indirect_dma semaphore(%run_scoped3A_339 : memref<!tpu.dma_semaphore, #tpu.memory_space<semaphore_mem>>) src(%arg11 : memref<128x128xf32, #tpu.memory_space<vmem>>) dst(%dma_wait3A_351 : memref<10240x128xf32, #tpu.memory_space<vmem_shared>>)
        tpu.yield
      }) : () -> ()
      %dma_start3A_276 = arith.constant 5 : i32
      %dma_start3A_277 = arith.constant 0 : i32
      %dma_start3A_278 = tpu.memref_slice %arg8[%dma_start3A_276, %dma_start3A_277] : memref<8x128xi32, #tpu.memory_space<vmem>> -> memref<1x128xi32, #tpu.memory_space<vmem>>
      %dma_start3A_279 = tpu.memref_squeeze %dma_start3A_278 : memref<1x128xi32, #tpu.memory_space<vmem>> -> memref<128xi32, #tpu.memory_space<vmem>>
      %dma_start3A_280 = arith.constant 0 : i32
      %dma_start3A_281 = arith.constant 0 : i32
      %dma_start3A_282 = tpu.memref_slice %arg2[%dma_start3A_280, %dma_start3A_281] : memref<10000x128xf32, #tpu.memory_space<hbm>> -> memref<10000x128xf32, #tpu.memory_space<hbm>>
      tpu.enqueue_indirect_dma source(%dma_start3A_282 : memref<10000x128xf32, #tpu.memory_space<hbm>>) target(%arg11 : memref<128x128xf32, #tpu.memory_space<vmem>>) offsets(%dma_start3A_279 : memref<128xi32, #tpu.memory_space<vmem>>) semaphore(%arg15 : memref<!tpu.dma_semaphore, #tpu.memory_space<semaphore_mem>>)
      %dma_wait3A_283 = arith.constant 4 : i32
      %dma_wait3A_284 = arith.constant 0 : i32
      %dma_wait3A_285 = tpu.memref_slice %arg8[%dma_wait3A_283, %dma_wait3A_284] : memref<8x128xi32, #tpu.memory_space<vmem>> -> memref<1x128xi32, #tpu.memory_space<vmem>>
      %dma_wait3A_286 = tpu.memref_squeeze %dma_wait3A_285 : memref<1x128xi32, #tpu.memory_space<vmem>> -> memref<128xi32, #tpu.memory_space<vmem>>
      %dma_wait3A_287 = arith.constant 0 : i32
      %dma_wait3A_288 = arith.constant 0 : i32
      %dma_wait3A_289 = tpu.memref_slice %arg2[%dma_wait3A_287, %dma_wait3A_288] : memref<10000x128xf32, #tpu.memory_space<hbm>> -> memref<10000x128xf32, #tpu.memory_space<hbm>>
      tpu.wait_indirect_dma semaphore(%arg14 : memref<!tpu.dma_semaphore, #tpu.memory_space<semaphore_mem>>) src(%dma_wait3A_289 : memref<10000x128xf32, #tpu.memory_space<hbm>>) dst(%arg10 : memref<128x128xf32, #tpu.memory_space<vmem>>)
      %run_scoped3A_290 = arith.constant 4 : i32
      "tpu.region"() ({
        %run_scoped3A_339 = tpu.sem_alloc : memref<!tpu.dma_semaphore, #tpu.memory_space<semaphore_mem>>
        %dma_start3A_340 = arith.constant 0 : i32
        %dma_start3A_341 = tpu.memref_slice %arg9[%run_scoped3A_290, %dma_start3A_340] : memref<8x128xi32, #tpu.memory_space<vmem>> -> memref<1x128xi32, #tpu.memory_space<vmem>>
        %dma_start3A_342 = tpu.memref_squeeze %dma_start3A_341 : memref<1x128xi32, #tpu.memory_space<vmem>> -> memref<128xi32, #tpu.memory_space<vmem>>
        %dma_start3A_343 = arith.constant 0 : i32
        %dma_start3A_344 = arith.constant 0 : i32
        %dma_start3A_345 = tpu.memref_slice %arg13[%dma_start3A_343, %dma_start3A_344] : memref<10240x128xf32, #tpu.memory_space<vmem_shared>> -> memref<10240x128xf32, #tpu.memory_space<vmem_shared>>
        tpu.enqueue_indirect_dma source(%arg10 : memref<128x128xf32, #tpu.memory_space<vmem>>) target(%dma_start3A_345 : memref<10240x128xf32, #tpu.memory_space<vmem_shared>>) offsets(%dma_start3A_342 : memref<128xi32, #tpu.memory_space<vmem>>) semaphore(%run_scoped3A_339 : memref<!tpu.dma_semaphore, #tpu.memory_space<semaphore_mem>>) {add = true}
        %dma_wait3A_346 = arith.constant 0 : i32
        %dma_wait3A_347 = tpu.memref_slice %arg9[%run_scoped3A_290, %dma_wait3A_346] : memref<8x128xi32, #tpu.memory_space<vmem>> -> memref<1x128xi32, #tpu.memory_space<vmem>>
        %dma_wait3A_348 = tpu.memref_squeeze %dma_wait3A_347 : memref<1x128xi32, #tpu.memory_space<vmem>> -> memref<128xi32, #tpu.memory_space<vmem>>
        %dma_wait3A_349 = arith.constant 0 : i32
        %dma_wait3A_350 = arith.constant 0 : i32
        %dma_wait3A_351 = tpu.memref_slice %arg13[%dma_wait3A_349, %dma_wait3A_350] : memref<10240x128xf32, #tpu.memory_space<vmem_shared>> -> memref<10240x128xf32, #tpu.memory_space<vmem_shared>>
        tpu.wait_indirect_dma semaphore(%run_scoped3A_339 : memref<!tpu.dma_semaphore, #tpu.memory_space<semaphore_mem>>) src(%arg10 : memref<128x128xf32, #tpu.memory_space<vmem>>) dst(%dma_wait3A_351 : memref<10240x128xf32, #tpu.memory_space<vmem_shared>>)
        tpu.yield
      }) : () -> ()
      %dma_start3A_291 = arith.constant 6 : i32
      %dma_start3A_292 = arith.constant 0 : i32
      %dma_start3A_293 = tpu.memref_slice %arg8[%dma_start3A_291, %dma_start3A_292] : memref<8x128xi32, #tpu.memory_space<vmem>> -> memref<1x128xi32, #tpu.memory_space<vmem>>
      %dma_start3A_294 = tpu.memref_squeeze %dma_start3A_293 : memref<1x128xi32, #tpu.memory_space<vmem>> -> memref<128xi32, #tpu.memory_space<vmem>>
      %dma_start3A_295 = arith.constant 0 : i32
      %dma_start3A_296 = arith.constant 0 : i32
      %dma_start3A_297 = tpu.memref_slice %arg2[%dma_start3A_295, %dma_start3A_296] : memref<10000x128xf32, #tpu.memory_space<hbm>> -> memref<10000x128xf32, #tpu.memory_space<hbm>>
      tpu.enqueue_indirect_dma source(%dma_start3A_297 : memref<10000x128xf32, #tpu.memory_space<hbm>>) target(%arg10 : memref<128x128xf32, #tpu.memory_space<vmem>>) offsets(%dma_start3A_294 : memref<128xi32, #tpu.memory_space<vmem>>) semaphore(%arg14 : memref<!tpu.dma_semaphore, #tpu.memory_space<semaphore_mem>>)
      %dma_wait3A_298 = arith.constant 5 : i32
      %dma_wait3A_299 = arith.constant 0 : i32
      %dma_wait3A_300 = tpu.memref_slice %arg8[%dma_wait3A_298, %dma_wait3A_299] : memref<8x128xi32, #tpu.memory_space<vmem>> -> memref<1x128xi32, #tpu.memory_space<vmem>>
      %dma_wait3A_301 = tpu.memref_squeeze %dma_wait3A_300 : memref<1x128xi32, #tpu.memory_space<vmem>> -> memref<128xi32, #tpu.memory_space<vmem>>
      %dma_wait3A_302 = arith.constant 0 : i32
      %dma_wait3A_303 = arith.constant 0 : i32
      %dma_wait3A_304 = tpu.memref_slice %arg2[%dma_wait3A_302, %dma_wait3A_303] : memref<10000x128xf32, #tpu.memory_space<hbm>> -> memref<10000x128xf32, #tpu.memory_space<hbm>>
      tpu.wait_indirect_dma semaphore(%arg15 : memref<!tpu.dma_semaphore, #tpu.memory_space<semaphore_mem>>) src(%dma_wait3A_304 : memref<10000x128xf32, #tpu.memory_space<hbm>>) dst(%arg11 : memref<128x128xf32, #tpu.memory_space<vmem>>)
      %run_scoped3A_305 = arith.constant 5 : i32
      "tpu.region"() ({
        %run_scoped3A_339 = tpu.sem_alloc : memref<!tpu.dma_semaphore, #tpu.memory_space<semaphore_mem>>
        %dma_start3A_340 = arith.constant 0 : i32
        %dma_start3A_341 = tpu.memref_slice %arg9[%run_scoped3A_305, %dma_start3A_340] : memref<8x128xi32, #tpu.memory_space<vmem>> -> memref<1x128xi32, #tpu.memory_space<vmem>>
        %dma_start3A_342 = tpu.memref_squeeze %dma_start3A_341 : memref<1x128xi32, #tpu.memory_space<vmem>> -> memref<128xi32, #tpu.memory_space<vmem>>
        %dma_start3A_343 = arith.constant 0 : i32
        %dma_start3A_344 = arith.constant 0 : i32
        %dma_start3A_345 = tpu.memref_slice %arg13[%dma_start3A_343, %dma_start3A_344] : memref<10240x128xf32, #tpu.memory_space<vmem_shared>> -> memref<10240x128xf32, #tpu.memory_space<vmem_shared>>
        tpu.enqueue_indirect_dma source(%arg11 : memref<128x128xf32, #tpu.memory_space<vmem>>) target(%dma_start3A_345 : memref<10240x128xf32, #tpu.memory_space<vmem_shared>>) offsets(%dma_start3A_342 : memref<128xi32, #tpu.memory_space<vmem>>) semaphore(%run_scoped3A_339 : memref<!tpu.dma_semaphore, #tpu.memory_space<semaphore_mem>>) {add = true}
        %dma_wait3A_346 = arith.constant 0 : i32
        %dma_wait3A_347 = tpu.memref_slice %arg9[%run_scoped3A_305, %dma_wait3A_346] : memref<8x128xi32, #tpu.memory_space<vmem>> -> memref<1x128xi32, #tpu.memory_space<vmem>>
        %dma_wait3A_348 = tpu.memref_squeeze %dma_wait3A_347 : memref<1x128xi32, #tpu.memory_space<vmem>> -> memref<128xi32, #tpu.memory_space<vmem>>
        %dma_wait3A_349 = arith.constant 0 : i32
        %dma_wait3A_350 = arith.constant 0 : i32
        %dma_wait3A_351 = tpu.memref_slice %arg13[%dma_wait3A_349, %dma_wait3A_350] : memref<10240x128xf32, #tpu.memory_space<vmem_shared>> -> memref<10240x128xf32, #tpu.memory_space<vmem_shared>>
        tpu.wait_indirect_dma semaphore(%run_scoped3A_339 : memref<!tpu.dma_semaphore, #tpu.memory_space<semaphore_mem>>) src(%arg11 : memref<128x128xf32, #tpu.memory_space<vmem>>) dst(%dma_wait3A_351 : memref<10240x128xf32, #tpu.memory_space<vmem_shared>>)
        tpu.yield
      }) : () -> ()
      %dma_start3A_306 = arith.constant 7 : i32
      %dma_start3A_307 = arith.constant 0 : i32
      %dma_start3A_308 = tpu.memref_slice %arg8[%dma_start3A_306, %dma_start3A_307] : memref<8x128xi32, #tpu.memory_space<vmem>> -> memref<1x128xi32, #tpu.memory_space<vmem>>
      %dma_start3A_309 = tpu.memref_squeeze %dma_start3A_308 : memref<1x128xi32, #tpu.memory_space<vmem>> -> memref<128xi32, #tpu.memory_space<vmem>>
      %dma_start3A_310 = arith.constant 0 : i32
      %dma_start3A_311 = arith.constant 0 : i32
      %dma_start3A_312 = tpu.memref_slice %arg2[%dma_start3A_310, %dma_start3A_311] : memref<10000x128xf32, #tpu.memory_space<hbm>> -> memref<10000x128xf32, #tpu.memory_space<hbm>>
      tpu.enqueue_indirect_dma source(%dma_start3A_312 : memref<10000x128xf32, #tpu.memory_space<hbm>>) target(%arg11 : memref<128x128xf32, #tpu.memory_space<vmem>>) offsets(%dma_start3A_309 : memref<128xi32, #tpu.memory_space<vmem>>) semaphore(%arg15 : memref<!tpu.dma_semaphore, #tpu.memory_space<semaphore_mem>>)
      %dma_wait3A_313 = arith.constant 6 : i32
      %dma_wait3A_314 = arith.constant 0 : i32
      %dma_wait3A_315 = tpu.memref_slice %arg8[%dma_wait3A_313, %dma_wait3A_314] : memref<8x128xi32, #tpu.memory_space<vmem>> -> memref<1x128xi32, #tpu.memory_space<vmem>>
      %dma_wait3A_316 = tpu.memref_squeeze %dma_wait3A_315 : memref<1x128xi32, #tpu.memory_space<vmem>> -> memref<128xi32, #tpu.memory_space<vmem>>
      %dma_wait3A_317 = arith.constant 0 : i32
      %dma_wait3A_318 = arith.constant 0 : i32
      %dma_wait3A_319 = tpu.memref_slice %arg2[%dma_wait3A_317, %dma_wait3A_318] : memref<10000x128xf32, #tpu.memory_space<hbm>> -> memref<10000x128xf32, #tpu.memory_space<hbm>>
      tpu.wait_indirect_dma semaphore(%arg14 : memref<!tpu.dma_semaphore, #tpu.memory_space<semaphore_mem>>) src(%dma_wait3A_319 : memref<10000x128xf32, #tpu.memory_space<hbm>>) dst(%arg10 : memref<128x128xf32, #tpu.memory_space<vmem>>)
      %run_scoped3A_320 = arith.constant 6 : i32
      "tpu.region"() ({
        %run_scoped3A_339 = tpu.sem_alloc : memref<!tpu.dma_semaphore, #tpu.memory_space<semaphore_mem>>
        %dma_start3A_340 = arith.constant 0 : i32
        %dma_start3A_341 = tpu.memref_slice %arg9[%run_scoped3A_320, %dma_start3A_340] : memref<8x128xi32, #tpu.memory_space<vmem>> -> memref<1x128xi32, #tpu.memory_space<vmem>>
        %dma_start3A_342 = tpu.memref_squeeze %dma_start3A_341 : memref<1x128xi32, #tpu.memory_space<vmem>> -> memref<128xi32, #tpu.memory_space<vmem>>
        %dma_start3A_343 = arith.constant 0 : i32
        %dma_start3A_344 = arith.constant 0 : i32
        %dma_start3A_345 = tpu.memref_slice %arg13[%dma_start3A_343, %dma_start3A_344] : memref<10240x128xf32, #tpu.memory_space<vmem_shared>> -> memref<10240x128xf32, #tpu.memory_space<vmem_shared>>
        tpu.enqueue_indirect_dma source(%arg10 : memref<128x128xf32, #tpu.memory_space<vmem>>) target(%dma_start3A_345 : memref<10240x128xf32, #tpu.memory_space<vmem_shared>>) offsets(%dma_start3A_342 : memref<128xi32, #tpu.memory_space<vmem>>) semaphore(%run_scoped3A_339 : memref<!tpu.dma_semaphore, #tpu.memory_space<semaphore_mem>>) {add = true}
        %dma_wait3A_346 = arith.constant 0 : i32
        %dma_wait3A_347 = tpu.memref_slice %arg9[%run_scoped3A_320, %dma_wait3A_346] : memref<8x128xi32, #tpu.memory_space<vmem>> -> memref<1x128xi32, #tpu.memory_space<vmem>>
        %dma_wait3A_348 = tpu.memref_squeeze %dma_wait3A_347 : memref<1x128xi32, #tpu.memory_space<vmem>> -> memref<128xi32, #tpu.memory_space<vmem>>
        %dma_wait3A_349 = arith.constant 0 : i32
        %dma_wait3A_350 = arith.constant 0 : i32
        %dma_wait3A_351 = tpu.memref_slice %arg13[%dma_wait3A_349, %dma_wait3A_350] : memref<10240x128xf32, #tpu.memory_space<vmem_shared>> -> memref<10240x128xf32, #tpu.memory_space<vmem_shared>>
        tpu.wait_indirect_dma semaphore(%run_scoped3A_339 : memref<!tpu.dma_semaphore, #tpu.memory_space<semaphore_mem>>) src(%arg10 : memref<128x128xf32, #tpu.memory_space<vmem>>) dst(%dma_wait3A_351 : memref<10240x128xf32, #tpu.memory_space<vmem_shared>>)
        tpu.yield
      }) : () -> ()
      %lt3A_321 = arith.constant 4 : i32
      %lt3A_322 = arith.cmpi slt, %scan3A_74, %lt3A_321 : i32
      %convert_element_type3A_323 = arith.extui %lt3A_322 : i1 to i32
      %cond3A_324 = arith.constant 0 : i32
      %cond3A_325 = arith.cmpi ne, %convert_element_type3A_323, %cond3A_324 : i32
      scf.if %cond3A_325 {
        %mul3A_339 = arith.constant 2 : i32
        %mul3A_340 = arith.muli %mul3A_339, %scan3A_74 : i32
        %add3A_341 = arith.constant 2 : i32
        %add3A_342 = arith.addi %mul3A_340, %add3A_341 : i32
        %mul3A_343 = arith.constant 8 : i32
        %mul3A_344 = arith.muli %add3A_342, %mul3A_343 : i32
        %dma_wait3A_345 = arith.constant 0 : i32
        %dma_wait3A_346 = tpu.memref_slice %arg3[%add3A, %mul3A_344, %dma_wait3A_345] : memref<32x80x128xi32, #tpu.memory_space<hbm>> -> memref<1x8x128xi32, #tpu.memory_space<hbm>>
        %dma_wait3A_347 = tpu.memref_squeeze %dma_wait3A_346 : memref<1x8x128xi32, #tpu.memory_space<hbm>> -> memref<8x128xi32, #tpu.memory_space<hbm>>
        %dma_wait3A_348 = arith.constant 0 : i32
        %dma_wait3A_349 = tpu.memref_slice %arg3[%add3A, %mul3A_344, %dma_wait3A_348] : memref<32x80x128xi32, #tpu.memory_space<hbm>> -> memref<1x8x128xi32, #tpu.memory_space<hbm>>
        %dma_wait3A_350 = tpu.memref_squeeze %dma_wait3A_349 : memref<1x8x128xi32, #tpu.memory_space<hbm>> -> memref<8x128xi32, #tpu.memory_space<hbm>>
        tpu.wait_dma2 semaphore(%arg16 : memref<!tpu.dma_semaphore, #tpu.memory_space<semaphore_mem>>) src(%dma_wait3A_350 : memref<8x128xi32, #tpu.memory_space<hbm>>) dst(%arg6 : memref<8x128xi32, #tpu.memory_space<vmem>>)
        %mul3A_351 = arith.constant 8 : i32
        %mul3A_352 = arith.muli %add3A_342, %mul3A_351 : i32
        %dma_wait3A_353 = arith.constant 0 : i32
        %dma_wait3A_354 = tpu.memref_slice %arg4[%add3A, %mul3A_352, %dma_wait3A_353] : memref<32x80x128xi32, #tpu.memory_space<hbm>> -> memref<1x8x128xi32, #tpu.memory_space<hbm>>
        %dma_wait3A_355 = tpu.memref_squeeze %dma_wait3A_354 : memref<1x8x128xi32, #tpu.memory_space<hbm>> -> memref<8x128xi32, #tpu.memory_space<hbm>>
        %dma_wait3A_356 = arith.constant 0 : i32
        %dma_wait3A_357 = tpu.memref_slice %arg4[%add3A, %mul3A_352, %dma_wait3A_356] : memref<32x80x128xi32, #tpu.memory_space<hbm>> -> memref<1x8x128xi32, #tpu.memory_space<hbm>>
        %dma_wait3A_358 = tpu.memref_squeeze %dma_wait3A_357 : memref<1x8x128xi32, #tpu.memory_space<hbm>> -> memref<8x128xi32, #tpu.memory_space<hbm>>
        tpu.wait_dma2 semaphore(%arg16 : memref<!tpu.dma_semaphore, #tpu.memory_space<semaphore_mem>>) src(%dma_wait3A_358 : memref<8x128xi32, #tpu.memory_space<hbm>>) dst(%arg7 : memref<8x128xi32, #tpu.memory_space<vmem>>)
        %dma_start3A_359 = arith.constant 0 : i32
        %dma_start3A_360 = arith.constant 0 : i32
        %dma_start3A_361 = tpu.memref_slice %arg6[%dma_start3A_359, %dma_start3A_360] : memref<8x128xi32, #tpu.memory_space<vmem>> -> memref<1x128xi32, #tpu.memory_space<vmem>>
        %dma_start3A_362 = tpu.memref_squeeze %dma_start3A_361 : memref<1x128xi32, #tpu.memory_space<vmem>> -> memref<128xi32, #tpu.memory_space<vmem>>
        %dma_start3A_363 = arith.constant 0 : i32
        %dma_start3A_364 = arith.constant 0 : i32
        %dma_start3A_365 = tpu.memref_slice %arg2[%dma_start3A_363, %dma_start3A_364] : memref<10000x128xf32, #tpu.memory_space<hbm>> -> memref<10000x128xf32, #tpu.memory_space<hbm>>
        tpu.enqueue_indirect_dma source(%dma_start3A_365 : memref<10000x128xf32, #tpu.memory_space<hbm>>) target(%arg10 : memref<128x128xf32, #tpu.memory_space<vmem>>) offsets(%dma_start3A_362 : memref<128xi32, #tpu.memory_space<vmem>>) semaphore(%arg14 : memref<!tpu.dma_semaphore, #tpu.memory_space<semaphore_mem>>)
      } else {
      }
      %dma_wait3A_326 = arith.constant 7 : i32
      %dma_wait3A_327 = arith.constant 0 : i32
      %dma_wait3A_328 = tpu.memref_slice %arg8[%dma_wait3A_326, %dma_wait3A_327] : memref<8x128xi32, #tpu.memory_space<vmem>> -> memref<1x128xi32, #tpu.memory_space<vmem>>
      %dma_wait3A_329 = tpu.memref_squeeze %dma_wait3A_328 : memref<1x128xi32, #tpu.memory_space<vmem>> -> memref<128xi32, #tpu.memory_space<vmem>>
      %dma_wait3A_330 = arith.constant 0 : i32
      %dma_wait3A_331 = arith.constant 0 : i32
      %dma_wait3A_332 = tpu.memref_slice %arg2[%dma_wait3A_330, %dma_wait3A_331] : memref<10000x128xf32, #tpu.memory_space<hbm>> -> memref<10000x128xf32, #tpu.memory_space<hbm>>
      tpu.wait_indirect_dma semaphore(%arg15 : memref<!tpu.dma_semaphore, #tpu.memory_space<semaphore_mem>>) src(%dma_wait3A_332 : memref<10000x128xf32, #tpu.memory_space<hbm>>) dst(%arg11 : memref<128x128xf32, #tpu.memory_space<vmem>>)
      %run_scoped3A_333 = arith.constant 7 : i32
      "tpu.region"() ({
        %run_scoped3A_339 = tpu.sem_alloc : memref<!tpu.dma_semaphore, #tpu.memory_space<semaphore_mem>>
        %dma_start3A_340 = arith.constant 0 : i32
        %dma_start3A_341 = tpu.memref_slice %arg9[%run_scoped3A_333, %dma_start3A_340] : memref<8x128xi32, #tpu.memory_space<vmem>> -> memref<1x128xi32, #tpu.memory_space<vmem>>
        %dma_start3A_342 = tpu.memref_squeeze %dma_start3A_341 : memref<1x128xi32, #tpu.memory_space<vmem>> -> memref<128xi32, #tpu.memory_space<vmem>>
        %dma_start3A_343 = arith.constant 0 : i32
        %dma_start3A_344 = arith.constant 0 : i32
        %dma_start3A_345 = tpu.memref_slice %arg13[%dma_start3A_343, %dma_start3A_344] : memref<10240x128xf32, #tpu.memory_space<vmem_shared>> -> memref<10240x128xf32, #tpu.memory_space<vmem_shared>>
        tpu.enqueue_indirect_dma source(%arg11 : memref<128x128xf32, #tpu.memory_space<vmem>>) target(%dma_start3A_345 : memref<10240x128xf32, #tpu.memory_space<vmem_shared>>) offsets(%dma_start3A_342 : memref<128xi32, #tpu.memory_space<vmem>>) semaphore(%run_scoped3A_339 : memref<!tpu.dma_semaphore, #tpu.memory_space<semaphore_mem>>) {add = true}
        %dma_wait3A_346 = arith.constant 0 : i32
        %dma_wait3A_347 = tpu.memref_slice %arg9[%run_scoped3A_333, %dma_wait3A_346] : memref<8x128xi32, #tpu.memory_space<vmem>> -> memref<1x128xi32, #tpu.memory_space<vmem>>
        %dma_wait3A_348 = tpu.memref_squeeze %dma_wait3A_347 : memref<1x128xi32, #tpu.memory_space<vmem>> -> memref<128xi32, #tpu.memory_space<vmem>>
        %dma_wait3A_349 = arith.constant 0 : i32
        %dma_wait3A_350 = arith.constant 0 : i32
        %dma_wait3A_351 = tpu.memref_slice %arg13[%dma_wait3A_349, %dma_wait3A_350] : memref<10240x128xf32, #tpu.memory_space<vmem_shared>> -> memref<10240x128xf32, #tpu.memory_space<vmem_shared>>
        tpu.wait_indirect_dma semaphore(%run_scoped3A_339 : memref<!tpu.dma_semaphore, #tpu.memory_space<semaphore_mem>>) src(%arg11 : memref<128x128xf32, #tpu.memory_space<vmem>>) dst(%dma_wait3A_351 : memref<10240x128xf32, #tpu.memory_space<vmem_shared>>)
        tpu.yield
      }) : () -> ()
      %lt3A_334 = arith.constant 4 : i32
      %lt3A_335 = arith.cmpi slt, %scan3A_74, %lt3A_334 : i32
      %convert_element_type3A_336 = arith.extui %lt3A_335 : i1 to i32
      %cond3A_337 = arith.constant 0 : i32
      %cond3A_338 = arith.cmpi ne, %convert_element_type3A_336, %cond3A_337 : i32
      scf.if %cond3A_338 {
        %mul3A_339 = arith.constant 2 : i32
        %mul3A_340 = arith.muli %mul3A_339, %scan3A_74 : i32
        %add3A_341 = arith.constant 3 : i32
        %add3A_342 = arith.addi %mul3A_340, %add3A_341 : i32
        %mul3A_343 = arith.constant 8 : i32
        %mul3A_344 = arith.muli %add3A_342, %mul3A_343 : i32
        %dma_start3A_345 = arith.constant 0 : i32
        %dma_start3A_346 = tpu.memref_slice %arg3[%add3A, %mul3A_344, %dma_start3A_345] : memref<32x80x128xi32, #tpu.memory_space<hbm>> -> memref<1x8x128xi32, #tpu.memory_space<hbm>>
        %dma_start3A_347 = tpu.memref_squeeze %dma_start3A_346 : memref<1x8x128xi32, #tpu.memory_space<hbm>> -> memref<8x128xi32, #tpu.memory_space<hbm>>
        %dma_start3A_348 = arith.constant 0 : i32
        %dma_start3A_349 = tpu.memref_slice %arg3[%add3A, %mul3A_344, %dma_start3A_348] : memref<32x80x128xi32, #tpu.memory_space<hbm>> -> memref<1x8x128xi32, #tpu.memory_space<hbm>>
        %dma_start3A_350 = tpu.memref_squeeze %dma_start3A_349 : memref<1x8x128xi32, #tpu.memory_space<hbm>> -> memref<8x128xi32, #tpu.memory_space<hbm>>
        tpu.enqueue_dma source(%dma_start3A_350 : memref<8x128xi32, #tpu.memory_space<hbm>>) target(%arg8 : memref<8x128xi32, #tpu.memory_space<vmem>>) target_semaphore(%arg17 : memref<!tpu.dma_semaphore, #tpu.memory_space<semaphore_mem>>)
        %mul3A_351 = arith.constant 8 : i32
        %mul3A_352 = arith.muli %add3A_342, %mul3A_351 : i32
        %dma_start3A_353 = arith.constant 0 : i32
        %dma_start3A_354 = tpu.memref_slice %arg4[%add3A, %mul3A_352, %dma_start3A_353] : memref<32x80x128xi32, #tpu.memory_space<hbm>> -> memref<1x8x128xi32, #tpu.memory_space<hbm>>
        %dma_start3A_355 = tpu.memref_squeeze %dma_start3A_354 : memref<1x8x128xi32, #tpu.memory_space<hbm>> -> memref<8x128xi32, #tpu.memory_space<hbm>>
        %dma_start3A_356 = arith.constant 0 : i32
        %dma_start3A_357 = tpu.memref_slice %arg4[%add3A, %mul3A_352, %dma_start3A_356] : memref<32x80x128xi32, #tpu.memory_space<hbm>> -> memref<1x8x128xi32, #tpu.memory_space<hbm>>
        %dma_start3A_358 = tpu.memref_squeeze %dma_start3A_357 : memref<1x8x128xi32, #tpu.memory_space<hbm>> -> memref<8x128xi32, #tpu.memory_space<hbm>>
        tpu.enqueue_dma source(%dma_start3A_358 : memref<8x128xi32, #tpu.memory_space<hbm>>) target(%arg9 : memref<8x128xi32, #tpu.memory_space<vmem>>) target_semaphore(%arg17 : memref<!tpu.dma_semaphore, #tpu.memory_space<semaphore_mem>>)
      } else {
      }
    }
    %scan3A_67 = arith.constant 5 : i32
    %barrier3A_68 = arith.constant 0 : index
    tpu.barrier barrier_id(%barrier3A_68)
    %scan3A_69 = arith.constant 0 : i32
    %scan3A_70 = arith.constant 20 : i32
    %scan3A_71 = arith.addi %scan3A_69, %scan3A_70 : i32
    %scan3A_72 = arith.constant 1 : i32
    scf.for %scan3A_74 = %scan3A_69 to %scan3A_71 step %scan3A_72  : i32 {
      %mul3A_75 = arith.constant 640 : i32
      %mul3A_76 = arith.muli %arg1, %mul3A_75 : i32
      %mul3A_77 = arith.constant 32 : i32
      %mul3A_78 = arith.muli %scan3A_74, %mul3A_77 : i32
      %add3A_79 = arith.addi %mul3A_76, %mul3A_78 : i32
      "tpu.region"() ({
        %run_scoped3A = tpu.sem_alloc : memref<!tpu.dma_semaphore, #tpu.memory_space<semaphore_mem>>
        %dma_start3A_80 = arith.constant 0 : i32
        %dma_start3A_81 = tpu.memref_slice %arg13[%add3A_79, %dma_start3A_80] : memref<10240x128xf32, #tpu.memory_space<vmem_shared>> -> memref<32x128xf32, #tpu.memory_space<vmem_shared>>
        %dma_start3A_82 = arith.constant 0 : i32
        %dma_start3A_83 = tpu.memref_slice %arg13[%add3A_79, %dma_start3A_82] : memref<10240x128xf32, #tpu.memory_space<vmem_shared>> -> memref<32x128xf32, #tpu.memory_space<vmem_shared>>
        tpu.enqueue_dma source(%dma_start3A_83 : memref<32x128xf32, #tpu.memory_space<vmem_shared>>) target(%arg12 : memref<32x128xf32, #tpu.memory_space<vmem>>) target_semaphore(%run_scoped3A : memref<!tpu.dma_semaphore, #tpu.memory_space<semaphore_mem>>)
        %dma_wait3A_84 = arith.constant 0 : i32
        %dma_wait3A_85 = tpu.memref_slice %arg13[%add3A_79, %dma_wait3A_84] : memref<10240x128xf32, #tpu.memory_space<vmem_shared>> -> memref<32x128xf32, #tpu.memory_space<vmem_shared>>
        %dma_wait3A_86 = arith.constant 0 : i32
        %dma_wait3A_87 = tpu.memref_slice %arg13[%add3A_79, %dma_wait3A_86] : memref<10240x128xf32, #tpu.memory_space<vmem_shared>> -> memref<32x128xf32, #tpu.memory_space<vmem_shared>>
        tpu.wait_dma2 semaphore(%run_scoped3A : memref<!tpu.dma_semaphore, #tpu.memory_space<semaphore_mem>>) src(%dma_wait3A_87 : memref<32x128xf32, #tpu.memory_space<vmem_shared>>) dst(%arg12 : memref<32x128xf32, #tpu.memory_space<vmem>>)
        tpu.yield
      }) : () -> ()
      "tpu.region"() ({
        %run_scoped3A = tpu.sem_alloc : memref<!tpu.dma_semaphore, #tpu.memory_space<semaphore_mem>>
        %dma_start3A_80 = arith.constant 0 : i32
        %dma_start3A_81 = tpu.memref_slice %arg5[%arg0, %add3A_79, %dma_start3A_80] : memref<2x10240x128xf32, #tpu.memory_space<hbm>> -> memref<1x32x128xf32, #tpu.memory_space<hbm>>
        %dma_start3A_82 = tpu.memref_squeeze %dma_start3A_81 : memref<1x32x128xf32, #tpu.memory_space<hbm>> -> memref<32x128xf32, #tpu.memory_space<hbm>>
        %dma_start3A_83 = arith.constant 0 : i32
        %dma_start3A_84 = tpu.memref_slice %arg5[%arg0, %add3A_79, %dma_start3A_83] : memref<2x10240x128xf32, #tpu.memory_space<hbm>> -> memref<1x32x128xf32, #tpu.memory_space<hbm>>
        %dma_start3A_85 = tpu.memref_squeeze %dma_start3A_84 : memref<1x32x128xf32, #tpu.memory_space<hbm>> -> memref<32x128xf32, #tpu.memory_space<hbm>>
        tpu.enqueue_dma source(%arg12 : memref<32x128xf32, #tpu.memory_space<vmem>>) target(%dma_start3A_85 : memref<32x128xf32, #tpu.memory_space<hbm>>) target_semaphore(%run_scoped3A : memref<!tpu.dma_semaphore, #tpu.memory_space<semaphore_mem>>)
        %dma_wait3A_86 = arith.constant 0 : i32
        %dma_wait3A_87 = tpu.memref_slice %arg5[%arg0, %add3A_79, %dma_wait3A_86] : memref<2x10240x128xf32, #tpu.memory_space<hbm>> -> memref<1x32x128xf32, #tpu.memory_space<hbm>>
        %dma_wait3A_88 = tpu.memref_squeeze %dma_wait3A_87 : memref<1x32x128xf32, #tpu.memory_space<hbm>> -> memref<32x128xf32, #tpu.memory_space<hbm>>
        %dma_wait3A_89 = arith.constant 0 : i32
        %dma_wait3A_90 = tpu.memref_slice %arg5[%arg0, %add3A_79, %dma_wait3A_89] : memref<2x10240x128xf32, #tpu.memory_space<hbm>> -> memref<1x32x128xf32, #tpu.memory_space<hbm>>
        %dma_wait3A_91 = tpu.memref_squeeze %dma_wait3A_90 : memref<1x32x128xf32, #tpu.memory_space<hbm>> -> memref<32x128xf32, #tpu.memory_space<hbm>>
        tpu.wait_dma2 semaphore(%run_scoped3A : memref<!tpu.dma_semaphore, #tpu.memory_space<semaphore_mem>>) src(%arg12 : memref<32x128xf32, #tpu.memory_space<vmem>>) dst(%dma_wait3A_91 : memref<32x128xf32, #tpu.memory_space<hbm>>)
        tpu.yield
      }) : () -> ()
    }
    %scan3A_73 = arith.constant 20 : i32
    return
  }
}

#map = affine_map<(d0, d1) -> (0)>
#map1 = affine_map<(d0, d1) -> (0, 0)>
module attributes {stable_mosaic.version = 14 : i64} {
  func.func @_deg_body(%arg0: i32, %arg1: i32, %arg2: memref<320000xi32, #tpu.memory_space<hbm>>, %arg3: memref<320000xi32, #tpu.memory_space<hbm>>, %arg4: memref<2x10240xf32, #tpu.memory_space<hbm>>, %arg5: memref<2x10240xf32, #tpu.memory_space<hbm>>, %arg6: memref<2x10240xf32, #tpu.memory_space<hbm>>, %arg7: memref<10000xi32, #tpu.memory_space<vmem>>, %arg8: memref<10000xi32, #tpu.memory_space<vmem>>, %arg9: memref<10240xf32, #tpu.memory_space<vmem>>, %arg10: memref<10240xf32, #tpu.memory_space<vmem>>, %arg11: memref<10240xf32, #tpu.memory_space<vmem>>, %arg12: memref<16x640xf32, #tpu.memory_space<vmem>>, %arg13: memref<640xf32, #tpu.memory_space<vmem>>, %arg14: memref<3x16x10240xf32, #tpu.memory_space<vmem_shared>>, %arg15: memref<!tpu.dma_semaphore, #tpu.memory_space<semaphore_mem>>) attributes {dimension_semantics = [#tpu.dimension_semantics<core_parallel>, #tpu.dimension_semantics<subcore_parallel>], iteration_bounds = array<i64: 2, 16>, scalar_prefetch = 0 : i64, scratch_operands = 9 : i64, tpu.core_type = #tpu.core_type<sc_vector_subcore>, window_params = [{transform_indices = #map}, {transform_indices = #map}, {transform_indices = #map1}, {transform_indices = #map1}, {transform_indices = #map1}]} {
    %mul3A = arith.constant 2 : i32
    %mul3A_0 = arith.muli %arg1, %mul3A : i32
    %add3A = arith.addi %mul3A_0, %arg0 : i32
    %mul3A_1 = arith.constant 10000 : i32
    %mul3A_2 = arith.muli %add3A, %mul3A_1 : i32
    %dma_start3A = tpu.memref_slice %arg2[%mul3A_2] : memref<320000xi32, #tpu.memory_space<hbm>> -> memref<10000xi32, #tpu.memory_space<hbm>>
    %dma_start3A_3 = tpu.memref_slice %arg2[%mul3A_2] : memref<320000xi32, #tpu.memory_space<hbm>> -> memref<10000xi32, #tpu.memory_space<hbm>>
    tpu.enqueue_dma source(%dma_start3A_3 : memref<10000xi32, #tpu.memory_space<hbm>>) target(%arg7 : memref<10000xi32, #tpu.memory_space<vmem>>) target_semaphore(%arg15 : memref<!tpu.dma_semaphore, #tpu.memory_space<semaphore_mem>>)
    %mul3A_4 = arith.constant 10000 : i32
    %mul3A_5 = arith.muli %add3A, %mul3A_4 : i32
    %dma_start3A_6 = tpu.memref_slice %arg3[%mul3A_5] : memref<320000xi32, #tpu.memory_space<hbm>> -> memref<10000xi32, #tpu.memory_space<hbm>>
    %dma_start3A_7 = tpu.memref_slice %arg3[%mul3A_5] : memref<320000xi32, #tpu.memory_space<hbm>> -> memref<10000xi32, #tpu.memory_space<hbm>>
    tpu.enqueue_dma source(%dma_start3A_7 : memref<10000xi32, #tpu.memory_space<hbm>>) target(%arg8 : memref<10000xi32, #tpu.memory_space<vmem>>) target_semaphore(%arg15 : memref<!tpu.dma_semaphore, #tpu.memory_space<semaphore_mem>>)
    %scan3A = arith.constant 0 : i32
    %scan3A_8 = arith.constant 640 : i32
    %scan3A_9 = arith.addi %scan3A, %scan3A_8 : i32
    %scan3A_10 = arith.constant 1 : i32
    scf.for %scan3A_57 = %scan3A to %scan3A_9 step %scan3A_10  : i32 {
      %broadcast_in_dim3A_58 = arith.constant 0.000000e+00 : f32
      %broadcast_in_dim3A_59 = vector.broadcast %broadcast_in_dim3A_58 : f32 to vector<16xf32>
      %mul3A_60 = arith.constant 16 : i32
      %mul3A_61 = arith.muli %scan3A_57, %mul3A_60 : i32
      %swap3A = arith.index_cast %mul3A_61 : i32 to index
      %swap3A_62 = tpu.vector_load %arg9[%swap3A] {strides = array<i32>} : memref<10240xf32, #tpu.memory_space<vmem>>, vector<16xf32>,
      tpu.vector_store %arg9[%swap3A], %broadcast_in_dim3A_59 {strides = array<i32>} : memref<10240xf32, #tpu.memory_space<vmem>>, vector<16xf32>,
      %broadcast_in_dim3A_63 = arith.constant 0.000000e+00 : f32
      %broadcast_in_dim3A_64 = vector.broadcast %broadcast_in_dim3A_63 : f32 to vector<16xf32>
      %mul3A_65 = arith.constant 16 : i32
      %mul3A_66 = arith.muli %scan3A_57, %mul3A_65 : i32
      %swap3A_67 = arith.index_cast %mul3A_66 : i32 to index
      %swap3A_68 = tpu.vector_load %arg10[%swap3A_67] {strides = array<i32>} : memref<10240xf32, #tpu.memory_space<vmem>>, vector<16xf32>,
      tpu.vector_store %arg10[%swap3A_67], %broadcast_in_dim3A_64 {strides = array<i32>} : memref<10240xf32, #tpu.memory_space<vmem>>, vector<16xf32>,
      %broadcast_in_dim3A_69 = arith.constant 0.000000e+00 : f32
      %broadcast_in_dim3A_70 = vector.broadcast %broadcast_in_dim3A_69 : f32 to vector<16xf32>
      %mul3A_71 = arith.constant 16 : i32
      %mul3A_72 = arith.muli %scan3A_57, %mul3A_71 : i32
      %swap3A_73 = arith.index_cast %mul3A_72 : i32 to index
      %swap3A_74 = tpu.vector_load %arg11[%swap3A_73] {strides = array<i32>} : memref<10240xf32, #tpu.memory_space<vmem>>, vector<16xf32>,
      tpu.vector_store %arg11[%swap3A_73], %broadcast_in_dim3A_70 {strides = array<i32>} : memref<10240xf32, #tpu.memory_space<vmem>>, vector<16xf32>,
    }
    %scan3A_11 = arith.constant 640 : i32
    %mul3A_12 = arith.constant 10000 : i32
    %mul3A_13 = arith.muli %add3A, %mul3A_12 : i32
    %dma_wait3A = tpu.memref_slice %arg2[%mul3A_13] : memref<320000xi32, #tpu.memory_space<hbm>> -> memref<10000xi32, #tpu.memory_space<hbm>>
    %dma_wait3A_14 = tpu.memref_slice %arg2[%mul3A_13] : memref<320000xi32, #tpu.memory_space<hbm>> -> memref<10000xi32, #tpu.memory_space<hbm>>
    tpu.wait_dma2 semaphore(%arg15 : memref<!tpu.dma_semaphore, #tpu.memory_space<semaphore_mem>>) src(%dma_wait3A_14 : memref<10000xi32, #tpu.memory_space<hbm>>) dst(%arg7 : memref<10000xi32, #tpu.memory_space<vmem>>)
    %mul3A_15 = arith.constant 10000 : i32
    %mul3A_16 = arith.muli %add3A, %mul3A_15 : i32
    %dma_wait3A_17 = tpu.memref_slice %arg3[%mul3A_16] : memref<320000xi32, #tpu.memory_space<hbm>> -> memref<10000xi32, #tpu.memory_space<hbm>>
    %dma_wait3A_18 = tpu.memref_slice %arg3[%mul3A_16] : memref<320000xi32, #tpu.memory_space<hbm>> -> memref<10000xi32, #tpu.memory_space<hbm>>
    tpu.wait_dma2 semaphore(%arg15 : memref<!tpu.dma_semaphore, #tpu.memory_space<semaphore_mem>>) src(%dma_wait3A_18 : memref<10000xi32, #tpu.memory_space<hbm>>) dst(%arg8 : memref<10000xi32, #tpu.memory_space<vmem>>)
    %broadcast_in_dim3A = arith.constant 1.000000e+00 : f32
    %broadcast_in_dim3A_19 = vector.broadcast %broadcast_in_dim3A : f32 to vector<16xf32>
    %scan3A_20 = arith.constant 0 : i32
    %scan3A_21 = arith.constant 625 : i32
    %scan3A_22 = arith.addi %scan3A_20, %scan3A_21 : i32
    %scan3A_23 = arith.constant 1 : i32
    scf.for %scan3A_57 = %scan3A_20 to %scan3A_22 step %scan3A_23  : i32 {
      %mul3A_58 = arith.constant 16 : i32
      %mul3A_59 = arith.muli %scan3A_57, %mul3A_58 : i32
      %get3A = arith.index_cast %mul3A_59 : i32 to index
      %get3A_60 = tpu.vector_load %arg7[%get3A] {strides = array<i32>} : memref<10000xi32, #tpu.memory_space<vmem>>, vector<16xi32>,
      %mul3A_61 = arith.constant 16 : i32
      %mul3A_62 = arith.muli %scan3A_57, %mul3A_61 : i32
      %get3A_63 = arith.index_cast %mul3A_62 : i32 to index
      %get3A_64 = tpu.vector_load %arg8[%get3A_63] {strides = array<i32>} : memref<10000xi32, #tpu.memory_space<vmem>>, vector<16xi32>,
      %ne3A = arith.cmpi ne, %get3A_60, %get3A_64 : vector<16xi32>
      tpu.vector_store_idx %arg9[%get3A_60], %broadcast_in_dim3A_19 masked %ne3A {add = true} : memref<10240xf32, #tpu.memory_space<vmem>>[vector<16xi32>], vector<16xf32>, vector<16xi1>
      tpu.vector_store_idx %arg10[%get3A_64], %broadcast_in_dim3A_19 masked %ne3A {add = true} : memref<10240xf32, #tpu.memory_space<vmem>>[vector<16xi32>], vector<16xf32>, vector<16xi1>
      %not3A = arith.constant dense<true> : vector<16xi1>
      %not3A_65 = arith.xori %ne3A, %not3A : vector<16xi1>
      tpu.vector_store_idx %arg11[%get3A_60], %broadcast_in_dim3A_19 masked %not3A_65 {add = true} : memref<10240xf32, #tpu.memory_space<vmem>>[vector<16xi32>], vector<16xf32>, vector<16xi1>
    }
    %scan3A_24 = arith.constant 625 : i32
    %run_scoped3A = arith.constant 0 : i32
    "tpu.region"() ({
      %run_scoped3A_57 = tpu.sem_alloc : memref<!tpu.dma_semaphore, #tpu.memory_space<semaphore_mem>>
      %dma_start3A_58 = arith.constant 0 : i32
      %dma_start3A_59 = tpu.memref_slice %arg14[%run_scoped3A, %arg1, %dma_start3A_58] : memref<3x16x10240xf32, #tpu.memory_space<vmem_shared>> -> memref<1x1x10240xf32, #tpu.memory_space<vmem_shared>>
      %dma_start3A_60 = tpu.memref_squeeze %dma_start3A_59 : memref<1x1x10240xf32, #tpu.memory_space<vmem_shared>> -> memref<10240xf32, #tpu.memory_space<vmem_shared>>
      %dma_start3A_61 = arith.constant 0 : i32
      %dma_start3A_62 = tpu.memref_slice %arg14[%run_scoped3A, %arg1, %dma_start3A_61] : memref<3x16x10240xf32, #tpu.memory_space<vmem_shared>> -> memref<1x1x10240xf32, #tpu.memory_space<vmem_shared>>
      %dma_start3A_63 = tpu.memref_squeeze %dma_start3A_62 : memref<1x1x10240xf32, #tpu.memory_space<vmem_shared>> -> memref<10240xf32, #tpu.memory_space<vmem_shared>>
      tpu.enqueue_dma source(%arg9 : memref<10240xf32, #tpu.memory_space<vmem>>) target(%dma_start3A_63 : memref<10240xf32, #tpu.memory_space<vmem_shared>>) target_semaphore(%run_scoped3A_57 : memref<!tpu.dma_semaphore, #tpu.memory_space<semaphore_mem>>)
      %dma_wait3A_64 = arith.constant 0 : i32
      %dma_wait3A_65 = tpu.memref_slice %arg14[%run_scoped3A, %arg1, %dma_wait3A_64] : memref<3x16x10240xf32, #tpu.memory_space<vmem_shared>> -> memref<1x1x10240xf32, #tpu.memory_space<vmem_shared>>
      %dma_wait3A_66 = tpu.memref_squeeze %dma_wait3A_65 : memref<1x1x10240xf32, #tpu.memory_space<vmem_shared>> -> memref<10240xf32, #tpu.memory_space<vmem_shared>>
      %dma_wait3A_67 = arith.constant 0 : i32
      %dma_wait3A_68 = tpu.memref_slice %arg14[%run_scoped3A, %arg1, %dma_wait3A_67] : memref<3x16x10240xf32, #tpu.memory_space<vmem_shared>> -> memref<1x1x10240xf32, #tpu.memory_space<vmem_shared>>
      %dma_wait3A_69 = tpu.memref_squeeze %dma_wait3A_68 : memref<1x1x10240xf32, #tpu.memory_space<vmem_shared>> -> memref<10240xf32, #tpu.memory_space<vmem_shared>>
      tpu.wait_dma2 semaphore(%run_scoped3A_57 : memref<!tpu.dma_semaphore, #tpu.memory_space<semaphore_mem>>) src(%arg9 : memref<10240xf32, #tpu.memory_space<vmem>>) dst(%dma_wait3A_69 : memref<10240xf32, #tpu.memory_space<vmem_shared>>)
      tpu.yield
    }) : () -> ()
    %run_scoped3A_25 = arith.constant 1 : i32
    "tpu.region"() ({
      %run_scoped3A_57 = tpu.sem_alloc : memref<!tpu.dma_semaphore, #tpu.memory_space<semaphore_mem>>
      %dma_start3A_58 = arith.constant 0 : i32
      %dma_start3A_59 = tpu.memref_slice %arg14[%run_scoped3A_25, %arg1, %dma_start3A_58] : memref<3x16x10240xf32, #tpu.memory_space<vmem_shared>> -> memref<1x1x10240xf32, #tpu.memory_space<vmem_shared>>
      %dma_start3A_60 = tpu.memref_squeeze %dma_start3A_59 : memref<1x1x10240xf32, #tpu.memory_space<vmem_shared>> -> memref<10240xf32, #tpu.memory_space<vmem_shared>>
      %dma_start3A_61 = arith.constant 0 : i32
      %dma_start3A_62 = tpu.memref_slice %arg14[%run_scoped3A_25, %arg1, %dma_start3A_61] : memref<3x16x10240xf32, #tpu.memory_space<vmem_shared>> -> memref<1x1x10240xf32, #tpu.memory_space<vmem_shared>>
      %dma_start3A_63 = tpu.memref_squeeze %dma_start3A_62 : memref<1x1x10240xf32, #tpu.memory_space<vmem_shared>> -> memref<10240xf32, #tpu.memory_space<vmem_shared>>
      tpu.enqueue_dma source(%arg10 : memref<10240xf32, #tpu.memory_space<vmem>>) target(%dma_start3A_63 : memref<10240xf32, #tpu.memory_space<vmem_shared>>) target_semaphore(%run_scoped3A_57 : memref<!tpu.dma_semaphore, #tpu.memory_space<semaphore_mem>>)
      %dma_wait3A_64 = arith.constant 0 : i32
      %dma_wait3A_65 = tpu.memref_slice %arg14[%run_scoped3A_25, %arg1, %dma_wait3A_64] : memref<3x16x10240xf32, #tpu.memory_space<vmem_shared>> -> memref<1x1x10240xf32, #tpu.memory_space<vmem_shared>>
      %dma_wait3A_66 = tpu.memref_squeeze %dma_wait3A_65 : memref<1x1x10240xf32, #tpu.memory_space<vmem_shared>> -> memref<10240xf32, #tpu.memory_space<vmem_shared>>
      %dma_wait3A_67 = arith.constant 0 : i32
      %dma_wait3A_68 = tpu.memref_slice %arg14[%run_scoped3A_25, %arg1, %dma_wait3A_67] : memref<3x16x10240xf32, #tpu.memory_space<vmem_shared>> -> memref<1x1x10240xf32, #tpu.memory_space<vmem_shared>>
      %dma_wait3A_69 = tpu.memref_squeeze %dma_wait3A_68 : memref<1x1x10240xf32, #tpu.memory_space<vmem_shared>> -> memref<10240xf32, #tpu.memory_space<vmem_shared>>
      tpu.wait_dma2 semaphore(%run_scoped3A_57 : memref<!tpu.dma_semaphore, #tpu.memory_space<semaphore_mem>>) src(%arg10 : memref<10240xf32, #tpu.memory_space<vmem>>) dst(%dma_wait3A_69 : memref<10240xf32, #tpu.memory_space<vmem_shared>>)
      tpu.yield
    }) : () -> ()
    %run_scoped3A_26 = arith.constant 2 : i32
    "tpu.region"() ({
      %run_scoped3A_57 = tpu.sem_alloc : memref<!tpu.dma_semaphore, #tpu.memory_space<semaphore_mem>>
      %dma_start3A_58 = arith.constant 0 : i32
      %dma_start3A_59 = tpu.memref_slice %arg14[%run_scoped3A_26, %arg1, %dma_start3A_58] : memref<3x16x10240xf32, #tpu.memory_space<vmem_shared>> -> memref<1x1x10240xf32, #tpu.memory_space<vmem_shared>>
      %dma_start3A_60 = tpu.memref_squeeze %dma_start3A_59 : memref<1x1x10240xf32, #tpu.memory_space<vmem_shared>> -> memref<10240xf32, #tpu.memory_space<vmem_shared>>
      %dma_start3A_61 = arith.constant 0 : i32
      %dma_start3A_62 = tpu.memref_slice %arg14[%run_scoped3A_26, %arg1, %dma_start3A_61] : memref<3x16x10240xf32, #tpu.memory_space<vmem_shared>> -> memref<1x1x10240xf32, #tpu.memory_space<vmem_shared>>
      %dma_start3A_63 = tpu.memref_squeeze %dma_start3A_62 : memref<1x1x10240xf32, #tpu.memory_space<vmem_shared>> -> memref<10240xf32, #tpu.memory_space<vmem_shared>>
      tpu.enqueue_dma source(%arg11 : memref<10240xf32, #tpu.memory_space<vmem>>) target(%dma_start3A_63 : memref<10240xf32, #tpu.memory_space<vmem_shared>>) target_semaphore(%run_scoped3A_57 : memref<!tpu.dma_semaphore, #tpu.memory_space<semaphore_mem>>)
      %dma_wait3A_64 = arith.constant 0 : i32
      %dma_wait3A_65 = tpu.memref_slice %arg14[%run_scoped3A_26, %arg1, %dma_wait3A_64] : memref<3x16x10240xf32, #tpu.memory_space<vmem_shared>> -> memref<1x1x10240xf32, #tpu.memory_space<vmem_shared>>
      %dma_wait3A_66 = tpu.memref_squeeze %dma_wait3A_65 : memref<1x1x10240xf32, #tpu.memory_space<vmem_shared>> -> memref<10240xf32, #tpu.memory_space<vmem_shared>>
      %dma_wait3A_67 = arith.constant 0 : i32
      %dma_wait3A_68 = tpu.memref_slice %arg14[%run_scoped3A_26, %arg1, %dma_wait3A_67] : memref<3x16x10240xf32, #tpu.memory_space<vmem_shared>> -> memref<1x1x10240xf32, #tpu.memory_space<vmem_shared>>
      %dma_wait3A_69 = tpu.memref_squeeze %dma_wait3A_68 : memref<1x1x10240xf32, #tpu.memory_space<vmem_shared>> -> memref<10240xf32, #tpu.memory_space<vmem_shared>>
      tpu.wait_dma2 semaphore(%run_scoped3A_57 : memref<!tpu.dma_semaphore, #tpu.memory_space<semaphore_mem>>) src(%arg11 : memref<10240xf32, #tpu.memory_space<vmem>>) dst(%dma_wait3A_69 : memref<10240xf32, #tpu.memory_space<vmem_shared>>)
      tpu.yield
    }) : () -> ()
    %barrier3A = arith.constant 0 : index
    tpu.barrier barrier_id(%barrier3A)
    %mul3A_27 = arith.constant 640 : i32
    %mul3A_28 = arith.muli %arg1, %mul3A_27 : i32
    %run_scoped3A_29 = arith.constant 0 : i32
    "tpu.region"() ({
      %run_scoped3A_57 = tpu.sem_alloc : memref<!tpu.dma_semaphore, #tpu.memory_space<semaphore_mem>>
      %dma_start3A_58 = arith.constant 0 : i32
      %dma_start3A_59 = tpu.memref_slice %arg14[%run_scoped3A_29, %dma_start3A_58, %mul3A_28] : memref<3x16x10240xf32, #tpu.memory_space<vmem_shared>> -> memref<1x16x640xf32, #tpu.memory_space<vmem_shared>>
      %dma_start3A_60 = tpu.memref_squeeze %dma_start3A_59 : memref<1x16x640xf32, #tpu.memory_space<vmem_shared>> -> memref<16x640xf32, #tpu.memory_space<vmem_shared>>
      %dma_start3A_61 = arith.constant 0 : i32
      %dma_start3A_62 = tpu.memref_slice %arg14[%run_scoped3A_29, %dma_start3A_61, %mul3A_28] : memref<3x16x10240xf32, #tpu.memory_space<vmem_shared>> -> memref<1x16x640xf32, #tpu.memory_space<vmem_shared>>
      %dma_start3A_63 = tpu.memref_squeeze %dma_start3A_62 : memref<1x16x640xf32, #tpu.memory_space<vmem_shared>> -> memref<16x640xf32, #tpu.memory_space<vmem_shared>>
      tpu.enqueue_dma source(%dma_start3A_63 : memref<16x640xf32, #tpu.memory_space<vmem_shared>>) target(%arg12 : memref<16x640xf32, #tpu.memory_space<vmem>>) target_semaphore(%run_scoped3A_57 : memref<!tpu.dma_semaphore, #tpu.memory_space<semaphore_mem>>)
      %dma_wait3A_64 = arith.constant 0 : i32
      %dma_wait3A_65 = tpu.memref_slice %arg14[%run_scoped3A_29, %dma_wait3A_64, %mul3A_28] : memref<3x16x10240xf32, #tpu.memory_space<vmem_shared>> -> memref<1x16x640xf32, #tpu.memory_space<vmem_shared>>
      %dma_wait3A_66 = tpu.memref_squeeze %dma_wait3A_65 : memref<1x16x640xf32, #tpu.memory_space<vmem_shared>> -> memref<16x640xf32, #tpu.memory_space<vmem_shared>>
      %dma_wait3A_67 = arith.constant 0 : i32
      %dma_wait3A_68 = tpu.memref_slice %arg14[%run_scoped3A_29, %dma_wait3A_67, %mul3A_28] : memref<3x16x10240xf32, #tpu.memory_space<vmem_shared>> -> memref<1x16x640xf32, #tpu.memory_space<vmem_shared>>
      %dma_wait3A_69 = tpu.memref_squeeze %dma_wait3A_68 : memref<1x16x640xf32, #tpu.memory_space<vmem_shared>> -> memref<16x640xf32, #tpu.memory_space<vmem_shared>>
      tpu.wait_dma2 semaphore(%run_scoped3A_57 : memref<!tpu.dma_semaphore, #tpu.memory_space<semaphore_mem>>) src(%dma_wait3A_69 : memref<16x640xf32, #tpu.memory_space<vmem_shared>>) dst(%arg12 : memref<16x640xf32, #tpu.memory_space<vmem>>)
      tpu.yield
    }) : () -> ()
    %scan3A_30 = arith.constant 0 : i32
    %scan3A_31 = arith.constant 40 : i32
    %scan3A_32 = arith.addi %scan3A_30, %scan3A_31 : i32
    %scan3A_33 = arith.constant 1 : i32
    scf.for %scan3A_57 = %scan3A_30 to %scan3A_32 step %scan3A_33  : i32 {
      %broadcast_in_dim3A_58 = arith.constant 0.000000e+00 : f32
      %broadcast_in_dim3A_59 = vector.broadcast %broadcast_in_dim3A_58 : f32 to vector<16xf32>
      %mul3A_60 = arith.constant 16 : i32
      %mul3A_61 = arith.muli %scan3A_57, %mul3A_60 : i32
      %get3A = arith.constant 0 : i32
      %get3A_62 = arith.index_cast %get3A : i32 to index
      %get3A_63 = arith.index_cast %mul3A_61 : i32 to index
      %get3A_64 = tpu.vector_load %arg12[%get3A_62, %get3A_63] {strides = array<i32>} : memref<16x640xf32, #tpu.memory_space<vmem>>, vector<16xf32>,
      %add3A_65 = arith.addf %broadcast_in_dim3A_59, %get3A_64 : vector<16xf32>
      %mul3A_66 = arith.constant 16 : i32
      %mul3A_67 = arith.muli %scan3A_57, %mul3A_66 : i32
      %get3A_68 = arith.constant 1 : i32
      %get3A_69 = arith.index_cast %get3A_68 : i32 to index
      %get3A_70 = arith.index_cast %mul3A_67 : i32 to index
      %get3A_71 = tpu.vector_load %arg12[%get3A_69, %get3A_70] {strides = array<i32>} : memref<16x640xf32, #tpu.memory_space<vmem>>, vector<16xf32>,
      %add3A_72 = arith.addf %add3A_65, %get3A_71 : vector<16xf32>
      %mul3A_73 = arith.constant 16 : i32
      %mul3A_74 = arith.muli %scan3A_57, %mul3A_73 : i32
      %get3A_75 = arith.constant 2 : i32
      %get3A_76 = arith.index_cast %get3A_75 : i32 to index
      %get3A_77 = arith.index_cast %mul3A_74 : i32 to index
      %get3A_78 = tpu.vector_load %arg12[%get3A_76, %get3A_77] {strides = array<i32>} : memref<16x640xf32, #tpu.memory_space<vmem>>, vector<16xf32>,
      %add3A_79 = arith.addf %add3A_72, %get3A_78 : vector<16xf32>
      %mul3A_80 = arith.constant 16 : i32
      %mul3A_81 = arith.muli %scan3A_57, %mul3A_80 : i32
      %get3A_82 = arith.constant 3 : i32
      %get3A_83 = arith.index_cast %get3A_82 : i32 to index
      %get3A_84 = arith.index_cast %mul3A_81 : i32 to index
      %get3A_85 = tpu.vector_load %arg12[%get3A_83, %get3A_84] {strides = array<i32>} : memref<16x640xf32, #tpu.memory_space<vmem>>, vector<16xf32>,
      %add3A_86 = arith.addf %add3A_79, %get3A_85 : vector<16xf32>
      %mul3A_87 = arith.constant 16 : i32
      %mul3A_88 = arith.muli %scan3A_57, %mul3A_87 : i32
      %get3A_89 = arith.constant 4 : i32
      %get3A_90 = arith.index_cast %get3A_89 : i32 to index
      %get3A_91 = arith.index_cast %mul3A_88 : i32 to index
      %get3A_92 = tpu.vector_load %arg12[%get3A_90, %get3A_91] {strides = array<i32>} : memref<16x640xf32, #tpu.memory_space<vmem>>, vector<16xf32>,
      %add3A_93 = arith.addf %add3A_86, %get3A_92 : vector<16xf32>
      %mul3A_94 = arith.constant 16 : i32
      %mul3A_95 = arith.muli %scan3A_57, %mul3A_94 : i32
      %get3A_96 = arith.constant 5 : i32
      %get3A_97 = arith.index_cast %get3A_96 : i32 to index
      %get3A_98 = arith.index_cast %mul3A_95 : i32 to index
      %get3A_99 = tpu.vector_load %arg12[%get3A_97, %get3A_98] {strides = array<i32>} : memref<16x640xf32, #tpu.memory_space<vmem>>, vector<16xf32>,
      %add3A_100 = arith.addf %add3A_93, %get3A_99 : vector<16xf32>
      %mul3A_101 = arith.constant 16 : i32
      %mul3A_102 = arith.muli %scan3A_57, %mul3A_101 : i32
      %get3A_103 = arith.constant 6 : i32
      %get3A_104 = arith.index_cast %get3A_103 : i32 to index
      %get3A_105 = arith.index_cast %mul3A_102 : i32 to index
      %get3A_106 = tpu.vector_load %arg12[%get3A_104, %get3A_105] {strides = array<i32>} : memref<16x640xf32, #tpu.memory_space<vmem>>, vector<16xf32>,
      %add3A_107 = arith.addf %add3A_100, %get3A_106 : vector<16xf32>
      %mul3A_108 = arith.constant 16 : i32
      %mul3A_109 = arith.muli %scan3A_57, %mul3A_108 : i32
      %get3A_110 = arith.constant 7 : i32
      %get3A_111 = arith.index_cast %get3A_110 : i32 to index
      %get3A_112 = arith.index_cast %mul3A_109 : i32 to index
      %get3A_113 = tpu.vector_load %arg12[%get3A_111, %get3A_112] {strides = array<i32>} : memref<16x640xf32, #tpu.memory_space<vmem>>, vector<16xf32>,
      %add3A_114 = arith.addf %add3A_107, %get3A_113 : vector<16xf32>
      %mul3A_115 = arith.constant 16 : i32
      %mul3A_116 = arith.muli %scan3A_57, %mul3A_115 : i32
      %get3A_117 = arith.constant 8 : i32
      %get3A_118 = arith.index_cast %get3A_117 : i32 to index
      %get3A_119 = arith.index_cast %mul3A_116 : i32 to index
      %get3A_120 = tpu.vector_load %arg12[%get3A_118, %get3A_119] {strides = array<i32>} : memref<16x640xf32, #tpu.memory_space<vmem>>, vector<16xf32>,
      %add3A_121 = arith.addf %add3A_114, %get3A_120 : vector<16xf32>
      %mul3A_122 = arith.constant 16 : i32
      %mul3A_123 = arith.muli %scan3A_57, %mul3A_122 : i32
      %get3A_124 = arith.constant 9 : i32
      %get3A_125 = arith.index_cast %get3A_124 : i32 to index
      %get3A_126 = arith.index_cast %mul3A_123 : i32 to index
      %get3A_127 = tpu.vector_load %arg12[%get3A_125, %get3A_126] {strides = array<i32>} : memref<16x640xf32, #tpu.memory_space<vmem>>, vector<16xf32>,
      %add3A_128 = arith.addf %add3A_121, %get3A_127 : vector<16xf32>
      %mul3A_129 = arith.constant 16 : i32
      %mul3A_130 = arith.muli %scan3A_57, %mul3A_129 : i32
      %get3A_131 = arith.constant 10 : i32
      %get3A_132 = arith.index_cast %get3A_131 : i32 to index
      %get3A_133 = arith.index_cast %mul3A_130 : i32 to index
      %get3A_134 = tpu.vector_load %arg12[%get3A_132, %get3A_133] {strides = array<i32>} : memref<16x640xf32, #tpu.memory_space<vmem>>, vector<16xf32>,
      %add3A_135 = arith.addf %add3A_128, %get3A_134 : vector<16xf32>
      %mul3A_136 = arith.constant 16 : i32
      %mul3A_137 = arith.muli %scan3A_57, %mul3A_136 : i32
      %get3A_138 = arith.constant 11 : i32
      %get3A_139 = arith.index_cast %get3A_138 : i32 to index
      %get3A_140 = arith.index_cast %mul3A_137 : i32 to index
      %get3A_141 = tpu.vector_load %arg12[%get3A_139, %get3A_140] {strides = array<i32>} : memref<16x640xf32, #tpu.memory_space<vmem>>, vector<16xf32>,
      %add3A_142 = arith.addf %add3A_135, %get3A_141 : vector<16xf32>
      %mul3A_143 = arith.constant 16 : i32
      %mul3A_144 = arith.muli %scan3A_57, %mul3A_143 : i32
      %get3A_145 = arith.constant 12 : i32
      %get3A_146 = arith.index_cast %get3A_145 : i32 to index
      %get3A_147 = arith.index_cast %mul3A_144 : i32 to index
      %get3A_148 = tpu.vector_load %arg12[%get3A_146, %get3A_147] {strides = array<i32>} : memref<16x640xf32, #tpu.memory_space<vmem>>, vector<16xf32>,
      %add3A_149 = arith.addf %add3A_142, %get3A_148 : vector<16xf32>
      %mul3A_150 = arith.constant 16 : i32
      %mul3A_151 = arith.muli %scan3A_57, %mul3A_150 : i32
      %get3A_152 = arith.constant 13 : i32
      %get3A_153 = arith.index_cast %get3A_152 : i32 to index
      %get3A_154 = arith.index_cast %mul3A_151 : i32 to index
      %get3A_155 = tpu.vector_load %arg12[%get3A_153, %get3A_154] {strides = array<i32>} : memref<16x640xf32, #tpu.memory_space<vmem>>, vector<16xf32>,
      %add3A_156 = arith.addf %add3A_149, %get3A_155 : vector<16xf32>
      %mul3A_157 = arith.constant 16 : i32
      %mul3A_158 = arith.muli %scan3A_57, %mul3A_157 : i32
      %get3A_159 = arith.constant 14 : i32
      %get3A_160 = arith.index_cast %get3A_159 : i32 to index
      %get3A_161 = arith.index_cast %mul3A_158 : i32 to index
      %get3A_162 = tpu.vector_load %arg12[%get3A_160, %get3A_161] {strides = array<i32>} : memref<16x640xf32, #tpu.memory_space<vmem>>, vector<16xf32>,
      %add3A_163 = arith.addf %add3A_156, %get3A_162 : vector<16xf32>
      %mul3A_164 = arith.constant 16 : i32
      %mul3A_165 = arith.muli %scan3A_57, %mul3A_164 : i32
      %get3A_166 = arith.constant 15 : i32
      %get3A_167 = arith.index_cast %get3A_166 : i32 to index
      %get3A_168 = arith.index_cast %mul3A_165 : i32 to index
      %get3A_169 = tpu.vector_load %arg12[%get3A_167, %get3A_168] {strides = array<i32>} : memref<16x640xf32, #tpu.memory_space<vmem>>, vector<16xf32>,
      %add3A_170 = arith.addf %add3A_163, %get3A_169 : vector<16xf32>
      %mul3A_171 = arith.constant 16 : i32
      %mul3A_172 = arith.muli %scan3A_57, %mul3A_171 : i32
      %swap3A = arith.index_cast %mul3A_172 : i32 to index
      %swap3A_173 = tpu.vector_load %arg13[%swap3A] {strides = array<i32>} : memref<640xf32, #tpu.memory_space<vmem>>, vector<16xf32>,
      tpu.vector_store %arg13[%swap3A], %add3A_170 {strides = array<i32>} : memref<640xf32, #tpu.memory_space<vmem>>, vector<16xf32>,
    }
    %scan3A_34 = arith.constant 40 : i32
    %mul3A_35 = arith.constant 640 : i32
    %mul3A_36 = arith.muli %arg1, %mul3A_35 : i32
    "tpu.region"() ({
      %run_scoped3A_57 = tpu.sem_alloc : memref<!tpu.dma_semaphore, #tpu.memory_space<semaphore_mem>>
      %dma_start3A_58 = tpu.memref_slice %arg4[%arg0, %mul3A_36] : memref<2x10240xf32, #tpu.memory_space<hbm>> -> memref<1x640xf32, #tpu.memory_space<hbm>>
      %dma_start3A_59 = tpu.memref_squeeze %dma_start3A_58 : memref<1x640xf32, #tpu.memory_space<hbm>> -> memref<640xf32, #tpu.memory_space<hbm>>
      %dma_start3A_60 = tpu.memref_slice %arg4[%arg0, %mul3A_36] : memref<2x10240xf32, #tpu.memory_space<hbm>> -> memref<1x640xf32, #tpu.memory_space<hbm>>
      %dma_start3A_61 = tpu.memref_squeeze %dma_start3A_60 : memref<1x640xf32, #tpu.memory_space<hbm>> -> memref<640xf32, #tpu.memory_space<hbm>>
      tpu.enqueue_dma source(%arg13 : memref<640xf32, #tpu.memory_space<vmem>>) target(%dma_start3A_61 : memref<640xf32, #tpu.memory_space<hbm>>) target_semaphore(%run_scoped3A_57 : memref<!tpu.dma_semaphore, #tpu.memory_space<semaphore_mem>>)
      %dma_wait3A_62 = tpu.memref_slice %arg4[%arg0, %mul3A_36] : memref<2x10240xf32, #tpu.memory_space<hbm>> -> memref<1x640xf32, #tpu.memory_space<hbm>>
      %dma_wait3A_63 = tpu.memref_squeeze %dma_wait3A_62 : memref<1x640xf32, #tpu.memory_space<hbm>> -> memref<640xf32, #tpu.memory_space<hbm>>
      %dma_wait3A_64 = tpu.memref_slice %arg4[%arg0, %mul3A_36] : memref<2x10240xf32, #tpu.memory_space<hbm>> -> memref<1x640xf32, #tpu.memory_space<hbm>>
      %dma_wait3A_65 = tpu.memref_squeeze %dma_wait3A_64 : memref<1x640xf32, #tpu.memory_space<hbm>> -> memref<640xf32, #tpu.memory_space<hbm>>
      tpu.wait_dma2 semaphore(%run_scoped3A_57 : memref<!tpu.dma_semaphore, #tpu.memory_space<semaphore_mem>>) src(%arg13 : memref<640xf32, #tpu.memory_space<vmem>>) dst(%dma_wait3A_65 : memref<640xf32, #tpu.memory_space<hbm>>)
      tpu.yield
    }) : () -> ()
    %mul3A_37 = arith.constant 640 : i32
    %mul3A_38 = arith.muli %arg1, %mul3A_37 : i32
    %run_scoped3A_39 = arith.constant 1 : i32
    "tpu.region"() ({
      %run_scoped3A_57 = tpu.sem_alloc : memref<!tpu.dma_semaphore, #tpu.memory_space<semaphore_mem>>
      %dma_start3A_58 = arith.constant 0 : i32
      %dma_start3A_59 = tpu.memref_slice %arg14[%run_scoped3A_39, %dma_start3A_58, %mul3A_38] : memref<3x16x10240xf32, #tpu.memory_space<vmem_shared>> -> memref<1x16x640xf32, #tpu.memory_space<vmem_shared>>
      %dma_start3A_60 = tpu.memref_squeeze %dma_start3A_59 : memref<1x16x640xf32, #tpu.memory_space<vmem_shared>> -> memref<16x640xf32, #tpu.memory_space<vmem_shared>>
      %dma_start3A_61 = arith.constant 0 : i32
      %dma_start3A_62 = tpu.memref_slice %arg14[%run_scoped3A_39, %dma_start3A_61, %mul3A_38] : memref<3x16x10240xf32, #tpu.memory_space<vmem_shared>> -> memref<1x16x640xf32, #tpu.memory_space<vmem_shared>>
      %dma_start3A_63 = tpu.memref_squeeze %dma_start3A_62 : memref<1x16x640xf32, #tpu.memory_space<vmem_shared>> -> memref<16x640xf32, #tpu.memory_space<vmem_shared>>
      tpu.enqueue_dma source(%dma_start3A_63 : memref<16x640xf32, #tpu.memory_space<vmem_shared>>) target(%arg12 : memref<16x640xf32, #tpu.memory_space<vmem>>) target_semaphore(%run_scoped3A_57 : memref<!tpu.dma_semaphore, #tpu.memory_space<semaphore_mem>>)
      %dma_wait3A_64 = arith.constant 0 : i32
      %dma_wait3A_65 = tpu.memref_slice %arg14[%run_scoped3A_39, %dma_wait3A_64, %mul3A_38] : memref<3x16x10240xf32, #tpu.memory_space<vmem_shared>> -> memref<1x16x640xf32, #tpu.memory_space<vmem_shared>>
      %dma_wait3A_66 = tpu.memref_squeeze %dma_wait3A_65 : memref<1x16x640xf32, #tpu.memory_space<vmem_shared>> -> memref<16x640xf32, #tpu.memory_space<vmem_shared>>
      %dma_wait3A_67 = arith.constant 0 : i32
      %dma_wait3A_68 = tpu.memref_slice %arg14[%run_scoped3A_39, %dma_wait3A_67, %mul3A_38] : memref<3x16x10240xf32, #tpu.memory_space<vmem_shared>> -> memref<1x16x640xf32, #tpu.memory_space<vmem_shared>>
      %dma_wait3A_69 = tpu.memref_squeeze %dma_wait3A_68 : memref<1x16x640xf32, #tpu.memory_space<vmem_shared>> -> memref<16x640xf32, #tpu.memory_space<vmem_shared>>
      tpu.wait_dma2 semaphore(%run_scoped3A_57 : memref<!tpu.dma_semaphore, #tpu.memory_space<semaphore_mem>>) src(%dma_wait3A_69 : memref<16x640xf32, #tpu.memory_space<vmem_shared>>) dst(%arg12 : memref<16x640xf32, #tpu.memory_space<vmem>>)
      tpu.yield
    }) : () -> ()
    %scan3A_40 = arith.constant 0 : i32
    %scan3A_41 = arith.constant 40 : i32
    %scan3A_42 = arith.addi %scan3A_40, %scan3A_41 : i32
    %scan3A_43 = arith.constant 1 : i32
    scf.for %scan3A_57 = %scan3A_40 to %scan3A_42 step %scan3A_43  : i32 {
      %broadcast_in_dim3A_58 = arith.constant 0.000000e+00 : f32
      %broadcast_in_dim3A_59 = vector.broadcast %broadcast_in_dim3A_58 : f32 to vector<16xf32>
      %mul3A_60 = arith.constant 16 : i32
      %mul3A_61 = arith.muli %scan3A_57, %mul3A_60 : i32
      %get3A = arith.constant 0 : i32
      %get3A_62 = arith.index_cast %get3A : i32 to index
      %get3A_63 = arith.index_cast %mul3A_61 : i32 to index
      %get3A_64 = tpu.vector_load %arg12[%get3A_62, %get3A_63] {strides = array<i32>} : memref<16x640xf32, #tpu.memory_space<vmem>>, vector<16xf32>,
      %add3A_65 = arith.addf %broadcast_in_dim3A_59, %get3A_64 : vector<16xf32>
      %mul3A_66 = arith.constant 16 : i32
      %mul3A_67 = arith.muli %scan3A_57, %mul3A_66 : i32
      %get3A_68 = arith.constant 1 : i32
      %get3A_69 = arith.index_cast %get3A_68 : i32 to index
      %get3A_70 = arith.index_cast %mul3A_67 : i32 to index
      %get3A_71 = tpu.vector_load %arg12[%get3A_69, %get3A_70] {strides = array<i32>} : memref<16x640xf32, #tpu.memory_space<vmem>>, vector<16xf32>,
      %add3A_72 = arith.addf %add3A_65, %get3A_71 : vector<16xf32>
      %mul3A_73 = arith.constant 16 : i32
      %mul3A_74 = arith.muli %scan3A_57, %mul3A_73 : i32
      %get3A_75 = arith.constant 2 : i32
      %get3A_76 = arith.index_cast %get3A_75 : i32 to index
      %get3A_77 = arith.index_cast %mul3A_74 : i32 to index
      %get3A_78 = tpu.vector_load %arg12[%get3A_76, %get3A_77] {strides = array<i32>} : memref<16x640xf32, #tpu.memory_space<vmem>>, vector<16xf32>,
      %add3A_79 = arith.addf %add3A_72, %get3A_78 : vector<16xf32>
      %mul3A_80 = arith.constant 16 : i32
      %mul3A_81 = arith.muli %scan3A_57, %mul3A_80 : i32
      %get3A_82 = arith.constant 3 : i32
      %get3A_83 = arith.index_cast %get3A_82 : i32 to index
      %get3A_84 = arith.index_cast %mul3A_81 : i32 to index
      %get3A_85 = tpu.vector_load %arg12[%get3A_83, %get3A_84] {strides = array<i32>} : memref<16x640xf32, #tpu.memory_space<vmem>>, vector<16xf32>,
      %add3A_86 = arith.addf %add3A_79, %get3A_85 : vector<16xf32>
      %mul3A_87 = arith.constant 16 : i32
      %mul3A_88 = arith.muli %scan3A_57, %mul3A_87 : i32
      %get3A_89 = arith.constant 4 : i32
      %get3A_90 = arith.index_cast %get3A_89 : i32 to index
      %get3A_91 = arith.index_cast %mul3A_88 : i32 to index
      %get3A_92 = tpu.vector_load %arg12[%get3A_90, %get3A_91] {strides = array<i32>} : memref<16x640xf32, #tpu.memory_space<vmem>>, vector<16xf32>,
      %add3A_93 = arith.addf %add3A_86, %get3A_92 : vector<16xf32>
      %mul3A_94 = arith.constant 16 : i32
      %mul3A_95 = arith.muli %scan3A_57, %mul3A_94 : i32
      %get3A_96 = arith.constant 5 : i32
      %get3A_97 = arith.index_cast %get3A_96 : i32 to index
      %get3A_98 = arith.index_cast %mul3A_95 : i32 to index
      %get3A_99 = tpu.vector_load %arg12[%get3A_97, %get3A_98] {strides = array<i32>} : memref<16x640xf32, #tpu.memory_space<vmem>>, vector<16xf32>,
      %add3A_100 = arith.addf %add3A_93, %get3A_99 : vector<16xf32>
      %mul3A_101 = arith.constant 16 : i32
      %mul3A_102 = arith.muli %scan3A_57, %mul3A_101 : i32
      %get3A_103 = arith.constant 6 : i32
      %get3A_104 = arith.index_cast %get3A_103 : i32 to index
      %get3A_105 = arith.index_cast %mul3A_102 : i32 to index
      %get3A_106 = tpu.vector_load %arg12[%get3A_104, %get3A_105] {strides = array<i32>} : memref<16x640xf32, #tpu.memory_space<vmem>>, vector<16xf32>,
      %add3A_107 = arith.addf %add3A_100, %get3A_106 : vector<16xf32>
      %mul3A_108 = arith.constant 16 : i32
      %mul3A_109 = arith.muli %scan3A_57, %mul3A_108 : i32
      %get3A_110 = arith.constant 7 : i32
      %get3A_111 = arith.index_cast %get3A_110 : i32 to index
      %get3A_112 = arith.index_cast %mul3A_109 : i32 to index
      %get3A_113 = tpu.vector_load %arg12[%get3A_111, %get3A_112] {strides = array<i32>} : memref<16x640xf32, #tpu.memory_space<vmem>>, vector<16xf32>,
      %add3A_114 = arith.addf %add3A_107, %get3A_113 : vector<16xf32>
      %mul3A_115 = arith.constant 16 : i32
      %mul3A_116 = arith.muli %scan3A_57, %mul3A_115 : i32
      %get3A_117 = arith.constant 8 : i32
      %get3A_118 = arith.index_cast %get3A_117 : i32 to index
      %get3A_119 = arith.index_cast %mul3A_116 : i32 to index
      %get3A_120 = tpu.vector_load %arg12[%get3A_118, %get3A_119] {strides = array<i32>} : memref<16x640xf32, #tpu.memory_space<vmem>>, vector<16xf32>,
      %add3A_121 = arith.addf %add3A_114, %get3A_120 : vector<16xf32>
      %mul3A_122 = arith.constant 16 : i32
      %mul3A_123 = arith.muli %scan3A_57, %mul3A_122 : i32
      %get3A_124 = arith.constant 9 : i32
      %get3A_125 = arith.index_cast %get3A_124 : i32 to index
      %get3A_126 = arith.index_cast %mul3A_123 : i32 to index
      %get3A_127 = tpu.vector_load %arg12[%get3A_125, %get3A_126] {strides = array<i32>} : memref<16x640xf32, #tpu.memory_space<vmem>>, vector<16xf32>,
      %add3A_128 = arith.addf %add3A_121, %get3A_127 : vector<16xf32>
      %mul3A_129 = arith.constant 16 : i32
      %mul3A_130 = arith.muli %scan3A_57, %mul3A_129 : i32
      %get3A_131 = arith.constant 10 : i32
      %get3A_132 = arith.index_cast %get3A_131 : i32 to index
      %get3A_133 = arith.index_cast %mul3A_130 : i32 to index
      %get3A_134 = tpu.vector_load %arg12[%get3A_132, %get3A_133] {strides = array<i32>} : memref<16x640xf32, #tpu.memory_space<vmem>>, vector<16xf32>,
      %add3A_135 = arith.addf %add3A_128, %get3A_134 : vector<16xf32>
      %mul3A_136 = arith.constant 16 : i32
      %mul3A_137 = arith.muli %scan3A_57, %mul3A_136 : i32
      %get3A_138 = arith.constant 11 : i32
      %get3A_139 = arith.index_cast %get3A_138 : i32 to index
      %get3A_140 = arith.index_cast %mul3A_137 : i32 to index
      %get3A_141 = tpu.vector_load %arg12[%get3A_139, %get3A_140] {strides = array<i32>} : memref<16x640xf32, #tpu.memory_space<vmem>>, vector<16xf32>,
      %add3A_142 = arith.addf %add3A_135, %get3A_141 : vector<16xf32>
      %mul3A_143 = arith.constant 16 : i32
      %mul3A_144 = arith.muli %scan3A_57, %mul3A_143 : i32
      %get3A_145 = arith.constant 12 : i32
      %get3A_146 = arith.index_cast %get3A_145 : i32 to index
      %get3A_147 = arith.index_cast %mul3A_144 : i32 to index
      %get3A_148 = tpu.vector_load %arg12[%get3A_146, %get3A_147] {strides = array<i32>} : memref<16x640xf32, #tpu.memory_space<vmem>>, vector<16xf32>,
      %add3A_149 = arith.addf %add3A_142, %get3A_148 : vector<16xf32>
      %mul3A_150 = arith.constant 16 : i32
      %mul3A_151 = arith.muli %scan3A_57, %mul3A_150 : i32
      %get3A_152 = arith.constant 13 : i32
      %get3A_153 = arith.index_cast %get3A_152 : i32 to index
      %get3A_154 = arith.index_cast %mul3A_151 : i32 to index
      %get3A_155 = tpu.vector_load %arg12[%get3A_153, %get3A_154] {strides = array<i32>} : memref<16x640xf32, #tpu.memory_space<vmem>>, vector<16xf32>,
      %add3A_156 = arith.addf %add3A_149, %get3A_155 : vector<16xf32>
      %mul3A_157 = arith.constant 16 : i32
      %mul3A_158 = arith.muli %scan3A_57, %mul3A_157 : i32
      %get3A_159 = arith.constant 14 : i32
      %get3A_160 = arith.index_cast %get3A_159 : i32 to index
      %get3A_161 = arith.index_cast %mul3A_158 : i32 to index
      %get3A_162 = tpu.vector_load %arg12[%get3A_160, %get3A_161] {strides = array<i32>} : memref<16x640xf32, #tpu.memory_space<vmem>>, vector<16xf32>,
      %add3A_163 = arith.addf %add3A_156, %get3A_162 : vector<16xf32>
      %mul3A_164 = arith.constant 16 : i32
      %mul3A_165 = arith.muli %scan3A_57, %mul3A_164 : i32
      %get3A_166 = arith.constant 15 : i32
      %get3A_167 = arith.index_cast %get3A_166 : i32 to index
      %get3A_168 = arith.index_cast %mul3A_165 : i32 to index
      %get3A_169 = tpu.vector_load %arg12[%get3A_167, %get3A_168] {strides = array<i32>} : memref<16x640xf32, #tpu.memory_space<vmem>>, vector<16xf32>,
      %add3A_170 = arith.addf %add3A_163, %get3A_169 : vector<16xf32>
      %mul3A_171 = arith.constant 16 : i32
      %mul3A_172 = arith.muli %scan3A_57, %mul3A_171 : i32
      %swap3A = arith.index_cast %mul3A_172 : i32 to index
      %swap3A_173 = tpu.vector_load %arg13[%swap3A] {strides = array<i32>} : memref<640xf32, #tpu.memory_space<vmem>>, vector<16xf32>,
      tpu.vector_store %arg13[%swap3A], %add3A_170 {strides = array<i32>} : memref<640xf32, #tpu.memory_space<vmem>>, vector<16xf32>,
    }
    %scan3A_44 = arith.constant 40 : i32
    %mul3A_45 = arith.constant 640 : i32
    %mul3A_46 = arith.muli %arg1, %mul3A_45 : i32
    "tpu.region"() ({
      %run_scoped3A_57 = tpu.sem_alloc : memref<!tpu.dma_semaphore, #tpu.memory_space<semaphore_mem>>
      %dma_start3A_58 = tpu.memref_slice %arg5[%arg0, %mul3A_46] : memref<2x10240xf32, #tpu.memory_space<hbm>> -> memref<1x640xf32, #tpu.memory_space<hbm>>
      %dma_start3A_59 = tpu.memref_squeeze %dma_start3A_58 : memref<1x640xf32, #tpu.memory_space<hbm>> -> memref<640xf32, #tpu.memory_space<hbm>>
      %dma_start3A_60 = tpu.memref_slice %arg5[%arg0, %mul3A_46] : memref<2x10240xf32, #tpu.memory_space<hbm>> -> memref<1x640xf32, #tpu.memory_space<hbm>>
      %dma_start3A_61 = tpu.memref_squeeze %dma_start3A_60 : memref<1x640xf32, #tpu.memory_space<hbm>> -> memref<640xf32, #tpu.memory_space<hbm>>
      tpu.enqueue_dma source(%arg13 : memref<640xf32, #tpu.memory_space<vmem>>) target(%dma_start3A_61 : memref<640xf32, #tpu.memory_space<hbm>>) target_semaphore(%run_scoped3A_57 : memref<!tpu.dma_semaphore, #tpu.memory_space<semaphore_mem>>)
      %dma_wait3A_62 = tpu.memref_slice %arg5[%arg0, %mul3A_46] : memref<2x10240xf32, #tpu.memory_space<hbm>> -> memref<1x640xf32, #tpu.memory_space<hbm>>
      %dma_wait3A_63 = tpu.memref_squeeze %dma_wait3A_62 : memref<1x640xf32, #tpu.memory_space<hbm>> -> memref<640xf32, #tpu.memory_space<hbm>>
      %dma_wait3A_64 = tpu.memref_slice %arg5[%arg0, %mul3A_46] : memref<2x10240xf32, #tpu.memory_space<hbm>> -> memref<1x640xf32, #tpu.memory_space<hbm>>
      %dma_wait3A_65 = tpu.memref_squeeze %dma_wait3A_64 : memref<1x640xf32, #tpu.memory_space<hbm>> -> memref<640xf32, #tpu.memory_space<hbm>>
      tpu.wait_dma2 semaphore(%run_scoped3A_57 : memref<!tpu.dma_semaphore, #tpu.memory_space<semaphore_mem>>) src(%arg13 : memref<640xf32, #tpu.memory_space<vmem>>) dst(%dma_wait3A_65 : memref<640xf32, #tpu.memory_space<hbm>>)
      tpu.yield
    }) : () -> ()
    %mul3A_47 = arith.constant 640 : i32
    %mul3A_48 = arith.muli %arg1, %mul3A_47 : i32
    %run_scoped3A_49 = arith.constant 2 : i32
    "tpu.region"() ({
      %run_scoped3A_57 = tpu.sem_alloc : memref<!tpu.dma_semaphore, #tpu.memory_space<semaphore_mem>>
      %dma_start3A_58 = arith.constant 0 : i32
      %dma_start3A_59 = tpu.memref_slice %arg14[%run_scoped3A_49, %dma_start3A_58, %mul3A_48] : memref<3x16x10240xf32, #tpu.memory_space<vmem_shared>> -> memref<1x16x640xf32, #tpu.memory_space<vmem_shared>>
      %dma_start3A_60 = tpu.memref_squeeze %dma_start3A_59 : memref<1x16x640xf32, #tpu.memory_space<vmem_shared>> -> memref<16x640xf32, #tpu.memory_space<vmem_shared>>
      %dma_start3A_61 = arith.constant 0 : i32
      %dma_start3A_62 = tpu.memref_slice %arg14[%run_scoped3A_49, %dma_start3A_61, %mul3A_48] : memref<3x16x10240xf32, #tpu.memory_space<vmem_shared>> -> memref<1x16x640xf32, #tpu.memory_space<vmem_shared>>
      %dma_start3A_63 = tpu.memref_squeeze %dma_start3A_62 : memref<1x16x640xf32, #tpu.memory_space<vmem_shared>> -> memref<16x640xf32, #tpu.memory_space<vmem_shared>>
      tpu.enqueue_dma source(%dma_start3A_63 : memref<16x640xf32, #tpu.memory_space<vmem_shared>>) target(%arg12 : memref<16x640xf32, #tpu.memory_space<vmem>>) target_semaphore(%run_scoped3A_57 : memref<!tpu.dma_semaphore, #tpu.memory_space<semaphore_mem>>)
      %dma_wait3A_64 = arith.constant 0 : i32
      %dma_wait3A_65 = tpu.memref_slice %arg14[%run_scoped3A_49, %dma_wait3A_64, %mul3A_48] : memref<3x16x10240xf32, #tpu.memory_space<vmem_shared>> -> memref<1x16x640xf32, #tpu.memory_space<vmem_shared>>
      %dma_wait3A_66 = tpu.memref_squeeze %dma_wait3A_65 : memref<1x16x640xf32, #tpu.memory_space<vmem_shared>> -> memref<16x640xf32, #tpu.memory_space<vmem_shared>>
      %dma_wait3A_67 = arith.constant 0 : i32
      %dma_wait3A_68 = tpu.memref_slice %arg14[%run_scoped3A_49, %dma_wait3A_67, %mul3A_48] : memref<3x16x10240xf32, #tpu.memory_space<vmem_shared>> -> memref<1x16x640xf32, #tpu.memory_space<vmem_shared>>
      %dma_wait3A_69 = tpu.memref_squeeze %dma_wait3A_68 : memref<1x16x640xf32, #tpu.memory_space<vmem_shared>> -> memref<16x640xf32, #tpu.memory_space<vmem_shared>>
      tpu.wait_dma2 semaphore(%run_scoped3A_57 : memref<!tpu.dma_semaphore, #tpu.memory_space<semaphore_mem>>) src(%dma_wait3A_69 : memref<16x640xf32, #tpu.memory_space<vmem_shared>>) dst(%arg12 : memref<16x640xf32, #tpu.memory_space<vmem>>)
      tpu.yield
    }) : () -> ()
    %scan3A_50 = arith.constant 0 : i32
    %scan3A_51 = arith.constant 40 : i32
    %scan3A_52 = arith.addi %scan3A_50, %scan3A_51 : i32
    %scan3A_53 = arith.constant 1 : i32
    scf.for %scan3A_57 = %scan3A_50 to %scan3A_52 step %scan3A_53  : i32 {
      %broadcast_in_dim3A_58 = arith.constant 0.000000e+00 : f32
      %broadcast_in_dim3A_59 = vector.broadcast %broadcast_in_dim3A_58 : f32 to vector<16xf32>
      %mul3A_60 = arith.constant 16 : i32
      %mul3A_61 = arith.muli %scan3A_57, %mul3A_60 : i32
      %get3A = arith.constant 0 : i32
      %get3A_62 = arith.index_cast %get3A : i32 to index
      %get3A_63 = arith.index_cast %mul3A_61 : i32 to index
      %get3A_64 = tpu.vector_load %arg12[%get3A_62, %get3A_63] {strides = array<i32>} : memref<16x640xf32, #tpu.memory_space<vmem>>, vector<16xf32>,
      %add3A_65 = arith.addf %broadcast_in_dim3A_59, %get3A_64 : vector<16xf32>
      %mul3A_66 = arith.constant 16 : i32
      %mul3A_67 = arith.muli %scan3A_57, %mul3A_66 : i32
      %get3A_68 = arith.constant 1 : i32
      %get3A_69 = arith.index_cast %get3A_68 : i32 to index
      %get3A_70 = arith.index_cast %mul3A_67 : i32 to index
      %get3A_71 = tpu.vector_load %arg12[%get3A_69, %get3A_70] {strides = array<i32>} : memref<16x640xf32, #tpu.memory_space<vmem>>, vector<16xf32>,
      %add3A_72 = arith.addf %add3A_65, %get3A_71 : vector<16xf32>
      %mul3A_73 = arith.constant 16 : i32
      %mul3A_74 = arith.muli %scan3A_57, %mul3A_73 : i32
      %get3A_75 = arith.constant 2 : i32
      %get3A_76 = arith.index_cast %get3A_75 : i32 to index
      %get3A_77 = arith.index_cast %mul3A_74 : i32 to index
      %get3A_78 = tpu.vector_load %arg12[%get3A_76, %get3A_77] {strides = array<i32>} : memref<16x640xf32, #tpu.memory_space<vmem>>, vector<16xf32>,
      %add3A_79 = arith.addf %add3A_72, %get3A_78 : vector<16xf32>
      %mul3A_80 = arith.constant 16 : i32
      %mul3A_81 = arith.muli %scan3A_57, %mul3A_80 : i32
      %get3A_82 = arith.constant 3 : i32
      %get3A_83 = arith.index_cast %get3A_82 : i32 to index
      %get3A_84 = arith.index_cast %mul3A_81 : i32 to index
      %get3A_85 = tpu.vector_load %arg12[%get3A_83, %get3A_84] {strides = array<i32>} : memref<16x640xf32, #tpu.memory_space<vmem>>, vector<16xf32>,
      %add3A_86 = arith.addf %add3A_79, %get3A_85 : vector<16xf32>
      %mul3A_87 = arith.constant 16 : i32
      %mul3A_88 = arith.muli %scan3A_57, %mul3A_87 : i32
      %get3A_89 = arith.constant 4 : i32
      %get3A_90 = arith.index_cast %get3A_89 : i32 to index
      %get3A_91 = arith.index_cast %mul3A_88 : i32 to index
      %get3A_92 = tpu.vector_load %arg12[%get3A_90, %get3A_91] {strides = array<i32>} : memref<16x640xf32, #tpu.memory_space<vmem>>, vector<16xf32>,
      %add3A_93 = arith.addf %add3A_86, %get3A_92 : vector<16xf32>
      %mul3A_94 = arith.constant 16 : i32
      %mul3A_95 = arith.muli %scan3A_57, %mul3A_94 : i32
      %get3A_96 = arith.constant 5 : i32
      %get3A_97 = arith.index_cast %get3A_96 : i32 to index
      %get3A_98 = arith.index_cast %mul3A_95 : i32 to index
      %get3A_99 = tpu.vector_load %arg12[%get3A_97, %get3A_98] {strides = array<i32>} : memref<16x640xf32, #tpu.memory_space<vmem>>, vector<16xf32>,
      %add3A_100 = arith.addf %add3A_93, %get3A_99 : vector<16xf32>
      %mul3A_101 = arith.constant 16 : i32
      %mul3A_102 = arith.muli %scan3A_57, %mul3A_101 : i32
      %get3A_103 = arith.constant 6 : i32
      %get3A_104 = arith.index_cast %get3A_103 : i32 to index
      %get3A_105 = arith.index_cast %mul3A_102 : i32 to index
      %get3A_106 = tpu.vector_load %arg12[%get3A_104, %get3A_105] {strides = array<i32>} : memref<16x640xf32, #tpu.memory_space<vmem>>, vector<16xf32>,
      %add3A_107 = arith.addf %add3A_100, %get3A_106 : vector<16xf32>
      %mul3A_108 = arith.constant 16 : i32
      %mul3A_109 = arith.muli %scan3A_57, %mul3A_108 : i32
      %get3A_110 = arith.constant 7 : i32
      %get3A_111 = arith.index_cast %get3A_110 : i32 to index
      %get3A_112 = arith.index_cast %mul3A_109 : i32 to index
      %get3A_113 = tpu.vector_load %arg12[%get3A_111, %get3A_112] {strides = array<i32>} : memref<16x640xf32, #tpu.memory_space<vmem>>, vector<16xf32>,
      %add3A_114 = arith.addf %add3A_107, %get3A_113 : vector<16xf32>
      %mul3A_115 = arith.constant 16 : i32
      %mul3A_116 = arith.muli %scan3A_57, %mul3A_115 : i32
      %get3A_117 = arith.constant 8 : i32
      %get3A_118 = arith.index_cast %get3A_117 : i32 to index
      %get3A_119 = arith.index_cast %mul3A_116 : i32 to index
      %get3A_120 = tpu.vector_load %arg12[%get3A_118, %get3A_119] {strides = array<i32>} : memref<16x640xf32, #tpu.memory_space<vmem>>, vector<16xf32>,
      %add3A_121 = arith.addf %add3A_114, %get3A_120 : vector<16xf32>
      %mul3A_122 = arith.constant 16 : i32
      %mul3A_123 = arith.muli %scan3A_57, %mul3A_122 : i32
      %get3A_124 = arith.constant 9 : i32
      %get3A_125 = arith.index_cast %get3A_124 : i32 to index
      %get3A_126 = arith.index_cast %mul3A_123 : i32 to index
      %get3A_127 = tpu.vector_load %arg12[%get3A_125, %get3A_126] {strides = array<i32>} : memref<16x640xf32, #tpu.memory_space<vmem>>, vector<16xf32>,
      %add3A_128 = arith.addf %add3A_121, %get3A_127 : vector<16xf32>
      %mul3A_129 = arith.constant 16 : i32
      %mul3A_130 = arith.muli %scan3A_57, %mul3A_129 : i32
      %get3A_131 = arith.constant 10 : i32
      %get3A_132 = arith.index_cast %get3A_131 : i32 to index
      %get3A_133 = arith.index_cast %mul3A_130 : i32 to index
      %get3A_134 = tpu.vector_load %arg12[%get3A_132, %get3A_133] {strides = array<i32>} : memref<16x640xf32, #tpu.memory_space<vmem>>, vector<16xf32>,
      %add3A_135 = arith.addf %add3A_128, %get3A_134 : vector<16xf32>
      %mul3A_136 = arith.constant 16 : i32
      %mul3A_137 = arith.muli %scan3A_57, %mul3A_136 : i32
      %get3A_138 = arith.constant 11 : i32
      %get3A_139 = arith.index_cast %get3A_138 : i32 to index
      %get3A_140 = arith.index_cast %mul3A_137 : i32 to index
      %get3A_141 = tpu.vector_load %arg12[%get3A_139, %get3A_140] {strides = array<i32>} : memref<16x640xf32, #tpu.memory_space<vmem>>, vector<16xf32>,
      %add3A_142 = arith.addf %add3A_135, %get3A_141 : vector<16xf32>
      %mul3A_143 = arith.constant 16 : i32
      %mul3A_144 = arith.muli %scan3A_57, %mul3A_143 : i32
      %get3A_145 = arith.constant 12 : i32
      %get3A_146 = arith.index_cast %get3A_145 : i32 to index
      %get3A_147 = arith.index_cast %mul3A_144 : i32 to index
      %get3A_148 = tpu.vector_load %arg12[%get3A_146, %get3A_147] {strides = array<i32>} : memref<16x640xf32, #tpu.memory_space<vmem>>, vector<16xf32>,
      %add3A_149 = arith.addf %add3A_142, %get3A_148 : vector<16xf32>
      %mul3A_150 = arith.constant 16 : i32
      %mul3A_151 = arith.muli %scan3A_57, %mul3A_150 : i32
      %get3A_152 = arith.constant 13 : i32
      %get3A_153 = arith.index_cast %get3A_152 : i32 to index
      %get3A_154 = arith.index_cast %mul3A_151 : i32 to index
      %get3A_155 = tpu.vector_load %arg12[%get3A_153, %get3A_154] {strides = array<i32>} : memref<16x640xf32, #tpu.memory_space<vmem>>, vector<16xf32>,
      %add3A_156 = arith.addf %add3A_149, %get3A_155 : vector<16xf32>
      %mul3A_157 = arith.constant 16 : i32
      %mul3A_158 = arith.muli %scan3A_57, %mul3A_157 : i32
      %get3A_159 = arith.constant 14 : i32
      %get3A_160 = arith.index_cast %get3A_159 : i32 to index
      %get3A_161 = arith.index_cast %mul3A_158 : i32 to index
      %get3A_162 = tpu.vector_load %arg12[%get3A_160, %get3A_161] {strides = array<i32>} : memref<16x640xf32, #tpu.memory_space<vmem>>, vector<16xf32>,
      %add3A_163 = arith.addf %add3A_156, %get3A_162 : vector<16xf32>
      %mul3A_164 = arith.constant 16 : i32
      %mul3A_165 = arith.muli %scan3A_57, %mul3A_164 : i32
      %get3A_166 = arith.constant 15 : i32
      %get3A_167 = arith.index_cast %get3A_166 : i32 to index
      %get3A_168 = arith.index_cast %mul3A_165 : i32 to index
      %get3A_169 = tpu.vector_load %arg12[%get3A_167, %get3A_168] {strides = array<i32>} : memref<16x640xf32, #tpu.memory_space<vmem>>, vector<16xf32>,
      %add3A_170 = arith.addf %add3A_163, %get3A_169 : vector<16xf32>
      %mul3A_171 = arith.constant 16 : i32
      %mul3A_172 = arith.muli %scan3A_57, %mul3A_171 : i32
      %swap3A = arith.index_cast %mul3A_172 : i32 to index
      %swap3A_173 = tpu.vector_load %arg13[%swap3A] {strides = array<i32>} : memref<640xf32, #tpu.memory_space<vmem>>, vector<16xf32>,
      tpu.vector_store %arg13[%swap3A], %add3A_170 {strides = array<i32>} : memref<640xf32, #tpu.memory_space<vmem>>, vector<16xf32>,
    }
    %scan3A_54 = arith.constant 40 : i32
    %mul3A_55 = arith.constant 640 : i32
    %mul3A_56 = arith.muli %arg1, %mul3A_55 : i32
    "tpu.region"() ({
      %run_scoped3A_57 = tpu.sem_alloc : memref<!tpu.dma_semaphore, #tpu.memory_space<semaphore_mem>>
      %dma_start3A_58 = tpu.memref_slice %arg6[%arg0, %mul3A_56] : memref<2x10240xf32, #tpu.memory_space<hbm>> -> memref<1x640xf32, #tpu.memory_space<hbm>>
      %dma_start3A_59 = tpu.memref_squeeze %dma_start3A_58 : memref<1x640xf32, #tpu.memory_space<hbm>> -> memref<640xf32, #tpu.memory_space<hbm>>
      %dma_start3A_60 = tpu.memref_slice %arg6[%arg0, %mul3A_56] : memref<2x10240xf32, #tpu.memory_space<hbm>> -> memref<1x640xf32, #tpu.memory_space<hbm>>
      %dma_start3A_61 = tpu.memref_squeeze %dma_start3A_60 : memref<1x640xf32, #tpu.memory_space<hbm>> -> memref<640xf32, #tpu.memory_space<hbm>>
      tpu.enqueue_dma source(%arg13 : memref<640xf32, #tpu.memory_space<vmem>>) target(%dma_start3A_61 : memref<640xf32, #tpu.memory_space<hbm>>) target_semaphore(%run_scoped3A_57 : memref<!tpu.dma_semaphore, #tpu.memory_space<semaphore_mem>>)
      %dma_wait3A_62 = tpu.memref_slice %arg6[%arg0, %mul3A_56] : memref<2x10240xf32, #tpu.memory_space<hbm>> -> memref<1x640xf32, #tpu.memory_space<hbm>>
      %dma_wait3A_63 = tpu.memref_squeeze %dma_wait3A_62 : memref<1x640xf32, #tpu.memory_space<hbm>> -> memref<640xf32, #tpu.memory_space<hbm>>
      %dma_wait3A_64 = tpu.memref_slice %arg6[%arg0, %mul3A_56] : memref<2x10240xf32, #tpu.memory_space<hbm>> -> memref<1x640xf32, #tpu.memory_space<hbm>>
      %dma_wait3A_65 = tpu.memref_squeeze %dma_wait3A_64 : memref<1x640xf32, #tpu.memory_space<hbm>> -> memref<640xf32, #tpu.memory_space<hbm>>
      tpu.wait_dma2 semaphore(%run_scoped3A_57 : memref<!tpu.dma_semaphore, #tpu.memory_space<semaphore_mem>>) src(%arg13 : memref<640xf32, #tpu.memory_space<vmem>>) dst(%dma_wait3A_65 : memref<640xf32, #tpu.memory_space<hbm>>)
      tpu.yield
    }) : () -> ()
    return
  }
}

module attributes {stable_mosaic.version = 14 : i64} {
  func.func @_scale_body(%arg0: i32, %arg1: memref<1000x128xf32, #tpu.memory_space<vmem>>, %arg2: memref<2x1000x1xf32, #tpu.memory_space<vmem>>, %arg3: memref<1000x128xf32, #tpu.memory_space<vmem>>) attributes {dimension_semantics = [#tpu.dimension_semantics<arbitrary>], iteration_bounds = array<i64: 10>, scalar_prefetch = 0 : i64, scratch_operands = 0 : i64, tpu.core_type = #tpu.core_type<tc>, window_params = [{transform_indices = @transform_0, window_bounds = array<i64: 1000, 128>}, {transform_indices = @transform_1, window_bounds = array<i64: 2, 1000, 1>}, {transform_indices = @transform_2, window_bounds = array<i64: 1000, 128>}]} {
    %get3A = arith.constant 0 : index
    %get3A_0 = arith.constant 0 : index
    %get3A_1 = arith.constant 0 : index
    %get3A_2 = vector.load %arg2[%get3A, %get3A_0, %get3A_1] : memref<2x1000x1xf32, #tpu.memory_space<vmem>>, vector<1x1000x1xf32>
    %get3A_3 = vector.shape_cast %get3A_2 : vector<1x1000x1xf32> to vector<1000x1xf32>
    %get3A_4 = arith.constant 1 : index
    %get3A_5 = arith.constant 0 : index
    %get3A_6 = arith.constant 0 : index
    %get3A_7 = vector.load %arg2[%get3A_4, %get3A_5, %get3A_6] : memref<2x1000x1xf32, #tpu.memory_space<vmem>>, vector<1x1000x1xf32>
    %get3A_8 = vector.shape_cast %get3A_7 : vector<1x1000x1xf32> to vector<1000x1xf32>
    %add3A = arith.addf %get3A_3, %get3A_8 : vector<1000x1xf32>
    %add3A_9 = arith.constant 1.000000e+00 : f32
    %add3A_10 = vector.broadcast %add3A_9 : f32 to vector<1000x1xf32>
    %add3A_11 = arith.addf %add3A, %add3A_10 : vector<1000x1xf32>
    %get3A_12 = arith.constant 0 : index
    %get3A_13 = arith.constant 0 : index
    %get3A_14 = vector.load %arg1[%get3A_12, %get3A_13] : memref<1000x128xf32, #tpu.memory_space<vmem>>, vector<1000x128xf32>
    %rsqrt3A = math.rsqrt %add3A_11 : vector<1000x1xf32>
    %mul3A = vector.broadcast %rsqrt3A : vector<1000x1xf32> to vector<1000x128xf32>
    %mul3A_15 = arith.mulf %get3A_14, %mul3A : vector<1000x128xf32>
    %swap3A = arith.constant 0 : index
    %swap3A_16 = arith.constant 0 : index
    %swap3A_17 = vector.load %arg3[%swap3A, %swap3A_16] : memref<1000x128xf32, #tpu.memory_space<vmem>>, vector<1000x128xf32>
    tpu.vector_store %arg3[%swap3A, %swap3A_16], %mul3A_15 {strides = array<i32>} : memref<1000x128xf32, #tpu.memory_space<vmem>>, vector<1000x128xf32>,
    return
  }
  func.func @transform_0(%arg0: i32) -> (i32, i32) {
    %c0_i32 = arith.constant 0 : i32
    %c0_i32_0 = arith.constant 0 : i32
    return %arg0, %c0_i32 : i32, i32
  }
  func.func @transform_1(%arg0: i32) -> (i32, i32, i32) {
    %c0_i32 = arith.constant 0 : i32
    %c0_i32_0 = arith.constant 0 : i32
    %c0_i32_1 = arith.constant 0 : i32
    return %c0_i32, %arg0, %c0_i32_0 : i32, i32, i32
  }
  func.func @transform_2(%arg0: i32) -> (i32, i32) {
    %c0_i32 = arith.constant 0 : i32
    %c0_i32_0 = arith.constant 0 : i32
    return %arg0, %c0_i32 : i32, i32
  }
}

module attributes {stable_mosaic.version = 14 : i64} {
  func.func @_out_body(%arg0: i32, %arg1: memref<2x1000x128xf32, #tpu.memory_space<vmem>>, %arg2: memref<1000x128xf32, #tpu.memory_space<vmem>>, %arg3: memref<2x1000x1xf32, #tpu.memory_space<vmem>>, %arg4: memref<2x1000x1xf32, #tpu.memory_space<vmem>>, %arg5: memref<128x128xf32, #tpu.memory_space<vmem>>, %arg6: memref<1x128xf32, #tpu.memory_space<vmem>>, %arg7: memref<1000x128xf32, #tpu.memory_space<vmem>>) attributes {dimension_semantics = [#tpu.dimension_semantics<arbitrary>], iteration_bounds = array<i64: 10>, scalar_prefetch = 0 : i64, scratch_operands = 0 : i64, tpu.core_type = #tpu.core_type<tc>, window_params = [{transform_indices = @transform_0, window_bounds = array<i64: 2, 1000, 128>}, {transform_indices = @transform_1, window_bounds = array<i64: 1000, 128>}, {transform_indices = @transform_2, window_bounds = array<i64: 2, 1000, 1>}, {transform_indices = @transform_3, window_bounds = array<i64: 2, 1000, 1>}, {pipeline_mode = #tpu.pipeline_mode<synchronous>, transform_indices = @transform_4, window_bounds = array<i64: 128, 128>}, {pipeline_mode = #tpu.pipeline_mode<synchronous>, transform_indices = @transform_5, window_bounds = array<i64: 1, 128>}, {transform_indices = @transform_6, window_bounds = array<i64: 1000, 128>}]} {
    %iota3A = tpu.iota {dimensions = array<i32: 0>} : vector<1000x1xi32>
    %mul3A = arith.constant 1000 : i32
    %mul3A_0 = arith.muli %arg0, %mul3A : i32
    %add3A = vector.broadcast %mul3A_0 : i32 to vector<1000x1xi32>
    %add3A_1 = arith.addi %iota3A, %add3A : vector<1000x1xi32>
    %lt3A = arith.constant 7680 : i32
    %lt3A_2 = vector.broadcast %lt3A : i32 to vector<1000x1xi32>
    %lt3A_3 = arith.cmpi slt, %add3A_1, %lt3A_2 : vector<1000x1xi32>
    %convert_element_type3A = arith.extui %lt3A_3 : vector<1000x1xi1> to vector<1000x1xi32>
    %convert_element_type3A_4 = arith.sitofp %convert_element_type3A : vector<1000x1xi32> to vector<1000x1xf32>
    %get3A = arith.constant 0 : index
    %get3A_5 = arith.constant 0 : index
    %get3A_6 = arith.constant 0 : index
    %get3A_7 = vector.load %arg4[%get3A, %get3A_5, %get3A_6] : memref<2x1000x1xf32, #tpu.memory_space<vmem>>, vector<1x1000x1xf32>
    %get3A_8 = vector.shape_cast %get3A_7 : vector<1x1000x1xf32> to vector<1000x1xf32>
    %sub3A = arith.constant 1.000000e+00 : f32
    %sub3A_9 = vector.broadcast %sub3A : f32 to vector<1000x1xf32>
    %sub3A_10 = arith.subf %sub3A_9, %get3A_8 : vector<1000x1xf32>
    %get3A_11 = arith.constant 1 : index
    %get3A_12 = arith.constant 0 : index
    %get3A_13 = arith.constant 0 : index
    %get3A_14 = vector.load %arg4[%get3A_11, %get3A_12, %get3A_13] : memref<2x1000x1xf32, #tpu.memory_space<vmem>>, vector<1x1000x1xf32>
    %get3A_15 = vector.shape_cast %get3A_14 : vector<1x1000x1xf32> to vector<1000x1xf32>
    %sub3A_16 = arith.subf %sub3A_10, %get3A_15 : vector<1000x1xf32>
    %sub3A_17 = arith.subf %sub3A_16, %convert_element_type3A_4 : vector<1000x1xf32>
    %get3A_18 = arith.constant 0 : index
    %get3A_19 = arith.constant 0 : index
    %get3A_20 = vector.load %arg2[%get3A_18, %get3A_19] : memref<1000x128xf32, #tpu.memory_space<vmem>>, vector<1000x128xf32>
    %mul3A_21 = vector.broadcast %sub3A_17 : vector<1000x1xf32> to vector<1000x128xf32>
    %mul3A_22 = arith.mulf %mul3A_21, %get3A_20 : vector<1000x128xf32>
    %get3A_23 = arith.constant 0 : index
    %get3A_24 = arith.constant 0 : index
    %get3A_25 = arith.constant 0 : index
    %get3A_26 = vector.load %arg1[%get3A_23, %get3A_24, %get3A_25] : memref<2x1000x128xf32, #tpu.memory_space<vmem>>, vector<1x1000x128xf32>
    %get3A_27 = vector.shape_cast %get3A_26 : vector<1x1000x128xf32> to vector<1000x128xf32>
    %get3A_28 = arith.constant 1 : index
    %get3A_29 = arith.constant 0 : index
    %get3A_30 = arith.constant 0 : index
    %get3A_31 = vector.load %arg1[%get3A_28, %get3A_29, %get3A_30] : memref<2x1000x128xf32, #tpu.memory_space<vmem>>, vector<1x1000x128xf32>
    %get3A_32 = vector.shape_cast %get3A_31 : vector<1x1000x128xf32> to vector<1000x128xf32>
    %add3A_33 = arith.addf %get3A_27, %get3A_32 : vector<1000x128xf32>
    %add3A_34 = arith.addf %add3A_33, %mul3A_22 : vector<1000x128xf32>
    %get3A_35 = arith.constant 0 : index
    %get3A_36 = arith.constant 0 : index
    %get3A_37 = arith.constant 0 : index
    %get3A_38 = vector.load %arg3[%get3A_35, %get3A_36, %get3A_37] : memref<2x1000x1xf32, #tpu.memory_space<vmem>>, vector<1x1000x1xf32>
    %get3A_39 = vector.shape_cast %get3A_38 : vector<1x1000x1xf32> to vector<1000x1xf32>
    %get3A_40 = arith.constant 1 : index
    %get3A_41 = arith.constant 0 : index
    %get3A_42 = arith.constant 0 : index
    %get3A_43 = vector.load %arg3[%get3A_40, %get3A_41, %get3A_42] : memref<2x1000x1xf32, #tpu.memory_space<vmem>>, vector<1x1000x1xf32>
    %get3A_44 = vector.shape_cast %get3A_43 : vector<1x1000x1xf32> to vector<1000x1xf32>
    %add3A_45 = arith.addf %get3A_39, %get3A_44 : vector<1000x1xf32>
    %add3A_46 = arith.constant 1.000000e+00 : f32
    %add3A_47 = vector.broadcast %add3A_46 : f32 to vector<1000x1xf32>
    %add3A_48 = arith.addf %add3A_45, %add3A_47 : vector<1000x1xf32>
    %rsqrt3A = math.rsqrt %add3A_48 : vector<1000x1xf32>
    %mul3A_49 = vector.broadcast %rsqrt3A : vector<1000x1xf32> to vector<1000x128xf32>
    %mul3A_50 = arith.mulf %add3A_34, %mul3A_49 : vector<1000x128xf32>
    %get3A_51 = arith.constant 0 : index
    %get3A_52 = arith.constant 0 : index
    %get3A_53 = vector.load %arg5[%get3A_51, %get3A_52] : memref<128x128xf32, #tpu.memory_space<vmem>>, vector<128x128xf32>
    %dot_general3A = arith.constant dense<0.000000e+00> : vector<1000x128xf32>
    %dot_general3A_54 = tpu.matmul %mul3A_50, %get3A_53, %dot_general3A {dimension_numbers = #tpu.dot_dimension_numbers<[1], [0], [0], [1], [0, 0, 1, 1], [], []>, transpose_lhs_hint = false} : vector<1000x128xf32>, vector<128x128xf32>, vector<1000x128xf32> -> vector<1000x128xf32>
    %get3A_55 = arith.constant 0 : index
    %get3A_56 = arith.constant 0 : index
    %get3A_57 = vector.load %arg6[%get3A_55, %get3A_56] : memref<1x128xf32, #tpu.memory_space<vmem>>, vector<1x128xf32>
    %add3A_58 = vector.broadcast %get3A_57 : vector<1x128xf32> to vector<1000x128xf32>
    %add3A_59 = arith.addf %dot_general3A_54, %add3A_58 : vector<1000x128xf32>
    %swap3A = arith.constant 0 : index
    %swap3A_60 = arith.constant 0 : index
    %swap3A_61 = vector.load %arg7[%swap3A, %swap3A_60] : memref<1000x128xf32, #tpu.memory_space<vmem>>, vector<1000x128xf32>
    tpu.vector_store %arg7[%swap3A, %swap3A_60], %add3A_59 {strides = array<i32>} : memref<1000x128xf32, #tpu.memory_space<vmem>>, vector<1000x128xf32>,
    return
  }
  func.func @transform_0(%arg0: i32) -> (i32, i32, i32) {
    %c0_i32 = arith.constant 0 : i32
    %c0_i32_0 = arith.constant 0 : i32
    %c0_i32_1 = arith.constant 0 : i32
    return %c0_i32, %arg0, %c0_i32_0 : i32, i32, i32
  }
  func.func @transform_1(%arg0: i32) -> (i32, i32) {
    %c0_i32 = arith.constant 0 : i32
    %c0_i32_0 = arith.constant 0 : i32
    return %arg0, %c0_i32 : i32, i32
  }
  func.func @transform_2(%arg0: i32) -> (i32, i32, i32) {
    %c0_i32 = arith.constant 0 : i32
    %c0_i32_0 = arith.constant 0 : i32
    %c0_i32_1 = arith.constant 0 : i32
    return %c0_i32, %arg0, %c0_i32_0 : i32, i32, i32
  }
  func.func @transform_3(%arg0: i32) -> (i32, i32, i32) {
    %c0_i32 = arith.constant 0 : i32
    %c0_i32_0 = arith.constant 0 : i32
    %c0_i32_1 = arith.constant 0 : i32
    return %c0_i32, %arg0, %c0_i32_0 : i32, i32, i32
  }
  func.func @transform_4(%arg0: i32) -> (i32, i32) {
    %c0_i32 = arith.constant 0 : i32
    %c0_i32_0 = arith.constant 0 : i32
    %c0_i32_1 = arith.constant 0 : i32
    return %c0_i32, %c0_i32_0 : i32, i32
  }
  func.func @transform_5(%arg0: i32) -> (i32, i32) {
    %c0_i32 = arith.constant 0 : i32
    %c0_i32_0 = arith.constant 0 : i32
    %c0_i32_1 = arith.constant 0 : i32
    return %c0_i32, %c0_i32_0 : i32, i32
  }
  func.func @transform_6(%arg0: i32) -> (i32, i32) {
    %c0_i32 = arith.constant 0 : i32
    %c0_i32_0 = arith.constant 0 : i32
    return %arg0, %c0_i32 : i32, i32
  }
}

</mosaic_0001>

<sc_bundles>
// kernel: kernel.6.cloned.1.call-start
scs
__scs_entry_jumppad:
0x0: {  	(pc) =	sbr.rel $0x88, $3  }
0x1: {  	(tag) =	ssettag $0x0;
	lr =	simm.s32 $0x1  }
0x2: {  	[smem:$0x3F9D] =	sst lr;
	_ =	strace $0xD0000000  }
0x3: {  	_ = 	snop  }
0x4: {  	_ = 	snop  }
0x5: {  	_ = 	snop  }
0x6: {  	_ = 	snop  }
0x7: {  	_ = 	snop  }
__scs_overlays_trampoline_lowered:
0x8: {  	[smem:$0x3FAC] =	sst s0  }
0x9: {  	[smem:$0x3FAD] =	sst s1  }
0xa: {  	[smem:$0x3FAE] =	sst s2  }
0xb: {  	[smem:$0x3FAF] =	sst s3  }
0xc: {  	[smem:$0x3FB0] =	sst s4  }
0xd: {  	[smem:$0x3FB1] =	sst s5  }
0xe: {  	[smem:$0x3FB2] =	sst s6  }
0xf: {  	[smem:$0x3FB3] =	sst s7  }
0x10: {  	[smem:$0x3FB4] =	sst s8  }
0x11: {  	[smem:$0x3FB5] =	sst s9;
	s0 =	simm.s32 @!p0 $0x0  }
0x12: {  	s1 =	sld [smem:$0x3F9B];
	s0 =	simm.s32 @p0 $0x1  }
0x13: {  	[smem:$0x3FB6] =	sst s0;
	s0 =	simm.s32 @!p1 $0x0  }
0x14: {  	s2 =	sld [smem:$0x3F9A];
	s0 =	simm.s32 @p1 $0x1  }
0x15: {  	[smem:$0x3FB7] =	sst s0;
	s0 =	simm.s32 @!p2 $0x0  }
0x16: {  	s3 =	sld [smem:$0x3FDB];
	s0 =	simm.s32 @p2 $0x1  }
0x17: {  	s4 =	simm.s32 $0x1BF5;
	[smem:$0x3FB9] =	sst s0  }
0x18: {  	s0 =	sld [smem:$0x3F9C];
	_ =	swait.ge [sflag:s4], $0x0  }
0x19: {  	s7 =	sld [smem:$0x3F9D]  }
0x1a: {  	s8 =	sadd.s32 $0xFFFFE003, lr  }
0x1b: {  	s9 =	sadd.s32 $0xFFFFFEF7, lr;
	s5 =	simm.s32 $0xFFFFFFFF;
	p2 =	slt.u32 s8, $0xFFFFF086  }
0x1c: {  	p1 =	slt.u32 s9, $0xF7A;
	s5 =	simm.s32 @!p2 $0x0  }
0x1d: {  	s5 =	simm.s32 @p1 $0x1;
	p0 =	seq.s32 s7, s2  }
0x1e: {  	s7 =	smul.u32 @!p0 $0xF7A, s2;
	p2 =	seq.s32 @!p0 s5, $0x0  }
0x1f: {  	s9 =	smul.u32 $0xF7A, s1;
	s8 =	simm.s32 @!p0 $0x1BF5;
	p2 =	por !p2, p0  }
0x20: {  	[sflag:s8] =	ssyncset.s32 @!p0 $0xFFFFF086;
	s6 =	sadd.s32 @!p0 s3, s7;
	s7 =	simm.s32 @!p0 $0x108  }
0x21: {  	s3 =	sadd.s32 s3, s9;
	s6 =	sadd.s32 @!p0 $0x88, s6;
	s7 =	simm.s32 @p2 $0x1082  }
0x22: {  	[simem:s7], [sflag:s8] =	dma.local @!p0 [hbm:s6], $0xF7A  }
0x23: {  	s9 =	sor.u32 $0xD0000000, s2;
	s6 =	simm.s32 $0x108;
	_ =	swait.ge @!p0 [sflag:s8], $0x0  }
0x24: {  	s3 =	sadd.s32 $0x88, s3;
	s6 =	simm.s32 @!p1 $0x1082;
	[sflag:s4] =	ssyncset.s32 $0xFFFFF086  }
0x25: {  	[simem:s6], [sflag:s4] =	dma.local [hbm:s3], $0xF7A  }
0x26: {  	[smem:$0x3F9D] =	sst s1;
	(tag) =	ssettag s2;
	_ =	strace s9  }
0x27: {  	s1 =	sld [smem:$0x3FAD]  }
0x28: {  	s2 =	sld [smem:$0x3FAE]  }
0x29: {  	s4 =	sld [smem:$0x3FB0]  }
0x2a: {  	p0 =	seq.s32 s5, $0x0;
	s5 =	sld [smem:$0x3FB1]  }
0x2b: {  	s6 =	sld [smem:$0x3FB2]  }
0x2c: {  	s7 =	sld [smem:$0x3FB3]  }
0x2d: {  	s3 =	simm.s32 $0x108;
	s8 =	sld [smem:$0x3FB4]  }
0x2e: {  	s3 =	simm.s32 @!p0 $0x1082;
	s9 =	sld [smem:$0x3FB5]  }
0x2f: {  	lr =	sadd.s32 s0, s3;
	s0 =	sld [smem:$0x3FAC]  }
0x30: {  	s3 =	sld [smem:$0x3FAF]  }
0x31: {  	[smem:$0x3FB8] =	sst s10  }
0x32: {  	s10 =	sld [smem:$0x3FB6];
	_ =	sdelay $0x3  }
0x33: {  	p0 =	seq.s32 s10, $0x1;
	s10 =	sld [smem:$0x3FB8];
	_ =	sdelay $0x3  }
0x34: {  	[smem:$0x3FB8] =	sst s10  }
0x35: {  	s10 =	sld [smem:$0x3FB7];
	_ =	sdelay $0x3  }
0x36: {  	p1 =	seq.s32 s10, $0x1;
	s10 =	sld [smem:$0x3FB8];
	_ =	sdelay $0x3  }
0x37: {  	[smem:$0x3FB8] =	sst s10  }
0x38: {  	s10 =	sld [smem:$0x3FB9]  }
0x39: {  	_ = 	snop;
	(pc) =	sbr.ind lr, $3  }
0x3a: {  	_ = 	snop  }
0x3b: {  	_ = 	snop  }
0x3c: {  	p2 =	seq.s32 s10, $0x1;
	s10 =	sld [smem:$0x3FB8]  }
0x3d: {  	_ =	shalt  }
0x3e: {  	_ =	shalt  }
0x3f: {  	_ =	shalt  }
0x40: {  	_ =	shalt  }
0x41: {  	_ =	shalt  }
0x42: {  	_ =	shalt  }
0x43: {  	_ =	shalt  }
0x44: {  	_ =	shalt  }
0x45: {  	_ =	shalt  }
0x46: {  	_ =	shalt  }
0x47: {  	_ =	shalt  }
0x48: {  	_ =	shalt  }
0x49: {  	_ =	shalt  }
0x4a: {  	_ =	shalt  }
0x4b: {  	_ =	shalt  }
0x4c: {  	_ =	shalt  }
0x4d: {  	_ =	shalt  }
0x4e: {  	_ =	shalt  }
0x4f: {  	_ =	shalt  }
0x50: {  	_ =	shalt  }
0x51: {  	_ =	shalt  }
0x52: {  	_ =	shalt  }
0x53: {  	_ =	shalt  }
0x54: {  	_ =	shalt  }
0x55: {  	_ =	shalt  }
0x56: {  	_ =	shalt  }
0x57: {  	_ =	shalt  }
0x58: {  	_ =	shalt  }
0x59: {  	_ =	shalt  }
0x5a: {  	_ =	shalt  }
0x5b: {  	_ =	shalt  }
0x5c: {  	_ =	shalt  }
0x5d: {  	_ =	shalt  }
0x5e: {  	_ =	shalt  }
0x5f: {  	_ =	shalt  }
0x60: {  	_ =	shalt  }
0x61: {  	_ =	shalt  }
0x62: {  	_ =	shalt  }
0x63: {  	_ =	shalt  }
0x64: {  	_ =	shalt  }
0x65: {  	_ =	shalt  }
0x66: {  	_ =	shalt  }
0x67: {  	_ =	shalt  }
0x68: {  	_ =	shalt  }
0x69: {  	_ =	shalt  }
0x6a: {  	_ =	shalt  }
0x6b: {  	_ =	shalt  }
0x6c: {  	_ =	shalt  }
0x6d: {  	_ =	shalt  }
0x6e: {  	_ =	shalt  }
0x6f: {  	_ =	shalt  }
0x70: {  	_ =	shalt  }
0x71: {  	_ =	shalt  }
0x72: {  	_ =	shalt  }
0x73: {  	_ =	shalt  }
0x74: {  	_ =	shalt  }
0x75: {  	_ =	shalt  }
0x76: {  	_ =	shalt  }
0x77: {  	_ =	shalt  }
0x78: {  	_ =	shalt  }
0x79: {  	_ =	shalt  }
0x7a: {  	_ =	shalt  }
0x7b: {  	_ =	shalt  }
0x7c: {  	_ =	shalt  }
0x7d: {  	_ =	shalt  }
0x7e: {  	_ =	shalt  }
0x7f: {  	_ =	shalt  }
0x80: {  	_ =	shalt  }
0x81: {  	_ =	shalt  }
0x82: {  	_ =	shalt  }
0x83: {  	_ =	shalt  }
0x84: {  	_ =	shalt  }
0x85: {  	_ =	shalt  }
0x86: {  	_ =	shalt  }
0x87: {  	_ =	shalt  }
.Lfunc_end0:
.L_simem_size_0:
called_computation_lowered:
.L_overlay_start_0:
0x88: {  	s2 =	sld [smem:$0x3FD9]  }
0x89: {  	s3 =	sld [smem:$0x3FFE];
	_ =	sdelay $0x1  }
0x8a: {  	s1 =	srdreg.scid  }
0x8b: {  	s0 =	sand.u32 $0x1, s1  }
0x8c: {  	s17 =	sshll.u32 s0, $0xA;
	s2 =	sadd.s32 s3, s2  }
0x8d: {  	s2 =	sadd.s32 s2, s17  }
0x8e: {  	[smem:$0x3FC4] =	sst s2  }
0x8f: {  	_ = 	snop  }
0x90: {  	s2 =	sld [smem:$0x3FD0];
	(tm) =	ssettm $0x1  }
0x91: {  	s18 =	sld [smem:$0x3FFB];
	_ =	sdelay $0x3  }
0x92: {  	_ =	strace s18  }
0x93: {  	s3 =	sld [smem:$0x3FFC];
	_ =	sdelay $0x3  }
0x94: {  	_ =	strace s3  }
0x95: {  	s3 =	sld [smem:$0x3FFD];
	_ =	sdelay $0x3  }
0x96: {  	_ =	strace s3  }
0x97: {  	_ =	strace $0x8FFFFFFF  }
0x98: {  	s19 =	sld [smem:$0x3FDB];
	_ =	sdelay $0x1  }
0x99: {  	s4 =	simm.s32 $_scs_section_size  }
0x9a: {  	s5 =	simm.s32 $_size__tile_overlayer_lowered;
	s6 =	simm.s32 $_tile_overlayer_lowered  }
0x9b: {  	s22 =	simm.s32 $0x1BFF;
	s21 =	sshll.u32 s6, $0x1;
	s3 =	sadd.s32 s4, s19  }
0x9c: {  	s7 =	simm.s32 $0x0;
	s20 =	sshll.u32 s5, $0x1;
	s5 =	sadd.s32 s21, s3  }
0x9d: {  	[timem:s7], [sflag:s22] =	dma.local [hbm:s5], s20  }
0x9e: {  	_ =	swait.ge [sflag:s22], s20  }
0x9f: {  	s4 =	ssub.s32 $0x0, s20;
	[sflag:s22] =	ssyncset.done $0x0  }
0xa0: {  	[sflag:s22] =	ssyncadd.s32 s4;
	_ =	sdelay $0x1  }
0xa1: {  	s23 =	simm.s32 $0x1B8B  }
0xa2: {  	_ =	swait.ge [sflag:s23], $0x1  }
0xa3: {  	[sflag:s23] =	ssyncset.done $0x0  }
0xa4: {  	s25 =	simm.s32 $0x1B8E;
	s24 =	sld [smem:$0x3FFE];
	[sflag:s23] =	ssyncadd.s32 $0xFFFFFFFF  }
0xa5: {  	s26 =	simm.s32 $execute0_lowered;
	[smem:$0x3FD2] =	sst s25  }
0xa6: {  	s5 =	sshll.u32 s26, $0x1;
	_ =	strace $0x80000046;
	[dreg:$0x1] =	wrdreg $0xFFFFFFFF  }
0xa7: {  	s28 =	simm.s32 $_size_execute0_lowered;
	s3 =	sadd.s32 s3, s5;
	[dreg:$0x0] =	wrdreg $0x0  }
0xa8: {  	s5 =	sshll.u32 s28, $0x1;
	[dreg:$0x2] =	wrdreg s3  }
0xa9: {  	[dreg:$0x3] =	wrdreg s5  }
0xaa: {  	[dreg:$0x4] =	wrdreg $0xC0  }
0xab: {  	_ =	task [dreg:s7], $0x5FFFF  }
0xac: {  	[dreg:$0x1] =	wrdreg $0xFFFFFFFF  }
0xad: {  	[dreg:$0x0] =	wrdreg $0x60  }
0xae: {  	[dreg:$0x2] =	wrdreg s24  }
0xaf: {  	[dreg:$0x3] =	wrdreg s2  }
0xb0: {  	[dreg:$0x4] =	wrdreg $0xF1800  }
0xb1: {  	[dreg:$0x5] =	wrdreg $0x9  }
0xb2: {  	_ =	task.clear_ibuf [dreg:s7], $0x6FFFF;
	_ =	strace $0x90000046  }
0xb3: {  	s29 =	simm.s32 $0x9;
	_ =	strace $0x80000048  }
0xb4: {  	_ =	swait.ge [sflag:s29], $0x1  }
0xb5: {  	[sflag:s29] =	ssyncadd.s32 $0xFFFFFFFF  }
0xb6: {  	_ =	strace $0x90000048  }
0xb7: {  	_ =	sfence  }
0xb8: {  	s30 =	sld [smem:$0x0];
	_ =	sdelay $0x2  }
0xb9: {  	s31 =	sshll.u32 s1, $0xD;
	s1 =	sshrl.u32 s1, $0x2  }
0xba: {  	s3 =	sand.u32 $0x4000, s31;
	s1 =	sadd.s32 s1, s30  }
0xbb: {  	s0 =	sor.u32 s3, s0;
	s1 =	sshll.u32 s1, $0x11  }
0xbc: {  	s0 =	sor.u32 s1, s0  }
0xbd: {  	s0 =	sadd.s32 $0x8F2B, s0  }
0xbe: {  	[sflag:s0] =	ssyncadd.remote.s32 $0x1  }
0xbf: {  	_ =	sfence.sel $0xFFFF  }
0xc0: {  	[dreg:$0x0] =	wrdreg $0xFFFFFFFF;
	(pc) =	sbr.abs _section_cstart, $3  }
0xc1: {  	[dreg:$0x1] =	wrdreg $0xFFFFFFFF  }
0xc2: {  	_ =	task.clear_ibuf [dreg:s7], $0x2FFFF;
	_ =	strace $0x9FFFFFFF  }
0xc3: {  	(tm) =	ssettm $0x7FFFFFFF  }
tec
execute0_lowered:
.L_overlay_start_1:
0x0: {  	(tag) =	ssettag $0x1  }
0x1: {  	s0 =	rddreg [dreg:$0x0]  }
0x2: {  	s1 =	rddreg [dreg:$0x1]  }
0x3: {  	s7 =	rddreg [dreg:$0x2]  }
0x4: {  	s2 =	simm.s32 $0x0;
	s3 =	srdreg.scid;
	s10 =	stileid.u32  }
0x5: {  	s16 =	simm.s32 $0x1;
	s17 =	simm.s32 $0x4F00;
	s18 =	simm.s32 $0x7700  }
0x6: {  	s19 =	simm.s32 $0x9F00;
	s20 =	simm.s32 $0x80;
	s21 =	simm.s32 $0x400  }
0x7: {  	s22 =	simm.s32 $0x2;
	s28 =	simm.s32 $0xEF00;
	s29 =	simm.s32 $0x0  }
0x8: {  	[smem:$0x7FF] =	sst s2;
	s3 =	sand.u32 $0x1, s3;
	s4 =	sshll.u32 s10, $0x1  }
0x9: {  	s5 =	smul.u32 $0x500, s10;
	s24 =	sshrl.u32 s10, $0x3;
	s9 =	sshll.u32 s10, $0x7  }
0xa: {  	s10 =	smul.u32 $0x5000, s10;
	_ =	strace $0x80000047;
	s4 =	sor.u32 s3, s4  }
0xb: {  	s6 =	sshll.u32 s3, $0x7;
	s3 =	ssub.s32 $0x2, s3;
	s8 =	smul.u32 $0x4E2, s4  }
0xc: {  	s30 =	sand.u32 $0x380, s9;
	s23 =	sor.u32 s6, s5;
	s5 =	smul.u32 $0x50000, s24  }
0xd: {  	s26 =	sshrl.u32 s3, $0x1;
	s31 =	sshrl.u32 s10, $0x2;
	s24 =	simm.s32 $0x14000  }
0xe: {  	s4 =	sshrl.u32 s23, $0x3;
	s14 =	ssub.s32 s3, s26;
	s23 =	simm.s32 $0x1400  }
0xf: {  	s26 =	simm.s32 $0x100;
	s25 =	sadd.s32 s8, s0;
	s5 =	sshrl.u32 s5, $0x2  }
0x10: {  	s0 =	sadd.s32 s4, s0;
	s14 =	smax.u32 s14, $0x1;
	s5 =	sadd.s32 s5, s7  }
0x11: {  	s3 =	sadd.s32 $0x2600, s25;
	s7 =	sadd.s32 s31, s7;
	s9 =	sadd.s32 $0xC400, s0  }
0x12: {  	s11 =	sadd.s32 $0xCE00, s0;
	s13 =	sadd.s32 $0xD800, s0;
	s25 =	simm.s32 $0xC700  }
0x13: {  	s4 =	sadd.s32 s30, s5;
	s5 =	sadd.s32 s1, s8;
	s10 =	sadd.s32 $0x28000, s7  }
0x14: {  	v0 =	vimm.f32 $0.0e+00;
	v1 =	vimm.f32 $1.000000000e+00;
	s12 =	sadd.s32 $0x50000, s7;
	s6 =	sadd.s32 $0x28000, s4;
	s8 =	sadd.s32 $0x50000, s4  }
.LBB2_1:
0x15: {  	[tilespmem:s2], [sflag:$0x1] =	stream.linear.gather [hbm4b:s3+s2], $0x2710, $0x38;
	[tilespmem:$0x16980] =	vst v63  }
0x16: {  	s0 =	simm.s32 $0x2780  }
0x17: {  	[tilespmem:s0], [sflag:$0x1] =	stream.linear.gather [hbm4b:s5+s2], $0x2710, $0x38;
	[tilespmem:$0x16980] =	vst v63  }
0x18: {  	s30 =	simm.s32 $0x0;
	s0 =	simm.s32 $0x40  }
.LBB2_2:
0x19: {  	p0 =	sne.s32 s0, $0x9FC0;
	[tilespmem:s30+$0x9F00] =	vst v0;
	s1 =	smov.u32 s0;
	s0 =	sadd.s32 $0x40, s0  }
.Ltmp0:
0x1a: {  	[tilespmem:s30+$0x4F00] =	vst v0;
	(pc) =	sbr.rel @p0 .LBB2_2-.Ltmp0, $2  }
0x1b: {  	[tilespmem:s30+$0x7700] =	vst v0;
	_ =	sdelay $0x2  }
0x1c: {  	s30 =	sshra.s32 s1, $0x2  }
0x1d: {  	[tilespmem:s30+$0x9F00] =	vst v0  }
0x1e: {  	[tilespmem:s30+$0x4F00] =	vst v0  }
0x1f: {  	[tilespmem:s30+$0x7700] =	vst v0  }
0x20: {  	_ =	swait.ge [sflag:s16], $0x2710  }
0x21: {  	[sflag:s16] =	ssyncset.done $0x0  }
0x22: {  	[sflag:s16] =	ssyncadd.s32 $0xFFFFD8F0  }
0x23: {  	_ =	swait.ge [sflag:s16], $0x2710  }
0x24: {  	[sflag:s16] =	ssyncset.done $0x0  }
0x25: {  	s0 =	simm.s32 $0x0;
	[sflag:s16] =	ssyncadd.s32 $0xFFFFD8F0  }
0x26: {  	v2 =	vld [tilespmem:s0+$0x0]  }
0x27: {  	v3 =	vld [tilespmem:s0+$0x2780]  }
0x28: {  	s0 =	simm.s32 $0x40  }
.LBB2_4:
0x29: {  	p0 =	sne.s32 s0, $0x9C00;
	_ =	sdelay $0x2  }
0x2a: {  	vm0 =	vne.s32 v2, v3;
	_ =	sdelay $0x1  }
0x2b: {  	vm1 =	veq.s32 v2, v3;
	_ =	sdelay $0x3  }
0x2c: {  	[tilespmem:v2+s17+$0x0] =	vst.idx.add.f32.msk vm0, v1  }
.Ltmp1:
0x2d: {  	[tilespmem:v3+s18+$0x0] =	vst.idx.add.f32.msk vm0, v1;
	(pc) =	sbr.rel @p0 .LBB2_4-.Ltmp1, $4  }
0x2e: {  	s1 =	sshra.s32 s0, $0x2;
	[tilespmem:v2+s19+$0x0] =	vst.idx.add.f32.msk vm1, v1  }
0x2f: {  	v2 =	vld [tilespmem:s1+$0x0]  }
0x30: {  	v3 =	vld [tilespmem:s1+$0x2780]  }
0x31: {  	s0 =	sadd.s32 $0x40, s0  }
0x32: {  	_ =	sdelay $0x2  }
0x33: {  	vm0 =	vne.s32 v2, v3;
	_ =	sdelay $0x1  }
0x34: {  	vm1 =	veq.s32 v2, v3;
	_ =	sdelay $0x3  }
0x35: {  	[tilespmem:v2+s17+$0x0] =	vst.idx.add.f32.msk vm0, v1  }
0x36: {  	[tilespmem:v3+s18+$0x0] =	vst.idx.add.f32.msk vm0, v1  }
0x37: {  	[tilespmem:v2+s19+$0x0] =	vst.idx.add.f32.msk vm1, v1  }
0x38: {  	[spmem:s4] =	stream.strided.scatter [tilespmem:s17], [sflag:$0x2], $0x2800, s21, s20, $0x38;
	[tilespmem:$0x16980] =	vst v63  }
0x39: {  	_ =	swait.ge [sflag:s22], $0x2800  }
0x3a: {  	[sflag:s22] =	ssyncset.done $0x0  }
0x3b: {  	[sflag:s22] =	ssyncadd.s32 $0xFFFFD800  }
0x3c: {  	[spmem:s6] =	stream.strided.scatter [tilespmem:s18], [sflag:$0x2], $0x2800, s21, s20, $0x38;
	[tilespmem:$0x16980] =	vst v63  }
0x3d: {  	_ =	swait.ge [sflag:s22], $0x2800  }
0x3e: {  	[sflag:s22] =	ssyncset.done $0x0  }
0x3f: {  	[sflag:s22] =	ssyncadd.s32 $0xFFFFD800  }
0x40: {  	[spmem:s8] =	stream.strided.scatter [tilespmem:s19], [sflag:$0x2], $0x2800, s21, s20, $0x38;
	[tilespmem:$0x16980] =	vst v63  }
0x41: {  	_ =	swait.ge [sflag:s22], $0x2800  }
0x42: {  	[sflag:s22] =	ssyncset.done $0x0  }
0x43: {  	[sflag:s22] =	ssyncadd.s32 $0xFFFFD800  }
0x44: {  	[bflag:$0x0] =	sbarrier.arrive $0xFFFF  }
0x45: {  	[tilespmem:s25], [sflag:$0x2] =	stream.strided.gather [spmem:s7], $0x2800, s24, s23, $0x38;
	[tilespmem:$0x16980] =	vst v63  }
0x46: {  	s0 =	simm.s32 $0x0;
	_ =	swait.ge [sflag:s22], $0x2800  }
0x47: {  	s1 =	sand.u32 $0x70, s0;
	s0 =	sand.u32 $0x1C00, s0;
	[sflag:s22] =	ssyncset.done $0x0  }
0x48: {  	s0 =	sor.u32 s1, s0;
	[sflag:s22] =	ssyncadd.s32 $0xFFFFD800  }
0x49: {  	v2 =	vld [tilespmem:s0+$0xC700];
	_ =	sdelay $0x1  }
0x4a: {  	v3 =	vld [tilespmem:s0+$0xC780];
	_ =	sdelay $0x1  }
0x4b: {  	v4 =	vld [tilespmem:s0+$0xC800]  }
0x4c: {  	v2 =	vadd.f32 $0.0e+00, v2  }
0x4d: {  	v5 =	vld [tilespmem:s0+$0xC880]  }
0x4e: {  	v2 =	vadd.f32 v3, v2  }
0x4f: {  	v3 =	vld [tilespmem:s0+$0xC900]  }
0x50: {  	v2 =	vadd.f32 v4, v2  }
0x51: {  	v56 =	vld [tilespmem:s0+$0xC980]  }
0x52: {  	v2 =	vadd.f32 v5, v2  }
0x53: {  	v57 =	vld [tilespmem:s0+$0xCA00]  }
0x54: {  	v2 =	vadd.f32 v3, v2  }
0x55: {  	v3 =	vld [tilespmem:s0+$0xCA80]  }
0x56: {  	v2 =	vadd.f32 v56, v2  }
0x57: {  	v58 =	vld [tilespmem:s0+$0xDB00]  }
0x58: {  	v2 =	vadd.f32 v57, v2  }
0x59: {  	v59 =	vld [tilespmem:s0+$0xDB80]  }
0x5a: {  	v2 =	vadd.f32 v3, v2  }
0x5b: {  	v3 =	vld [tilespmem:s0+$0xDC00]  }
0x5c: {  	v2 =	vadd.f32 v58, v2  }
0x5d: {  	v60 =	vld [tilespmem:s0+$0xDC80]  }
0x5e: {  	v2 =	vadd.f32 v59, v2  }
0x5f: {  	v61 =	vld [tilespmem:s0+$0xDD00]  }
0x60: {  	v2 =	vadd.f32 v3, v2  }
0x61: {  	v3 =	vld [tilespmem:s0+$0xDD80]  }
0x62: {  	v2 =	vadd.f32 v60, v2  }
0x63: {  	v62 =	vld [tilespmem:s0+$0xDE00]  }
0x64: {  	v2 =	vadd.f32 v61, v2  }
0x65: {  	v63 =	vld [tilespmem:s0+$0xDE80]  }
0x66: {  	v2 =	vadd.f32 v3, v2;
	_ =	sdelay $0x1  }
0x67: {  	v2 =	vadd.f32 v62, v2;
	_ =	sdelay $0x1  }
0x68: {  	s30 =	simm.s32 $0xEF00;
	s15 =	simm.s32 $0x10;
	s31 =	simm.s32 $0x80;
	v2 =	vadd.f32 v63, v2  }
0x69: {  	s1 =	sand.u32 $0x70, s15;
	s15 =	sand.u32 $0x1C00, s31;
	s0 =	simm.s32 $0x20  }
.LBB2_6:
0x6a: {  	p0 =	sne.s32 s0, $0x270;
	s1 =	sor.u32 s1, s15;
	[tilespmem:s30+$0x0] =	vst v2  }
0x6b: {  	v2 =	vld [tilespmem:s1+$0xC700];
	_ =	sdelay $0x1  }
0x6c: {  	v3 =	vld [tilespmem:s1+$0xC780];
	_ =	sdelay $0x1  }
0x6d: {  	v4 =	vld [tilespmem:s1+$0xC800]  }
0x6e: {  	v2 =	vadd.f32 $0.0e+00, v2  }
0x6f: {  	v5 =	vld [tilespmem:s1+$0xC880]  }
0x70: {  	v2 =	vadd.f32 v3, v2  }
0x71: {  	v3 =	vld [tilespmem:s1+$0xC900]  }
0x72: {  	v2 =	vadd.f32 v4, v2  }
0x73: {  	v4 =	vld [tilespmem:s1+$0xC980]  }
0x74: {  	v2 =	vadd.f32 v5, v2  }
0x75: {  	v5 =	vld [tilespmem:s1+$0xCA00]  }
0x76: {  	v2 =	vadd.f32 v3, v2  }
0x77: {  	v3 =	vld [tilespmem:s1+$0xCA80]  }
0x78: {  	v2 =	vadd.f32 v4, v2  }
0x79: {  	v4 =	vld [tilespmem:s1+$0xDB00]  }
0x7a: {  	v2 =	vadd.f32 v5, v2  }
0x7b: {  	v5 =	vld [tilespmem:s1+$0xDB80]  }
0x7c: {  	v2 =	vadd.f32 v3, v2  }
0x7d: {  	v3 =	vld [tilespmem:s1+$0xDC00]  }
0x7e: {  	v2 =	vadd.f32 v4, v2  }
0x7f: {  	v4 =	vld [tilespmem:s1+$0xDC80]  }
0x80: {  	v2 =	vadd.f32 v5, v2  }
0x81: {  	v5 =	vld [tilespmem:s1+$0xDD00]  }
0x82: {  	v2 =	vadd.f32 v3, v2  }
0x83: {  	v3 =	vld [tilespmem:s1+$0xDD80]  }
0x84: {  	v2 =	vadd.f32 v4, v2  }
0x85: {  	v4 =	vld [tilespmem:s1+$0xDE00]  }
0x86: {  	v2 =	vadd.f32 v5, v2  }
0x87: {  	v5 =	vld [tilespmem:s1+$0xDE80]  }
0x88: {  	v2 =	vadd.f32 v3, v2  }
.Ltmp2:
0x89: {  	(pc) =	sbr.rel @p0 .LBB2_6-.Ltmp2, $3  }
0x8a: {  	v2 =	vadd.f32 v4, v2;
	_ =	sdelay $0x1  }
0x8b: {  	s31 =	sadd.s32 $0x80, s31;
	s30 =	sadd.s32 $0x10, s30;
	v2 =	vadd.f32 v5, v2  }
0x8c: {  	s15 =	sand.u32 $0x1C00, s31;
	s1 =	sand.u32 $0x70, s0;
	s0 =	sadd.s32 $0x10, s0  }
0x8d: {  	s0 =	sor.u32 s1, s15;
	[tilespmem:s30+$0x0] =	vst v2  }
0x8e: {  	v2 =	vld [tilespmem:s0+$0xC700];
	_ =	sdelay $0x1  }
0x8f: {  	v3 =	vld [tilespmem:s0+$0xC780];
	_ =	sdelay $0x1  }
0x90: {  	v4 =	vld [tilespmem:s0+$0xC800]  }
0x91: {  	v2 =	vadd.f32 $0.0e+00, v2  }
0x92: {  	v5 =	vld [tilespmem:s0+$0xC880]  }
0x93: {  	v2 =	vadd.f32 v3, v2  }
0x94: {  	v3 =	vld [tilespmem:s0+$0xC900]  }
0x95: {  	v2 =	vadd.f32 v4, v2  }
0x96: {  	v46 =	vld [tilespmem:s0+$0xC980]  }
0x97: {  	v2 =	vadd.f32 v5, v2  }
0x98: {  	v47 =	vld [tilespmem:s0+$0xCA00]  }
0x99: {  	v2 =	vadd.f32 v3, v2  }
0x9a: {  	v3 =	vld [tilespmem:s0+$0xCA80]  }
0x9b: {  	v2 =	vadd.f32 v46, v2  }
0x9c: {  	v48 =	vld [tilespmem:s0+$0xDB00]  }
0x9d: {  	v2 =	vadd.f32 v47, v2  }
0x9e: {  	v49 =	vld [tilespmem:s0+$0xDB80]  }
0x9f: {  	v2 =	vadd.f32 v3, v2  }
0xa0: {  	v3 =	vld [tilespmem:s0+$0xDC00]  }
0xa1: {  	v2 =	vadd.f32 v48, v2  }
0xa2: {  	v50 =	vld [tilespmem:s0+$0xDC80]  }
0xa3: {  	v2 =	vadd.f32 v49, v2  }
0xa4: {  	v51 =	vld [tilespmem:s0+$0xDD00]  }
0xa5: {  	v2 =	vadd.f32 v3, v2  }
0xa6: {  	v3 =	vld [tilespmem:s0+$0xDD80]  }
0xa7: {  	v2 =	vadd.f32 v50, v2  }
0xa8: {  	v52 =	vld [tilespmem:s0+$0xDE00]  }
0xa9: {  	v2 =	vadd.f32 v51, v2  }
0xaa: {  	v53 =	vld [tilespmem:s0+$0xDE80]  }
0xab: {  	v2 =	vadd.f32 v3, v2;
	_ =	sdelay $0x1  }
0xac: {  	v2 =	vadd.f32 v52, v2;
	_ =	sdelay $0x1  }
0xad: {  	v2 =	vadd.f32 v53, v2  }
0xae: {  	s15 =	sadd.s32 $0x10, s30  }
0xaf: {  	s30 =	simm.s32 $0xEF00;
	[tilespmem:s15+$0x0] =	vst v2  }
0xb0: {  	[hbm4b:s9+s20] =	stream.strided.scatter [tilespmem:s30], [sflag:$0x2], $0x280, s26, s20, $0x38;
	[tilespmem:$0x16980] =	vst v63  }
0xb1: {  	_ =	swait.ge [sflag:s22], $0x280  }
0xb2: {  	[sflag:s22] =	ssyncset.done $0x0  }
0xb3: {  	[sflag:s22] =	ssyncadd.s32 $0xFFFFFD80  }
0xb4: {  	[tilespmem:s25], [sflag:$0x2] =	stream.strided.gather [spmem:s10], $0x2800, s24, s23, $0x38;
	[tilespmem:$0x16980] =	vst v63  }
0xb5: {  	s1 =	simm.s32 $0x0;
	_ =	swait.ge [sflag:s22], $0x2800  }
0xb6: {  	s0 =	sand.u32 $0x1C00, s1;
	s15 =	sand.u32 $0x70, s1;
	[sflag:s22] =	ssyncset.done $0x0  }
0xb7: {  	s0 =	sor.u32 s15, s0;
	[sflag:s22] =	ssyncadd.s32 $0xFFFFD800  }
0xb8: {  	v2 =	vld [tilespmem:s0+$0xC700];
	_ =	sdelay $0x1  }
0xb9: {  	v3 =	vld [tilespmem:s0+$0xC780];
	_ =	sdelay $0x1  }
0xba: {  	v54 =	vld [tilespmem:s0+$0xC800]  }
0xbb: {  	v2 =	vadd.f32 $0.0e+00, v2  }
0xbc: {  	v55 =	vld [tilespmem:s0+$0xC880]  }
0xbd: {  	v2 =	vadd.f32 v3, v2  }
0xbe: {  	v3 =	vld [tilespmem:s0+$0xC900]  }
0xbf: {  	v2 =	vadd.f32 v54, v2  }
0xc0: {  	v56 =	vld [tilespmem:s0+$0xC980]  }
0xc1: {  	v2 =	vadd.f32 v55, v2  }
0xc2: {  	v57 =	vld [tilespmem:s0+$0xCA00]  }
0xc3: {  	v2 =	vadd.f32 v3, v2  }
0xc4: {  	v3 =	vld [tilespmem:s0+$0xCA80]  }
0xc5: {  	v2 =	vadd.f32 v56, v2  }
0xc6: {  	v58 =	vld [tilespmem:s0+$0xDB00]  }
0xc7: {  	v2 =	vadd.f32 v57, v2  }
0xc8: {  	v59 =	vld [tilespmem:s0+$0xDB80]  }
0xc9: {  	v2 =	vadd.f32 v3, v2  }
0xca: {  	v3 =	vld [tilespmem:s0+$0xDC00]  }
0xcb: {  	v2 =	vadd.f32 v58, v2  }
0xcc: {  	v60 =	vld [tilespmem:s0+$0xDC80]  }
0xcd: {  	v2 =	vadd.f32 v59, v2  }
0xce: {  	v61 =	vld [tilespmem:s0+$0xDD00]  }
0xcf: {  	v2 =	vadd.f32 v3, v2  }
0xd0: {  	v3 =	vld [tilespmem:s0+$0xDD80]  }
0xd1: {  	v2 =	vadd.f32 v60, v2  }
0xd2: {  	v62 =	vld [tilespmem:s0+$0xDE00]  }
0xd3: {  	v2 =	vadd.f32 v61, v2  }
0xd4: {  	v63 =	vld [tilespmem:s0+$0xDE80]  }
0xd5: {  	v2 =	vadd.f32 v3, v2;
	_ =	sdelay $0x1  }
0xd6: {  	v2 =	vadd.f32 v62, v2;
	_ =	sdelay $0x1  }
0xd7: {  	s31 =	simm.s32 $0x80;
	s15 =	simm.s32 $0x10;
	v2 =	vadd.f32 v63, v2  }
0xd8: {  	s1 =	sand.u32 $0x70, s15;
	s15 =	sand.u32 $0x1C00, s31;
	s0 =	simm.s32 $0x20  }
.LBB2_8:
0xd9: {  	p0 =	sne.s32 s0, $0x270;
	s1 =	sor.u32 s1, s15;
	[tilespmem:s30+$0x0] =	vst v2  }
0xda: {  	v2 =	vld [tilespmem:s1+$0xC700];
	_ =	sdelay $0x1  }
0xdb: {  	v3 =	vld [tilespmem:s1+$0xC780];
	_ =	sdelay $0x1  }
0xdc: {  	v4 =	vld [tilespmem:s1+$0xC800]  }
0xdd: {  	v2 =	vadd.f32 $0.0e+00, v2  }
0xde: {  	v5 =	vld [tilespmem:s1+$0xC880]  }
0xdf: {  	v2 =	vadd.f32 v3, v2  }
0xe0: {  	v3 =	vld [tilespmem:s1+$0xC900]  }
0xe1: {  	v2 =	vadd.f32 v4, v2  }
0xe2: {  	v4 =	vld [tilespmem:s1+$0xC980]  }
0xe3: {  	v2 =	vadd.f32 v5, v2  }
0xe4: {  	v5 =	vld [tilespmem:s1+$0xCA00]  }
0xe5: {  	v2 =	vadd.f32 v3, v2  }
0xe6: {  	v3 =	vld [tilespmem:s1+$0xCA80]  }
0xe7: {  	v2 =	vadd.f32 v4, v2  }
0xe8: {  	v4 =	vld [tilespmem:s1+$0xDB00]  }
0xe9: {  	v2 =	vadd.f32 v5, v2  }
0xea: {  	v5 =	vld [tilespmem:s1+$0xDB80]  }
0xeb: {  	v2 =	vadd.f32 v3, v2  }
0xec: {  	v3 =	vld [tilespmem:s1+$0xDC00]  }
0xed: {  	v2 =	vadd.f32 v4, v2  }
0xee: {  	v4 =	vld [tilespmem:s1+$0xDC80]  }
0xef: {  	v2 =	vadd.f32 v5, v2  }
0xf0: {  	v5 =	vld [tilespmem:s1+$0xDD00]  }
0xf1: {  	v2 =	vadd.f32 v3, v2  }
0xf2: {  	v3 =	vld [tilespmem:s1+$0xDD80]  }
0xf3: {  	v2 =	vadd.f32 v4, v2  }
0xf4: {  	v4 =	vld [tilespmem:s1+$0xDE00]  }
0xf5: {  	v2 =	vadd.f32 v5, v2  }
0xf6: {  	v5 =	vld [tilespmem:s1+$0xDE80]  }
0xf7: {  	v2 =	vadd.f32 v3, v2  }
.Ltmp3:
0xf8: {  	(pc) =	sbr.rel @p0 .LBB2_8-.Ltmp3, $3  }
0xf9: {  	v2 =	vadd.f32 v4, v2;
	_ =	sdelay $0x1  }
0xfa: {  	s31 =	sadd.s32 $0x80, s31;
	s30 =	sadd.s32 $0x10, s30;
	v2 =	vadd.f32 v5, v2  }
0xfb: {  	s15 =	sand.u32 $0x1C00, s31;
	s1 =	sand.u32 $0x70, s0;
	s0 =	sadd.s32 $0x10, s0  }
0xfc: {  	s0 =	sor.u32 s1, s15;
	[tilespmem:s30+$0x0] =	vst v2  }
0xfd: {  	v2 =	vld [tilespmem:s0+$0xC700];
	_ =	sdelay $0x1  }
0xfe: {  	v3 =	vld [tilespmem:s0+$0xC780];
	_ =	sdelay $0x1  }
0xff: {  	v4 =	vld [tilespmem:s0+$0xC800]  }
0x100: {  	v2 =	vadd.f32 $0.0e+00, v2  }
0x101: {  	v5 =	vld [tilespmem:s0+$0xC880]  }
0x102: {  	v2 =	vadd.f32 v3, v2  }
0x103: {  	v3 =	vld [tilespmem:s0+$0xC900]  }
0x104: {  	v2 =	vadd.f32 v4, v2  }
0x105: {  	v46 =	vld [tilespmem:s0+$0xC980]  }
0x106: {  	v2 =	vadd.f32 v5, v2  }
0x107: {  	v47 =	vld [tilespmem:s0+$0xCA00]  }
0x108: {  	v2 =	vadd.f32 v3, v2  }
0x109: {  	v3 =	vld [tilespmem:s0+$0xCA80]  }
0x10a: {  	v2 =	vadd.f32 v46, v2  }
0x10b: {  	v48 =	vld [tilespmem:s0+$0xDB00]  }
0x10c: {  	v2 =	vadd.f32 v47, v2  }
0x10d: {  	v49 =	vld [tilespmem:s0+$0xDB80]  }
0x10e: {  	v2 =	vadd.f32 v3, v2  }
0x10f: {  	v3 =	vld [tilespmem:s0+$0xDC00]  }
0x110: {  	v2 =	vadd.f32 v48, v2  }
0x111: {  	v50 =	vld [tilespmem:s0+$0xDC80]  }
0x112: {  	v2 =	vadd.f32 v49, v2  }
0x113: {  	v51 =	vld [tilespmem:s0+$0xDD00]  }
0x114: {  	v2 =	vadd.f32 v3, v2  }
0x115: {  	v3 =	vld [tilespmem:s0+$0xDD80]  }
0x116: {  	v2 =	vadd.f32 v50, v2  }
0x117: {  	v52 =	vld [tilespmem:s0+$0xDE00]  }
0x118: {  	v2 =	vadd.f32 v51, v2  }
0x119: {  	v53 =	vld [tilespmem:s0+$0xDE80]  }
0x11a: {  	v2 =	vadd.f32 v3, v2;
	_ =	sdelay $0x1  }
0x11b: {  	v2 =	vadd.f32 v52, v2;
	_ =	sdelay $0x1  }
0x11c: {  	v2 =	vadd.f32 v53, v2  }
0x11d: {  	s15 =	sadd.s32 $0x10, s30  }
0x11e: {  	s30 =	simm.s32 $0xEF00;
	[tilespmem:s15+$0x0] =	vst v2  }
0x11f: {  	[hbm4b:s11+s20] =	stream.strided.scatter [tilespmem:s30], [sflag:$0x2], $0x280, s26, s20, $0x38;
	[tilespmem:$0x16980] =	vst v63  }
0x120: {  	_ =	swait.ge [sflag:s22], $0x280  }
0x121: {  	[sflag:s22] =	ssyncset.done $0x0  }
0x122: {  	[sflag:s22] =	ssyncadd.s32 $0xFFFFFD80  }
0x123: {  	[tilespmem:s25], [sflag:$0x2] =	stream.strided.gather [spmem:s12], $0x2800, s24, s23, $0x38;
	[tilespmem:$0x16980] =	vst v63  }
0x124: {  	s1 =	simm.s32 $0x0;
	_ =	swait.ge [sflag:s22], $0x2800  }
0x125: {  	s0 =	sand.u32 $0x1C00, s1;
	s15 =	sand.u32 $0x70, s1;
	[sflag:s22] =	ssyncset.done $0x0  }
0x126: {  	s0 =	sor.u32 s15, s0;
	[sflag:s22] =	ssyncadd.s32 $0xFFFFD800  }
0x127: {  	v2 =	vld [tilespmem:s0+$0xC700];
	_ =	sdelay $0x1  }
0x128: {  	v3 =	vld [tilespmem:s0+$0xC780];
	_ =	sdelay $0x1  }
0x129: {  	v54 =	vld [tilespmem:s0+$0xC800]  }
0x12a: {  	v2 =	vadd.f32 $0.0e+00, v2  }
0x12b: {  	v55 =	vld [tilespmem:s0+$0xC880]  }
0x12c: {  	v2 =	vadd.f32 v3, v2  }
0x12d: {  	v3 =	vld [tilespmem:s0+$0xC900]  }
0x12e: {  	v2 =	vadd.f32 v54, v2  }
0x12f: {  	v56 =	vld [tilespmem:s0+$0xC980]  }
0x130: {  	v2 =	vadd.f32 v55, v2  }
0x131: {  	v57 =	vld [tilespmem:s0+$0xCA00]  }
0x132: {  	v2 =	vadd.f32 v3, v2  }
0x133: {  	v3 =	vld [tilespmem:s0+$0xCA80]  }
0x134: {  	v2 =	vadd.f32 v56, v2  }
0x135: {  	v58 =	vld [tilespmem:s0+$0xDB00]  }
0x136: {  	v2 =	vadd.f32 v57, v2  }
0x137: {  	v59 =	vld [tilespmem:s0+$0xDB80]  }
0x138: {  	v2 =	vadd.f32 v3, v2  }
0x139: {  	v3 =	vld [tilespmem:s0+$0xDC00]  }
0x13a: {  	v2 =	vadd.f32 v58, v2  }
0x13b: {  	v60 =	vld [tilespmem:s0+$0xDC80]  }
0x13c: {  	v2 =	vadd.f32 v59, v2  }
0x13d: {  	v61 =	vld [tilespmem:s0+$0xDD00]  }
0x13e: {  	v2 =	vadd.f32 v3, v2  }
0x13f: {  	v3 =	vld [tilespmem:s0+$0xDD80]  }
0x140: {  	v2 =	vadd.f32 v60, v2  }
0x141: {  	v62 =	vld [tilespmem:s0+$0xDE00]  }
0x142: {  	v2 =	vadd.f32 v61, v2  }
0x143: {  	v63 =	vld [tilespmem:s0+$0xDE80]  }
0x144: {  	v2 =	vadd.f32 v3, v2;
	_ =	sdelay $0x1  }
0x145: {  	v2 =	vadd.f32 v62, v2;
	_ =	sdelay $0x1  }
0x146: {  	s31 =	simm.s32 $0x80;
	s15 =	simm.s32 $0x10;
	v2 =	vadd.f32 v63, v2  }
0x147: {  	s1 =	sand.u32 $0x70, s15;
	s15 =	sand.u32 $0x1C00, s31;
	s0 =	simm.s32 $0x20  }
.LBB2_10:
0x148: {  	p0 =	sne.s32 s0, $0x270;
	s1 =	sor.u32 s1, s15;
	[tilespmem:s30+$0x0] =	vst v2  }
0x149: {  	v2 =	vld [tilespmem:s1+$0xC700];
	_ =	sdelay $0x1  }
0x14a: {  	v3 =	vld [tilespmem:s1+$0xC780];
	_ =	sdelay $0x1  }
0x14b: {  	v4 =	vld [tilespmem:s1+$0xC800]  }
0x14c: {  	v2 =	vadd.f32 $0.0e+00, v2  }
0x14d: {  	v5 =	vld [tilespmem:s1+$0xC880]  }
0x14e: {  	v2 =	vadd.f32 v3, v2  }
0x14f: {  	v3 =	vld [tilespmem:s1+$0xC900]  }
0x150: {  	v2 =	vadd.f32 v4, v2  }
0x151: {  	v4 =	vld [tilespmem:s1+$0xC980]  }
0x152: {  	v2 =	vadd.f32 v5, v2  }
0x153: {  	v5 =	vld [tilespmem:s1+$0xCA00]  }
0x154: {  	v2 =	vadd.f32 v3, v2  }
0x155: {  	v3 =	vld [tilespmem:s1+$0xCA80]  }
0x156: {  	v2 =	vadd.f32 v4, v2  }
0x157: {  	v4 =	vld [tilespmem:s1+$0xDB00]  }
0x158: {  	v2 =	vadd.f32 v5, v2  }
0x159: {  	v5 =	vld [tilespmem:s1+$0xDB80]  }
0x15a: {  	v2 =	vadd.f32 v3, v2  }
0x15b: {  	v3 =	vld [tilespmem:s1+$0xDC00]  }
0x15c: {  	v2 =	vadd.f32 v4, v2  }
0x15d: {  	v4 =	vld [tilespmem:s1+$0xDC80]  }
0x15e: {  	v2 =	vadd.f32 v5, v2  }
0x15f: {  	v5 =	vld [tilespmem:s1+$0xDD00]  }
0x160: {  	v2 =	vadd.f32 v3, v2  }
0x161: {  	v3 =	vld [tilespmem:s1+$0xDD80]  }
0x162: {  	v2 =	vadd.f32 v4, v2  }
0x163: {  	v4 =	vld [tilespmem:s1+$0xDE00]  }
0x164: {  	v2 =	vadd.f32 v5, v2  }
0x165: {  	v5 =	vld [tilespmem:s1+$0xDE80]  }
0x166: {  	v2 =	vadd.f32 v3, v2  }
.Ltmp4:
0x167: {  	(pc) =	sbr.rel @p0 .LBB2_10-.Ltmp4, $3  }
0x168: {  	v2 =	vadd.f32 v4, v2;
	_ =	sdelay $0x1  }
0x169: {  	s31 =	sadd.s32 $0x80, s31;
	s30 =	sadd.s32 $0x10, s30;
	v2 =	vadd.f32 v5, v2  }
0x16a: {  	s15 =	sand.u32 $0x1C00, s31;
	s1 =	sand.u32 $0x70, s0;
	s0 =	sadd.s32 $0x10, s0  }
0x16b: {  	s0 =	sor.u32 s1, s15;
	[tilespmem:s30+$0x0] =	vst v2  }
0x16c: {  	v2 =	vld [tilespmem:s0+$0xC700];
	_ =	sdelay $0x1  }
0x16d: {  	v3 =	vld [tilespmem:s0+$0xC780];
	_ =	sdelay $0x1  }
0x16e: {  	v4 =	vld [tilespmem:s0+$0xC800]  }
0x16f: {  	v2 =	vadd.f32 $0.0e+00, v2  }
0x170: {  	v5 =	vld [tilespmem:s0+$0xC880]  }
0x171: {  	v2 =	vadd.f32 v3, v2  }
0x172: {  	v3 =	vld [tilespmem:s0+$0xC900]  }
0x173: {  	v2 =	vadd.f32 v4, v2  }
0x174: {  	v56 =	vld [tilespmem:s0+$0xC980]  }
0x175: {  	v2 =	vadd.f32 v5, v2  }
0x176: {  	v57 =	vld [tilespmem:s0+$0xCA00]  }
0x177: {  	v2 =	vadd.f32 v3, v2  }
0x178: {  	v3 =	vld [tilespmem:s0+$0xCA80]  }
0x179: {  	v2 =	vadd.f32 v56, v2  }
0x17a: {  	v58 =	vld [tilespmem:s0+$0xDB00]  }
0x17b: {  	v2 =	vadd.f32 v57, v2  }
0x17c: {  	v59 =	vld [tilespmem:s0+$0xDB80]  }
0x17d: {  	v2 =	vadd.f32 v3, v2  }
0x17e: {  	v3 =	vld [tilespmem:s0+$0xDC00]  }
0x17f: {  	v2 =	vadd.f32 v58, v2  }
0x180: {  	v60 =	vld [tilespmem:s0+$0xDC80]  }
0x181: {  	v2 =	vadd.f32 v59, v2  }
0x182: {  	v61 =	vld [tilespmem:s0+$0xDD00]  }
0x183: {  	v2 =	vadd.f32 v3, v2  }
0x184: {  	v3 =	vld [tilespmem:s0+$0xDD80]  }
0x185: {  	v2 =	vadd.f32 v60, v2  }
0x186: {  	v62 =	vld [tilespmem:s0+$0xDE00]  }
0x187: {  	v2 =	vadd.f32 v61, v2  }
0x188: {  	v63 =	vld [tilespmem:s0+$0xDE80]  }
0x189: {  	v2 =	vadd.f32 v3, v2;
	_ =	sdelay $0x1  }
0x18a: {  	v2 =	vadd.f32 v62, v2;
	_ =	sdelay $0x1  }
0x18b: {  	s29 =	sadd.s32 $0x1, s29;
	v2 =	vadd.f32 v63, v2  }
0x18c: {  	s31 =	sadd.s32 $0x10, s30;
	p0 =	sne.s32 s29, s14  }
.Ltmp5:
0x18d: {  	[tilespmem:s31+$0x0] =	vst v2;
	(pc) =	sbr.rel @p0 .LBB2_1-.Ltmp5, $4  }
0x18e: {  	[hbm4b:s13+s20] =	stream.strided.scatter [tilespmem:s28], [sflag:$0x2], $0x280, s26, s20, $0x38;
	[tilespmem:$0x16980] =	vst v63  }
0x18f: {  	_ =	swait.ge [sflag:s22], $0x280  }
0x190: {  	[sflag:s22] =	ssyncset.done $0x0  }
0x191: {  	[sflag:s22] =	ssyncadd.s32 $0xFFFFFD80  }
0x192: {  	_ =	sfence.sel $0x180000  }
0x193: {  	[bflag:$0x0] =	sbarrier.arrive $0xFFFF  }
0x194: {  	_ =	strace $0x90000047  }
0x195: {  	s0 =	stileid.u32;
	[bflag:$0x2] =	sbarrier.arrive $0xFFFF  }
0x196: {  	p0 =	sne.s32 s0, $0x0;
	s0 =	rddreg [dreg:$0x3]  }
0x197: {  	s0 =	sadd.s32 @!p0 $0x100000, s0  }
0x198: {  	[sflag:s0] =	ssyncadd.tile.s32 @!p0 $0x1;
	_ =	shalt  }
.Lfunc_end2:
_tile_overlayer_lowered:
.L_overlay_start_2:
0x199: {  	(tag) =	ssettag $0x2  }
0x19a: {  	s0 =	rddreg [dreg:$0x0];
	s2 =	stileid.u32  }
0x19b: {  	s1 =	rddreg [dreg:$0x1];
	p0 =	sne.s32 s2, $0x0  }
0x19c: {  	s3 =	rddreg [dreg:$0x2];
	[bflag:$0x3] =	sbarrier.arrive $0xFFFF;
	s2 =	simm.s32 @!p0 $0x1C02  }
0x19d: {  	[timem:s3], [sflag:s2] =	dma.local @!p0 [hbm:s0], s1  }
0x19e: {  	s0 =	simm.s32 @!p0 $0x2  }
0x19f: {  	_ =	swait.ge @!p0 [sflag:s0], s1  }
0x1a0: {  	s1 =	ssub.s32 @!p0 $0x0, s1;
	[sflag:s0] =	ssyncset.done @!p0 $0x0  }
0x1a1: {  	[sflag:s0] =	ssyncadd.s32 @!p0 s1  }
0x1a2: {  	[bflag:$0x3] =	sbarrier.arrive $0xFFFF  }
0x1a3: {  	_ =	shalt  }

// kernel: kernel.9.cloned.1.call-start
scs
__scs_entry_jumppad:
0x0: {  	(pc) =	sbr.rel $0x88, $3  }
0x1: {  	(tag) =	ssettag $0x0;
	lr =	simm.s32 $0x1  }
0x2: {  	[smem:$0x3F9D] =	sst lr;
	_ =	strace $0xD0000000  }
0x3: {  	_ = 	snop  }
0x4: {  	_ = 	snop  }
0x5: {  	_ = 	snop  }
0x6: {  	_ = 	snop  }
0x7: {  	_ = 	snop  }
__scs_overlays_trampoline_lowered:
0x8: {  	[smem:$0x3FAC] =	sst s0  }
0x9: {  	[smem:$0x3FAD] =	sst s1  }
0xa: {  	[smem:$0x3FAE] =	sst s2  }
0xb: {  	[smem:$0x3FAF] =	sst s3  }
0xc: {  	[smem:$0x3FB0] =	sst s4  }
0xd: {  	[smem:$0x3FB1] =	sst s5  }
0xe: {  	[smem:$0x3FB2] =	sst s6  }
0xf: {  	[smem:$0x3FB3] =	sst s7  }
0x10: {  	[smem:$0x3FB4] =	sst s8  }
0x11: {  	[smem:$0x3FB5] =	sst s9;
	s0 =	simm.s32 @!p0 $0x0  }
0x12: {  	s1 =	sld [smem:$0x3F9B];
	s0 =	simm.s32 @p0 $0x1  }
0x13: {  	[smem:$0x3FB6] =	sst s0;
	s0 =	simm.s32 @!p1 $0x0  }
0x14: {  	s2 =	sld [smem:$0x3F9A];
	s0 =	simm.s32 @p1 $0x1  }
0x15: {  	[smem:$0x3FB7] =	sst s0;
	s0 =	simm.s32 @!p2 $0x0  }
0x16: {  	s3 =	sld [smem:$0x3FDB];
	s0 =	simm.s32 @p2 $0x1  }
0x17: {  	s4 =	simm.s32 $0x1BF5;
	[smem:$0x3FB9] =	sst s0  }
0x18: {  	s0 =	sld [smem:$0x3F9C];
	_ =	swait.ge [sflag:s4], $0x0  }
0x19: {  	s7 =	sld [smem:$0x3F9D]  }
0x1a: {  	s8 =	sadd.s32 $0xFFFFE003, lr  }
0x1b: {  	s9 =	sadd.s32 $0xFFFFFEF7, lr;
	s5 =	simm.s32 $0xFFFFFFFF;
	p2 =	slt.u32 s8, $0xFFFFF086  }
0x1c: {  	p1 =	slt.u32 s9, $0xF7A;
	s5 =	simm.s32 @!p2 $0x0  }
0x1d: {  	s5 =	simm.s32 @p1 $0x1;
	p0 =	seq.s32 s7, s2  }
0x1e: {  	s7 =	smul.u32 @!p0 $0xF7A, s2;
	p2 =	seq.s32 @!p0 s5, $0x0  }
0x1f: {  	s9 =	smul.u32 $0xF7A, s1;
	s8 =	simm.s32 @!p0 $0x1BF5;
	p2 =	por !p2, p0  }
0x20: {  	[sflag:s8] =	ssyncset.s32 @!p0 $0xFFFFF086;
	s6 =	sadd.s32 @!p0 s3, s7;
	s7 =	simm.s32 @!p0 $0x108  }
0x21: {  	s3 =	sadd.s32 s3, s9;
	s6 =	sadd.s32 @!p0 $0x88, s6;
	s7 =	simm.s32 @p2 $0x1082  }
0x22: {  	[simem:s7], [sflag:s8] =	dma.local @!p0 [hbm:s6], $0xF7A  }
0x23: {  	s9 =	sor.u32 $0xD0000000, s2;
	s6 =	simm.s32 $0x108;
	_ =	swait.ge @!p0 [sflag:s8], $0x0  }
0x24: {  	s3 =	sadd.s32 $0x88, s3;
	s6 =	simm.s32 @!p1 $0x1082;
	[sflag:s4] =	ssyncset.s32 $0xFFFFF086  }
0x25: {  	[simem:s6], [sflag:s4] =	dma.local [hbm:s3], $0xF7A  }
0x26: {  	[smem:$0x3F9D] =	sst s1;
	(tag) =	ssettag s2;
	_ =	strace s9  }
0x27: {  	s1 =	sld [smem:$0x3FAD]  }
0x28: {  	s2 =	sld [smem:$0x3FAE]  }
0x29: {  	s4 =	sld [smem:$0x3FB0]  }
0x2a: {  	p0 =	seq.s32 s5, $0x0;
	s5 =	sld [smem:$0x3FB1]  }
0x2b: {  	s6 =	sld [smem:$0x3FB2]  }
0x2c: {  	s7 =	sld [smem:$0x3FB3]  }
0x2d: {  	s3 =	simm.s32 $0x108;
	s8 =	sld [smem:$0x3FB4]  }
0x2e: {  	s3 =	simm.s32 @!p0 $0x1082;
	s9 =	sld [smem:$0x3FB5]  }
0x2f: {  	lr =	sadd.s32 s0, s3;
	s0 =	sld [smem:$0x3FAC]  }
0x30: {  	s3 =	sld [smem:$0x3FAF]  }
0x31: {  	[smem:$0x3FB8] =	sst s10  }
0x32: {  	s10 =	sld [smem:$0x3FB6];
	_ =	sdelay $0x3  }
0x33: {  	p0 =	seq.s32 s10, $0x1;
	s10 =	sld [smem:$0x3FB8];
	_ =	sdelay $0x3  }
0x34: {  	[smem:$0x3FB8] =	sst s10  }
0x35: {  	s10 =	sld [smem:$0x3FB7];
	_ =	sdelay $0x3  }
0x36: {  	p1 =	seq.s32 s10, $0x1;
	s10 =	sld [smem:$0x3FB8];
	_ =	sdelay $0x3  }
0x37: {  	[smem:$0x3FB8] =	sst s10  }
0x38: {  	s10 =	sld [smem:$0x3FB9]  }
0x39: {  	_ = 	snop;
	(pc) =	sbr.ind lr, $3  }
0x3a: {  	_ = 	snop  }
0x3b: {  	_ = 	snop  }
0x3c: {  	p2 =	seq.s32 s10, $0x1;
	s10 =	sld [smem:$0x3FB8]  }
0x3d: {  	_ =	shalt  }
0x3e: {  	_ =	shalt  }
0x3f: {  	_ =	shalt  }
0x40: {  	_ =	shalt  }
0x41: {  	_ =	shalt  }
0x42: {  	_ =	shalt  }
0x43: {  	_ =	shalt  }
0x44: {  	_ =	shalt  }
0x45: {  	_ =	shalt  }
0x46: {  	_ =	shalt  }
0x47: {  	_ =	shalt  }
0x48: {  	_ =	shalt  }
0x49: {  	_ =	shalt  }
0x4a: {  	_ =	shalt  }
0x4b: {  	_ =	shalt  }
0x4c: {  	_ =	shalt  }
0x4d: {  	_ =	shalt  }
0x4e: {  	_ =	shalt  }
0x4f: {  	_ =	shalt  }
0x50: {  	_ =	shalt  }
0x51: {  	_ =	shalt  }
0x52: {  	_ =	shalt  }
0x53: {  	_ =	shalt  }
0x54: {  	_ =	shalt  }
0x55: {  	_ =	shalt  }
0x56: {  	_ =	shalt  }
0x57: {  	_ =	shalt  }
0x58: {  	_ =	shalt  }
0x59: {  	_ =	shalt  }
0x5a: {  	_ =	shalt  }
0x5b: {  	_ =	shalt  }
0x5c: {  	_ =	shalt  }
0x5d: {  	_ =	shalt  }
0x5e: {  	_ =	shalt  }
0x5f: {  	_ =	shalt  }
0x60: {  	_ =	shalt  }
0x61: {  	_ =	shalt  }
0x62: {  	_ =	shalt  }
0x63: {  	_ =	shalt  }
0x64: {  	_ =	shalt  }
0x65: {  	_ =	shalt  }
0x66: {  	_ =	shalt  }
0x67: {  	_ =	shalt  }
0x68: {  	_ =	shalt  }
0x69: {  	_ =	shalt  }
0x6a: {  	_ =	shalt  }
0x6b: {  	_ =	shalt  }
0x6c: {  	_ =	shalt  }
0x6d: {  	_ =	shalt  }
0x6e: {  	_ =	shalt  }
0x6f: {  	_ =	shalt  }
0x70: {  	_ =	shalt  }
0x71: {  	_ =	shalt  }
0x72: {  	_ =	shalt  }
0x73: {  	_ =	shalt  }
0x74: {  	_ =	shalt  }
0x75: {  	_ =	shalt  }
0x76: {  	_ =	shalt  }
0x77: {  	_ =	shalt  }
0x78: {  	_ =	shalt  }
0x79: {  	_ =	shalt  }
0x7a: {  	_ =	shalt  }
0x7b: {  	_ =	shalt  }
0x7c: {  	_ =	shalt  }
0x7d: {  	_ =	shalt  }
0x7e: {  	_ =	shalt  }
0x7f: {  	_ =	shalt  }
0x80: {  	_ =	shalt  }
0x81: {  	_ =	shalt  }
0x82: {  	_ =	shalt  }
0x83: {  	_ =	shalt  }
0x84: {  	_ =	shalt  }
0x85: {  	_ =	shalt  }
0x86: {  	_ =	shalt  }
0x87: {  	_ =	shalt  }
.Lfunc_end0:
.L_simem_size_0:
called_computation.1_lowered:
.L_overlay_start_0:
0x88: {  	s2 =	sld [smem:$0x3FD9]  }
0x89: {  	s3 =	sld [smem:$0x3FFE];
	_ =	sdelay $0x1  }
0x8a: {  	s1 =	srdreg.scid  }
0x8b: {  	s0 =	sand.u32 $0x1, s1  }
0x8c: {  	s17 =	sshll.u32 s0, $0xA;
	s2 =	sadd.s32 s3, s2  }
0x8d: {  	s2 =	sadd.s32 s2, s17  }
0x8e: {  	[smem:$0x3FC4] =	sst s2  }
0x8f: {  	_ = 	snop  }
0x90: {  	s2 =	sld [smem:$0x3FD0];
	(tm) =	ssettm $0x1  }
0x91: {  	s18 =	sld [smem:$0x3FFB];
	_ =	sdelay $0x3  }
0x92: {  	_ =	strace s18  }
0x93: {  	s3 =	sld [smem:$0x3FFC];
	_ =	sdelay $0x3  }
0x94: {  	_ =	strace s3  }
0x95: {  	s3 =	sld [smem:$0x3FFD];
	_ =	sdelay $0x3  }
0x96: {  	_ =	strace s3  }
0x97: {  	_ =	strace $0x8FFFFFFF  }
0x98: {  	s19 =	sld [smem:$0x3FDB];
	_ =	sdelay $0x1  }
0x99: {  	s4 =	simm.s32 $_scs_section_size  }
0x9a: {  	s5 =	simm.s32 $_size__tile_overlayer_lowered;
	s6 =	simm.s32 $_tile_overlayer_lowered  }
0x9b: {  	s22 =	simm.s32 $0x1BFF;
	s21 =	sshll.u32 s6, $0x1;
	s3 =	sadd.s32 s4, s19  }
0x9c: {  	s7 =	simm.s32 $0x0;
	s20 =	sshll.u32 s5, $0x1;
	s5 =	sadd.s32 s21, s3  }
0x9d: {  	[timem:s7], [sflag:s22] =	dma.local [hbm:s5], s20  }
0x9e: {  	_ =	swait.ge [sflag:s22], s20  }
0x9f: {  	s4 =	ssub.s32 $0x0, s20;
	[sflag:s22] =	ssyncset.done $0x0  }
0xa0: {  	[sflag:s22] =	ssyncadd.s32 s4;
	_ =	sdelay $0x1  }
0xa1: {  	s23 =	simm.s32 $0x1B8B  }
0xa2: {  	_ =	swait.ge [sflag:s23], $0x1  }
0xa3: {  	[sflag:s23] =	ssyncset.done $0x0  }
0xa4: {  	s25 =	simm.s32 $0x1B8E;
	s24 =	sld [smem:$0x3FFE];
	[sflag:s23] =	ssyncadd.s32 $0xFFFFFFFF  }
0xa5: {  	s26 =	simm.s32 $execute0_lowered;
	[smem:$0x3FD2] =	sst s25  }
0xa6: {  	s5 =	sshll.u32 s26, $0x1;
	_ =	strace $0x80000049;
	[dreg:$0x1] =	wrdreg $0xFFFFFFFF  }
0xa7: {  	s28 =	simm.s32 $_size_execute0_lowered;
	s3 =	sadd.s32 s3, s5;
	[dreg:$0x0] =	wrdreg $0x0  }
0xa8: {  	s5 =	sshll.u32 s28, $0x1;
	[dreg:$0x2] =	wrdreg s3  }
0xa9: {  	[dreg:$0x3] =	wrdreg s5  }
0xaa: {  	[dreg:$0x4] =	wrdreg $0xC0  }
0xab: {  	_ =	task [dreg:s7], $0x5FFFF  }
0xac: {  	[dreg:$0x1] =	wrdreg $0xFFFFFFFF  }
0xad: {  	[dreg:$0x0] =	wrdreg $0x60  }
0xae: {  	[dreg:$0x2] =	wrdreg s2  }
0xaf: {  	[dreg:$0x3] =	wrdreg s24  }
0xb0: {  	[dreg:$0x4] =	wrdreg $0xA0000  }
0xb1: {  	[dreg:$0x5] =	wrdreg $0x9  }
0xb2: {  	_ =	task.clear_ibuf [dreg:s7], $0x6FFFF;
	_ =	strace $0x90000049  }
0xb3: {  	s29 =	simm.s32 $0x9;
	_ =	strace $0x8000004B  }
0xb4: {  	_ =	swait.ge [sflag:s29], $0x1  }
0xb5: {  	[sflag:s29] =	ssyncadd.s32 $0xFFFFFFFF  }
0xb6: {  	_ =	strace $0x9000004B  }
0xb7: {  	_ =	sfence  }
0xb8: {  	s30 =	sld [smem:$0x0];
	_ =	sdelay $0x2  }
0xb9: {  	s31 =	sshll.u32 s1, $0xD;
	s1 =	sshrl.u32 s1, $0x2  }
0xba: {  	s3 =	sand.u32 $0x4000, s31;
	s1 =	sadd.s32 s1, s30  }
0xbb: {  	s0 =	sor.u32 s3, s0;
	s1 =	sshll.u32 s1, $0x11  }
0xbc: {  	s0 =	sor.u32 s1, s0  }
0xbd: {  	s0 =	sadd.s32 $0x8F2B, s0  }
0xbe: {  	[sflag:s0] =	ssyncadd.remote.s32 $0x1  }
0xbf: {  	_ =	sfence.sel $0xFFFF  }
0xc0: {  	[dreg:$0x0] =	wrdreg $0xFFFFFFFF;
	(pc) =	sbr.abs _section_cstart, $3  }
0xc1: {  	[dreg:$0x1] =	wrdreg $0xFFFFFFFF  }
0xc2: {  	_ =	task.clear_ibuf [dreg:s7], $0x2FFFF;
	_ =	strace $0x9FFFFFFF  }
0xc3: {  	(tm) =	ssettm $0x7FFFFFFF  }
tec
execute0_lowered:
.L_overlay_start_1:
0x0: {  	(tag) =	ssettag $0x1  }
0x1: {  	s1 =	rddreg [dreg:$0x0]  }
0x2: {  	s0 =	rddreg [dreg:$0x1]  }
0x3: {  	s2 =	rddreg [dreg:$0x2];
	s11 =	stileid.u32  }
0x4: {  	s3 =	srdreg.scid;
	s7 =	smul.u32 $0x14000, s11  }
0x5: {  	s4 =	simm.s32 $0x0;
	s28 =	simm.s32 $0xB80;
	s10 =	smul.u32 $0x50000, s11  }
0x6: {  	s29 =	simm.s32 $0xF80;
	s3 =	sand.u32 $0x1, s3;
	s24 =	smul.u32 $0x5000, s11  }
0x7: {  	[smem:$0x7FF] =	sst s4;
	s5 =	sshll.u32 s11, $0x1;
	s6 =	smul.u32 $0x140000, s3  }
0x8: {  	_ =	strace $0x8000004A;
	s8 =	sor.u32 s3, s5;
	s5 =	sadd.s32 $0x18200, s0  }
0x9: {  	s9 =	ssub.s32 $0x2, s3;
	s3 =	smul.u32 $0x2800, s3;
	s23 =	sshrl.u32 s10, $0x2  }
0xa: {  	s8 =	smul.u32 $0x2800, s8;
	s19 =	sshrl.u32 s9, $0x1;
	s31 =	sadd.s32 s23, s2  }
0xb: {  	s7 =	sadd.s32 s7, s6;
	s25 =	sadd.s32 $0x1000, s31;
	[dreg:$0x8] =	wrdreg s31  }
0xc: {  	s6 =	sadd.s32 $0xE200, s0;
	s26 =	sadd.s32 $0x2000, s31;
	[dreg:$0xa] =	wrdreg s25  }
0xd: {  	s3 =	sadd.s32 s3, s24;
	s30 =	sadd.s32 $0x3000, s31;
	[dreg:$0xb] =	wrdreg s26  }
0xe: {  	s7 =	sshrl.u32 s7, $0x3;
	s10 =	sadd.s32 $0x5000, s31;
	[dreg:$0xc] =	wrdreg s30  }
0xf: {  	s8 =	sshrl.u32 s8, $0x3;
	s11 =	sadd.s32 $0x6000, s31;
	[dreg:$0xe] =	wrdreg s10  }
0x10: {  	s13 =	sadd.s32 $0xC00, s3;
	s14 =	sadd.s32 $0x9000, s31;
	[dreg:$0xf] =	wrdreg s11  }
0x11: {  	s3 =	sadd.s32 $0x800, s3;
	s15 =	sadd.s32 $0xA000, s31;
	[dreg:$0x12] =	wrdreg s14  }
0x12: {  	s16 =	sadd.s32 $0xB000, s31;
	s17 =	sadd.s32 $0xC000, s31;
	[dreg:$0x13] =	wrdreg s3  }
0x13: {  	s18 =	sadd.s32 $0xD000, s31;
	s24 =	sadd.s32 $0x11000, s31;
	[dreg:$0x14] =	wrdreg s15  }
0x14: {  	s0 =	sadd.s32 s7, s0;
	s7 =	ssub.s32 s9, s19;
	[dreg:$0x15] =	wrdreg s16  }
0x15: {  	s20 =	sor.u32 $0x80, s8;
	s12 =	sadd.s32 s5, s8;
	[dreg:$0x16] =	wrdreg s17  }
0x16: {  	s8 =	sadd.s32 s6, s8;
	[dreg:$0x17] =	wrdreg s18;
	s19 =	sadd.s32 $0xE000, s31  }
0x17: {  	[dreg:$0x1b] =	wrdreg s24;
	s26 =	sadd.s32 $0x12000, s31;
	s30 =	sadd.s32 $0x13000, s31  }
0x18: {  	s14 =	simm.s32 $0x9000;
	s15 =	simm.s32 $0x5;
	[dreg:$0x4] =	wrdreg s12  }
0x19: {  	s16 =	simm.s32 $0x3;
	s17 =	simm.s32 $0x80;
	[dreg:$0x5] =	wrdreg s8  }
0x1a: {  	s18 =	simm.s32 $0x1000;
	s9 =	simm.s32 $0xB00;
	[dreg:$0x18] =	wrdreg s19  }
0x1b: {  	s11 =	simm.s32 $0xE80;
	s10 =	simm.s32 $0xF00;
	[dreg:$0x1c] =	wrdreg s26  }
0x1c: {  	s3 =	simm.s32 $0x0;
	s21 =	sadd.s32 s5, s20;
	[dreg:$0x1d] =	wrdreg s30  }
0x1d: {  	s22 =	sadd.s32 s6, s20;
	s7 =	smax.u32 s7, $0x1;
	[dreg:$0x6] =	wrdreg s21  }
0x1e: {  	s8 =	sadd.s32 $0x4000, s31;
	s12 =	sadd.s32 $0x7000, s31;
	[dreg:$0x7] =	wrdreg s22  }
0x1f: {  	s25 =	sadd.s32 $0x22200, s0;
	s20 =	sadd.s32 $0xF000, s31;
	[dreg:$0x9] =	wrdreg s7  }
0x20: {  	s19 =	simm.s32 $0x5000;
	s26 =	simm.s32 $0x2;
	[dreg:$0xd] =	wrdreg s8  }
0x21: {  	[dreg:$0x10] =	wrdreg s12;
	s8 =	sadd.s32 $0x8000, s31;
	s7 =	sshrl.u32 s13, $0x3  }
0x22: {  	[dreg:$0x19] =	wrdreg s20;
	s21 =	sadd.s32 $0x10000, s31;
	s12 =	simm.s32 $0x800  }
0x23: {  	s13 =	simm.s32 $0xC00;
	s20 =	simm.s32 $0x1;
	[dreg:$0x11] =	wrdreg s8  }
0x24: {  	s22 =	sadd.s32 s7, s6;
	s23 =	sadd.s32 s7, s5;
	[dreg:$0x1a] =	wrdreg s21  }
0x25: {  	v0 =	vimm.f32 $0.0e+00;
	s21 =	simm.s32 $0x4;
	s7 =	simm.s32 $0xA80;
	s8 =	simm.s32 $0xE00  }
.LBB2_1:
0x26: {  	[dreg:$0x1e] =	wrdreg s3  }
0x27: {  	s0 =	rddreg [dreg:$0x4]  }
0x28: {  	[tilespmem:s4], [sflag:$0x3] =	stream.linear.gather [hbm4b:s0+s4], $0x400, $0x38;
	[tilespmem:$0x1E000] =	vst v63  }
0x29: {  	s3 =	rddreg [dreg:$0x5];
	s24 =	simm.s32 $0x400  }
0x2a: {  	[tilespmem:s24], [sflag:$0x3] =	stream.linear.gather [hbm4b:s3+s4], $0x400, $0x38;
	[tilespmem:$0x1E000] =	vst v63  }
0x2b: {  	s3 =	rddreg [dreg:$0x6]  }
0x2c: {  	[tilespmem:s12], [sflag:$0x4] =	stream.linear.gather [hbm4b:s3+s4], $0x400, $0x38;
	[tilespmem:$0x1E000] =	vst v63  }
0x2d: {  	s24 =	rddreg [dreg:$0x7]  }
0x2e: {  	[tilespmem:s13], [sflag:$0x4] =	stream.linear.gather [hbm4b:s24+s4], $0x400, $0x38;
	[tilespmem:$0x1E000] =	vst v63  }
0x2f: {  	s30 =	simm.s32 $0x200;
	s24 =	simm.s32 $0x0  }
.LBB2_2:
0x30: {  	p0 =	sne.s32 s30, $0x3E00;
	[tilespmem:s24+$0x9070] =	vst v0  }
0x31: {  	[tilespmem:s24+$0x9000] =	vst v0  }
0x32: {  	[tilespmem:s24+$0x9010] =	vst v0  }
.Ltmp0:
0x33: {  	[tilespmem:s24+$0x9020] =	vst v0;
	(pc) =	sbr.rel @p0 .LBB2_2-.Ltmp0, $4  }
0x34: {  	[tilespmem:s24+$0x9030] =	vst v0  }
0x35: {  	[tilespmem:s24+$0x9040] =	vst v0  }
0x36: {  	[tilespmem:s24+$0x9050] =	vst v0  }
0x37: {  	[tilespmem:s24+$0x9060] =	vst v0;
	s24 =	sshra.s32 s30, $0x2;
	s30 =	sadd.s32 $0x200, s30  }
0x38: {  	[tilespmem:s24+$0x9070] =	vst v0  }
0x39: {  	[tilespmem:s24+$0x9000] =	vst v0  }
0x3a: {  	[tilespmem:s24+$0x9010] =	vst v0  }
0x3b: {  	[tilespmem:s24+$0x9020] =	vst v0  }
0x3c: {  	[tilespmem:s24+$0x9030] =	vst v0  }
0x3d: {  	[tilespmem:s24+$0x9040] =	vst v0  }
0x3e: {  	[tilespmem:s24+$0x9050] =	vst v0  }
0x3f: {  	[tilespmem:s24+$0x9060] =	vst v0  }
0x40: {  	[spmem:s31] =	stream.linear.scatter [tilespmem:s14], [sflag:$0x5], $0x1000, $0x38;
	[tilespmem:$0x1E000] =	vst v63  }
0x41: {  	_ =	swait.ge [sflag:s15], $0x1000  }
0x42: {  	[sflag:s15] =	ssyncset.done $0x0  }
0x43: {  	s0 =	rddreg [dreg:$0xa];
	[sflag:s15] =	ssyncadd.s32 $0xFFFFF000  }
0x44: {  	[spmem:s0] =	stream.linear.scatter [tilespmem:s14], [sflag:$0x5], $0x1000, $0x38;
	[tilespmem:$0x1E000] =	vst v63  }
0x45: {  	_ =	swait.ge [sflag:s15], $0x1000  }
0x46: {  	[sflag:s15] =	ssyncset.done $0x0  }
0x47: {  	s3 =	rddreg [dreg:$0xb];
	[sflag:s15] =	ssyncadd.s32 $0xFFFFF000  }
0x48: {  	[spmem:s3] =	stream.linear.scatter [tilespmem:s14], [sflag:$0x5], $0x1000, $0x38;
	[tilespmem:$0x1E000] =	vst v63  }
0x49: {  	_ =	swait.ge [sflag:s15], $0x1000  }
0x4a: {  	[sflag:s15] =	ssyncset.done $0x0  }
0x4b: {  	s24 =	rddreg [dreg:$0xc];
	[sflag:s15] =	ssyncadd.s32 $0xFFFFF000  }
0x4c: {  	[spmem:s24] =	stream.linear.scatter [tilespmem:s14], [sflag:$0x5], $0x1000, $0x38;
	[tilespmem:$0x1E000] =	vst v63  }
0x4d: {  	_ =	swait.ge [sflag:s15], $0x1000  }
0x4e: {  	[sflag:s15] =	ssyncset.done $0x0  }
0x4f: {  	s31 =	rddreg [dreg:$0xd];
	[sflag:s15] =	ssyncadd.s32 $0xFFFFF000  }
0x50: {  	[spmem:s31] =	stream.linear.scatter [tilespmem:s14], [sflag:$0x5], $0x1000, $0x38;
	[tilespmem:$0x1E000] =	vst v63  }
0x51: {  	_ =	swait.ge [sflag:s15], $0x1000  }
0x52: {  	[sflag:s15] =	ssyncset.done $0x0  }
0x53: {  	s3 =	rddreg [dreg:$0xe];
	[sflag:s15] =	ssyncadd.s32 $0xFFFFF000  }
0x54: {  	[spmem:s3] =	stream.linear.scatter [tilespmem:s14], [sflag:$0x5], $0x1000, $0x38;
	[tilespmem:$0x1E000] =	vst v63  }
0x55: {  	_ =	swait.ge [sflag:s15], $0x1000  }
0x56: {  	[sflag:s15] =	ssyncset.done $0x0  }
0x57: {  	s24 =	rddreg [dreg:$0xf];
	[sflag:s15] =	ssyncadd.s32 $0xFFFFF000  }
0x58: {  	[spmem:s24] =	stream.linear.scatter [tilespmem:s14], [sflag:$0x5], $0x1000, $0x38;
	[tilespmem:$0x1E000] =	vst v63  }
0x59: {  	_ =	swait.ge [sflag:s15], $0x1000  }
0x5a: {  	[sflag:s15] =	ssyncset.done $0x0  }
0x5b: {  	s31 =	rddreg [dreg:$0x10];
	[sflag:s15] =	ssyncadd.s32 $0xFFFFF000  }
0x5c: {  	[spmem:s31] =	stream.linear.scatter [tilespmem:s14], [sflag:$0x5], $0x1000, $0x38;
	[tilespmem:$0x1E000] =	vst v63  }
0x5d: {  	_ =	swait.ge [sflag:s15], $0x1000  }
0x5e: {  	[sflag:s15] =	ssyncset.done $0x0  }
0x5f: {  	s3 =	rddreg [dreg:$0x11];
	[sflag:s15] =	ssyncadd.s32 $0xFFFFF000  }
0x60: {  	[spmem:s3] =	stream.linear.scatter [tilespmem:s14], [sflag:$0x5], $0x1000, $0x38;
	[tilespmem:$0x1E000] =	vst v63  }
0x61: {  	_ =	swait.ge [sflag:s15], $0x1000  }
0x62: {  	[sflag:s15] =	ssyncset.done $0x0  }
0x63: {  	s24 =	rddreg [dreg:$0x12];
	[sflag:s15] =	ssyncadd.s32 $0xFFFFF000  }
0x64: {  	[spmem:s24] =	stream.linear.scatter [tilespmem:s14], [sflag:$0x5], $0x1000, $0x38;
	[tilespmem:$0x1E000] =	vst v63  }
0x65: {  	_ =	swait.ge [sflag:s15], $0x1000  }
0x66: {  	[sflag:s15] =	ssyncset.done $0x0  }
0x67: {  	s31 =	rddreg [dreg:$0x14];
	[sflag:s15] =	ssyncadd.s32 $0xFFFFF000  }
0x68: {  	[spmem:s31] =	stream.linear.scatter [tilespmem:s14], [sflag:$0x5], $0x1000, $0x38;
	[tilespmem:$0x1E000] =	vst v63  }
0x69: {  	_ =	swait.ge [sflag:s15], $0x1000  }
0x6a: {  	[sflag:s15] =	ssyncset.done $0x0  }
0x6b: {  	s3 =	rddreg [dreg:$0x15];
	[sflag:s15] =	ssyncadd.s32 $0xFFFFF000  }
0x6c: {  	[spmem:s3] =	stream.linear.scatter [tilespmem:s14], [sflag:$0x5], $0x1000, $0x38;
	[tilespmem:$0x1E000] =	vst v63  }
0x6d: {  	_ =	swait.ge [sflag:s15], $0x1000  }
0x6e: {  	[sflag:s15] =	ssyncset.done $0x0  }
0x6f: {  	s24 =	rddreg [dreg:$0x16];
	[sflag:s15] =	ssyncadd.s32 $0xFFFFF000  }
0x70: {  	[spmem:s24] =	stream.linear.scatter [tilespmem:s14], [sflag:$0x5], $0x1000, $0x38;
	[tilespmem:$0x1E000] =	vst v63  }
0x71: {  	_ =	swait.ge [sflag:s15], $0x1000  }
0x72: {  	[sflag:s15] =	ssyncset.done $0x0  }
0x73: {  	s31 =	rddreg [dreg:$0x17];
	[sflag:s15] =	ssyncadd.s32 $0xFFFFF000  }
0x74: {  	[spmem:s31] =	stream.linear.scatter [tilespmem:s14], [sflag:$0x5], $0x1000, $0x38;
	[tilespmem:$0x1E000] =	vst v63  }
0x75: {  	_ =	swait.ge [sflag:s15], $0x1000  }
0x76: {  	[sflag:s15] =	ssyncset.done $0x0  }
0x77: {  	s3 =	rddreg [dreg:$0x18];
	[sflag:s15] =	ssyncadd.s32 $0xFFFFF000  }
0x78: {  	[spmem:s3] =	stream.linear.scatter [tilespmem:s14], [sflag:$0x5], $0x1000, $0x38;
	[tilespmem:$0x1E000] =	vst v63  }
0x79: {  	_ =	swait.ge [sflag:s15], $0x1000  }
0x7a: {  	[sflag:s15] =	ssyncset.done $0x0  }
0x7b: {  	s24 =	rddreg [dreg:$0x19];
	[sflag:s15] =	ssyncadd.s32 $0xFFFFF000  }
0x7c: {  	[spmem:s24] =	stream.linear.scatter [tilespmem:s14], [sflag:$0x5], $0x1000, $0x38;
	[tilespmem:$0x1E000] =	vst v63  }
0x7d: {  	_ =	swait.ge [sflag:s15], $0x1000  }
0x7e: {  	[sflag:s15] =	ssyncset.done $0x0  }
0x7f: {  	s31 =	rddreg [dreg:$0x1a];
	[sflag:s15] =	ssyncadd.s32 $0xFFFFF000  }
0x80: {  	[spmem:s31] =	stream.linear.scatter [tilespmem:s14], [sflag:$0x5], $0x1000, $0x38;
	[tilespmem:$0x1E000] =	vst v63  }
0x81: {  	_ =	swait.ge [sflag:s15], $0x1000  }
0x82: {  	[sflag:s15] =	ssyncset.done $0x0  }
0x83: {  	s3 =	rddreg [dreg:$0x1b];
	[sflag:s15] =	ssyncadd.s32 $0xFFFFF000  }
0x84: {  	[spmem:s3] =	stream.linear.scatter [tilespmem:s14], [sflag:$0x5], $0x1000, $0x38;
	[tilespmem:$0x1E000] =	vst v63  }
0x85: {  	_ =	swait.ge [sflag:s15], $0x1000  }
0x86: {  	[sflag:s15] =	ssyncset.done $0x0  }
0x87: {  	s24 =	rddreg [dreg:$0x1c];
	[sflag:s15] =	ssyncadd.s32 $0xFFFFF000  }
0x88: {  	[spmem:s24] =	stream.linear.scatter [tilespmem:s14], [sflag:$0x5], $0x1000, $0x38;
	[tilespmem:$0x1E000] =	vst v63  }
0x89: {  	_ =	swait.ge [sflag:s15], $0x1000  }
0x8a: {  	[sflag:s15] =	ssyncset.done $0x0  }
0x8b: {  	s31 =	rddreg [dreg:$0x1d];
	[sflag:s15] =	ssyncadd.s32 $0xFFFFF000  }
0x8c: {  	[spmem:s31] =	stream.linear.scatter [tilespmem:s14], [sflag:$0x5], $0x1000, $0x38;
	[tilespmem:$0x1E000] =	vst v63  }
0x8d: {  	_ =	swait.ge [sflag:s15], $0x1000  }
0x8e: {  	[sflag:s15] =	ssyncset.done $0x0  }
0x8f: {  	[sflag:s15] =	ssyncadd.s32 $0xFFFFF000  }
0x90: {  	[bflag:$0x0] =	sbarrier.arrive $0xFFFF  }
0x91: {  	_ =	swait.ge [sflag:s16], $0x400  }
0x92: {  	[sflag:s16] =	ssyncset.done $0x0  }
0x93: {  	[sflag:s16] =	ssyncadd.s32 $0xFFFFFC00  }
0x94: {  	_ =	swait.ge [sflag:s16], $0x400  }
0x95: {  	[sflag:s16] =	ssyncset.done $0x0  }
0x96: {  	s24 =	simm.s32 $0x0;
	s30 =	rddreg [dreg:$0x13];
	[sflag:s16] =	ssyncadd.s32 $0xFFFFFC00  }
0x97: {  	[tilespmem:s18], [sflag:$0x1] =	stream.indirect.gather [hbm4b:s1+s17], $0x80, s24, s17, $0xb8;
	[tilespmem:$0x1E000] =	vst v63  }
.LBB2_4:
0x98: {  	[tilespmem:s19], [sflag:$0x2] =	stream.indirect.gather [hbm4b:s1+s17], $0x80, s17, s17, $0xb8;
	[tilespmem:$0x1E000] =	vst v63  }
0x99: {  	_ =	swait.ge [sflag:s20], $0x4000  }
0x9a: {  	[sflag:s20] =	ssyncset.done $0x0  }
0x9b: {  	s0 =	simm.s32 $0x400;
	[sflag:s20] =	ssyncadd.s32 $0xFFFFC000  }
0x9c: {  	[spmem:s2] =	stream.indirect.scatter.add.f32 [tilespmem:s18], [sflag:$0x5], $0x80, s0, s17, $0xb8;
	[tilespmem:$0x1E000] =	vst v63  }
0x9d: {  	_ =	swait.ge [sflag:s15], $0x4000  }
0x9e: {  	[sflag:s15] =	ssyncset.done $0x0  }
0x9f: {  	s3 =	simm.s32 $0x100;
	[sflag:s15] =	ssyncadd.s32 $0xFFFFC000  }
0xa0: {  	[tilespmem:s18], [sflag:$0x1] =	stream.indirect.gather [hbm4b:s1+s17], $0x80, s3, s17, $0xb8;
	[tilespmem:$0x1E000] =	vst v63  }
0xa1: {  	_ =	swait.ge [sflag:s26], $0x4000  }
0xa2: {  	[sflag:s26] =	ssyncset.done $0x0  }
0xa3: {  	s31 =	simm.s32 $0x480;
	[sflag:s26] =	ssyncadd.s32 $0xFFFFC000  }
0xa4: {  	[spmem:s2] =	stream.indirect.scatter.add.f32 [tilespmem:s19], [sflag:$0x5], $0x80, s31, s17, $0xb8;
	[tilespmem:$0x1E000] =	vst v63  }
0xa5: {  	_ =	swait.ge [sflag:s15], $0x4000  }
0xa6: {  	[sflag:s15] =	ssyncset.done $0x0  }
0xa7: {  	s3 =	simm.s32 $0x180;
	[sflag:s15] =	ssyncadd.s32 $0xFFFFC000  }
0xa8: {  	[tilespmem:s19], [sflag:$0x2] =	stream.indirect.gather [hbm4b:s1+s17], $0x80, s3, s17, $0xb8;
	[tilespmem:$0x1E000] =	vst v63  }
0xa9: {  	_ =	swait.ge [sflag:s20], $0x4000  }
0xaa: {  	[sflag:s20] =	ssyncset.done $0x0  }
0xab: {  	s31 =	simm.s32 $0x500;
	[sflag:s20] =	ssyncadd.s32 $0xFFFFC000  }
0xac: {  	[spmem:s2] =	stream.indirect.scatter.add.f32 [tilespmem:s18], [sflag:$0x5], $0x80, s31, s17, $0xb8;
	[tilespmem:$0x1E000] =	vst v63  }
0xad: {  	_ =	swait.ge [sflag:s15], $0x4000  }
0xae: {  	[sflag:s15] =	ssyncset.done $0x0  }
0xaf: {  	s3 =	simm.s32 $0x200;
	[sflag:s15] =	ssyncadd.s32 $0xFFFFC000  }
0xb0: {  	[tilespmem:s18], [sflag:$0x1] =	stream.indirect.gather [hbm4b:s1+s17], $0x80, s3, s17, $0xb8;
	[tilespmem:$0x1E000] =	vst v63  }
0xb1: {  	_ =	swait.ge [sflag:s26], $0x4000  }
0xb2: {  	[sflag:s26] =	ssyncset.done $0x0  }
0xb3: {  	s31 =	simm.s32 $0x580;
	[sflag:s26] =	ssyncadd.s32 $0xFFFFC000  }
0xb4: {  	[spmem:s2] =	stream.indirect.scatter.add.f32 [tilespmem:s19], [sflag:$0x5], $0x80, s31, s17, $0xb8;
	[tilespmem:$0x1E000] =	vst v63  }
0xb5: {  	_ =	swait.ge [sflag:s15], $0x4000  }
0xb6: {  	[sflag:s15] =	ssyncset.done $0x0  }
0xb7: {  	s3 =	simm.s32 $0x280;
	[sflag:s15] =	ssyncadd.s32 $0xFFFFC000  }
0xb8: {  	[tilespmem:s19], [sflag:$0x2] =	stream.indirect.gather [hbm4b:s1+s17], $0x80, s3, s17, $0xb8;
	[tilespmem:$0x1E000] =	vst v63  }
0xb9: {  	_ =	swait.ge [sflag:s20], $0x4000  }
0xba: {  	[sflag:s20] =	ssyncset.done $0x0  }
0xbb: {  	s31 =	simm.s32 $0x600;
	[sflag:s20] =	ssyncadd.s32 $0xFFFFC000  }
0xbc: {  	[spmem:s2] =	stream.indirect.scatter.add.f32 [tilespmem:s18], [sflag:$0x5], $0x80, s31, s17, $0xb8;
	[tilespmem:$0x1E000] =	vst v63  }
0xbd: {  	_ =	swait.ge [sflag:s15], $0x4000  }
0xbe: {  	[sflag:s15] =	ssyncset.done $0x0  }
0xbf: {  	s3 =	simm.s32 $0x300;
	[sflag:s15] =	ssyncadd.s32 $0xFFFFC000  }
0xc0: {  	[tilespmem:s18], [sflag:$0x1] =	stream.indirect.gather [hbm4b:s1+s17], $0x80, s3, s17, $0xb8;
	[tilespmem:$0x1E000] =	vst v63  }
0xc1: {  	_ =	swait.ge [sflag:s26], $0x4000  }
0xc2: {  	[sflag:s26] =	ssyncset.done $0x0  }
0xc3: {  	s31 =	simm.s32 $0x680;
	[sflag:s26] =	ssyncadd.s32 $0xFFFFC000  }
0xc4: {  	[spmem:s2] =	stream.indirect.scatter.add.f32 [tilespmem:s19], [sflag:$0x5], $0x80, s31, s17, $0xb8;
	[tilespmem:$0x1E000] =	vst v63  }
0xc5: {  	_ =	swait.ge [sflag:s15], $0x4000  }
0xc6: {  	[sflag:s15] =	ssyncset.done $0x0  }
0xc7: {  	s3 =	simm.s32 $0x380;
	[sflag:s15] =	ssyncadd.s32 $0xFFFFC000  }
0xc8: {  	[tilespmem:s19], [sflag:$0x2] =	stream.indirect.gather [hbm4b:s1+s17], $0x80, s3, s17, $0xb8;
	[tilespmem:$0x1E000] =	vst v63  }
0xc9: {  	_ =	swait.ge [sflag:s20], $0x4000  }
0xca: {  	[sflag:s20] =	ssyncset.done $0x0  }
0xcb: {  	s31 =	simm.s32 $0x700;
	[sflag:s20] =	ssyncadd.s32 $0xFFFFC000  }
0xcc: {  	[spmem:s2] =	stream.indirect.scatter.add.f32 [tilespmem:s18], [sflag:$0x5], $0x80, s31, s17, $0xb8;
	[tilespmem:$0x1E000] =	vst v63  }
0xcd: {  	_ =	swait.ge [sflag:s15], $0x4000  }
0xce: {  	[sflag:s15] =	ssyncset.done $0x0  }
0xcf: {  	[sflag:s15] =	ssyncadd.s32 $0xFFFFC000  }
0xd0: {  	_ =	swait.ge [sflag:s21], $0x400  }
0xd1: {  	[sflag:s21] =	ssyncset.done $0x0  }
0xd2: {  	[sflag:s21] =	ssyncadd.s32 $0xFFFFFC00  }
0xd3: {  	_ =	swait.ge [sflag:s21], $0x400  }
0xd4: {  	[sflag:s21] =	ssyncset.done $0x0  }
0xd5: {  	[sflag:s21] =	ssyncadd.s32 $0xFFFFFC00  }
0xd6: {  	[tilespmem:s18], [sflag:$0x1] =	stream.indirect.gather [hbm4b:s1+s17], $0x80, s12, s17, $0xb8;
	[tilespmem:$0x1E000] =	vst v63  }
0xd7: {  	_ =	swait.ge [sflag:s26], $0x4000  }
0xd8: {  	[sflag:s26] =	ssyncset.done $0x0  }
0xd9: {  	s3 =	simm.s32 $0x780;
	[sflag:s26] =	ssyncadd.s32 $0xFFFFC000  }
0xda: {  	[spmem:s2] =	stream.indirect.scatter.add.f32 [tilespmem:s19], [sflag:$0x5], $0x80, s3, s17, $0xb8;
	[tilespmem:$0x1E000] =	vst v63  }
0xdb: {  	p0 =	seq.s32 s24, $0x400;
	_ =	swait.ge [sflag:s15], $0x4000  }
0xdc: {  	s31 =	sshrl.u32 @!p0 s30, $0x3;
	[sflag:s15] =	ssyncset.done $0x0  }
0xdd: {  	s0 =	sadd.s32 @!p0 s5, s31;
	s3 =	simm.s32 @!p0 $0x0;
	[sflag:s15] =	ssyncadd.s32 $0xFFFFC000  }
0xde: {  	[tilespmem:s3], [sflag:$0x3] =	stream.linear.gather @!p0 [hbm4b:s0+s3], $0x400, $0x38;
	[tilespmem:$0x1E000] =	vst v63  }
0xdf: {  	s0 =	sadd.s32 @!p0 s6, s31;
	s31 =	simm.s32 @!p0 $0x400  }
0xe0: {  	[tilespmem:s31], [sflag:$0x3] =	stream.linear.gather @!p0 [hbm4b:s0+s3], $0x400, $0x38;
	[tilespmem:$0x1E000] =	vst v63  }
0xe1: {  	s31 =	simm.s32 $0x880  }
0xe2: {  	[tilespmem:s19], [sflag:$0x2] =	stream.indirect.gather [hbm4b:s1+s17], $0x80, s31, s17, $0xb8;
	[tilespmem:$0x1E000] =	vst v63  }
0xe3: {  	_ =	swait.ge [sflag:s20], $0x4000  }
0xe4: {  	[sflag:s20] =	ssyncset.done $0x0  }
0xe5: {  	[sflag:s20] =	ssyncadd.s32 $0xFFFFC000  }
0xe6: {  	[spmem:s2] =	stream.indirect.scatter.add.f32 [tilespmem:s18], [sflag:$0x5], $0x80, s13, s17, $0xb8;
	[tilespmem:$0x1E000] =	vst v63  }
0xe7: {  	_ =	swait.ge [sflag:s15], $0x4000  }
0xe8: {  	[sflag:s15] =	ssyncset.done $0x0  }
0xe9: {  	s3 =	simm.s32 $0x900;
	[sflag:s15] =	ssyncadd.s32 $0xFFFFC000  }
0xea: {  	[tilespmem:s18], [sflag:$0x1] =	stream.indirect.gather [hbm4b:s1+s17], $0x80, s3, s17, $0xb8;
	[tilespmem:$0x1E000] =	vst v63  }
0xeb: {  	_ =	swait.ge [sflag:s26], $0x4000  }
0xec: {  	[sflag:s26] =	ssyncset.done $0x0  }
0xed: {  	s31 =	simm.s32 $0xC80;
	[sflag:s26] =	ssyncadd.s32 $0xFFFFC000  }
0xee: {  	[spmem:s2] =	stream.indirect.scatter.add.f32 [tilespmem:s19], [sflag:$0x5], $0x80, s31, s17, $0xb8;
	[tilespmem:$0x1E000] =	vst v63  }
0xef: {  	_ =	swait.ge [sflag:s15], $0x4000  }
0xf0: {  	[sflag:s15] =	ssyncset.done $0x0  }
0xf1: {  	s3 =	simm.s32 $0x980;
	[sflag:s15] =	ssyncadd.s32 $0xFFFFC000  }
0xf2: {  	[tilespmem:s19], [sflag:$0x2] =	stream.indirect.gather [hbm4b:s1+s17], $0x80, s3, s17, $0xb8;
	[tilespmem:$0x1E000] =	vst v63  }
0xf3: {  	_ =	swait.ge [sflag:s20], $0x4000  }
0xf4: {  	[sflag:s20] =	ssyncset.done $0x0  }
0xf5: {  	s31 =	simm.s32 $0xD00;
	[sflag:s20] =	ssyncadd.s32 $0xFFFFC000  }
0xf6: {  	[spmem:s2] =	stream.indirect.scatter.add.f32 [tilespmem:s18], [sflag:$0x5], $0x80, s31, s17, $0xb8;
	[tilespmem:$0x1E000] =	vst v63  }
0xf7: {  	_ =	swait.ge [sflag:s15], $0x4000  }
0xf8: {  	[sflag:s15] =	ssyncset.done $0x0  }
0xf9: {  	s3 =	simm.s32 $0xA00;
	[sflag:s15] =	ssyncadd.s32 $0xFFFFC000  }
0xfa: {  	[tilespmem:s18], [sflag:$0x1] =	stream.indirect.gather [hbm4b:s1+s17], $0x80, s3, s17, $0xb8;
	[tilespmem:$0x1E000] =	vst v63  }
0xfb: {  	_ =	swait.ge [sflag:s26], $0x4000  }
0xfc: {  	[sflag:s26] =	ssyncset.done $0x0  }
0xfd: {  	s31 =	simm.s32 $0xD80;
	[sflag:s26] =	ssyncadd.s32 $0xFFFFC000  }
0xfe: {  	[spmem:s2] =	stream.indirect.scatter.add.f32 [tilespmem:s19], [sflag:$0x5], $0x80, s31, s17, $0xb8;
	[tilespmem:$0x1E000] =	vst v63  }
0xff: {  	_ =	swait.ge [sflag:s15], $0x4000  }
0x100: {  	[sflag:s15] =	ssyncset.done $0x0  }
0x101: {  	[sflag:s15] =	ssyncadd.s32 $0xFFFFC000  }
0x102: {  	[tilespmem:s19], [sflag:$0x2] =	stream.indirect.gather [hbm4b:s1+s17], $0x80, s7, s17, $0xb8;
	[tilespmem:$0x1E000] =	vst v63  }
0x103: {  	_ =	swait.ge [sflag:s20], $0x4000  }
0x104: {  	[sflag:s20] =	ssyncset.done $0x0  }
0x105: {  	[sflag:s20] =	ssyncadd.s32 $0xFFFFC000  }
0x106: {  	[spmem:s2] =	stream.indirect.scatter.add.f32 [tilespmem:s18], [sflag:$0x5], $0x80, s8, s17, $0xb8;
	[tilespmem:$0x1E000] =	vst v63  }
0x107: {  	_ =	swait.ge [sflag:s15], $0x4000  }
0x108: {  	[sflag:s15] =	ssyncset.done $0x0  }
0x109: {  	[sflag:s15] =	ssyncadd.s32 $0xFFFFC000  }
0x10a: {  	[tilespmem:s18], [sflag:$0x1] =	stream.indirect.gather [hbm4b:s1+s17], $0x80, s9, s17, $0xb8;
	[tilespmem:$0x1E000] =	vst v63  }
0x10b: {  	_ =	swait.ge [sflag:s26], $0x4000  }
0x10c: {  	[sflag:s26] =	ssyncset.done $0x0  }
0x10d: {  	[sflag:s26] =	ssyncadd.s32 $0xFFFFC000  }
0x10e: {  	[spmem:s2] =	stream.indirect.scatter.add.f32 [tilespmem:s19], [sflag:$0x5], $0x80, s11, s17, $0xb8;
	[tilespmem:$0x1E000] =	vst v63  }
0x10f: {  	_ =	swait.ge [sflag:s15], $0x4000  }
0x110: {  	[sflag:s15] =	ssyncset.done $0x0  }
0x111: {  	[sflag:s15] =	ssyncadd.s32 $0xFFFFC000  }
0x112: {  	[tilespmem:s19], [sflag:$0x2] =	stream.indirect.gather [hbm4b:s1+s17], $0x80, s28, s17, $0xb8;
	[tilespmem:$0x1E000] =	vst v63  }
0x113: {  	_ =	swait.ge [sflag:s20], $0x4000  }
0x114: {  	[sflag:s20] =	ssyncset.done $0x0  }
.Ltmp1:
0x115: {  	[sflag:s20] =	ssyncadd.s32 $0xFFFFC000;
	(pc) =	sbr.rel @p0 .LBB2_6-.Ltmp1, $4  }
0x116: {  	[spmem:s2] =	stream.indirect.scatter.add.f32 [tilespmem:s18], [sflag:$0x5], $0x80, s10, s17, $0xb8;
	[tilespmem:$0x1E000] =	vst v63  }
0x117: {  	_ =	swait.ge [sflag:s15], $0x4000  }
0x118: {  	[sflag:s15] =	ssyncset.done $0x0  }
0x119: {  	[sflag:s15] =	ssyncadd.s32 $0xFFFFC000  }
0x11a: {  	_ =	swait.ge [sflag:s16], $0x400  }
0x11b: {  	[sflag:s16] =	ssyncset.done $0x0  }
0x11c: {  	[sflag:s16] =	ssyncadd.s32 $0xFFFFFC00  }
0x11d: {  	_ =	swait.ge [sflag:s16], $0x400  }
0x11e: {  	[sflag:s16] =	ssyncset.done $0x0  }
0x11f: {  	[sflag:s16] =	ssyncadd.s32 $0xFFFFFC00  }
0x120: {  	[tilespmem:s18], [sflag:$0x1] =	stream.indirect.gather [hbm4b:s1+s17], $0x80, s4, s17, $0xb8;
	[tilespmem:$0x1E000] =	vst v63  }
0x121: {  	_ =	swait.ge [sflag:s26], $0x4000  }
0x122: {  	[sflag:s26] =	ssyncset.done $0x0  }
0x123: {  	[sflag:s26] =	ssyncadd.s32 $0xFFFFC000  }
0x124: {  	[spmem:s2] =	stream.indirect.scatter.add.f32 [tilespmem:s19], [sflag:$0x5], $0x80, s29, s17, $0xb8;
	[tilespmem:$0x1E000] =	vst v63  }
0x125: {  	_ =	swait.ge [sflag:s15], $0x4000  }
.Ltmp2:
0x126: {  	[sflag:s15] =	ssyncset.done $0x0;
	(pc) =	sbr.rel .LBB2_4-.Ltmp2, $4  }
0x127: {  	s0 =	sadd.s32 s24, s23;
	[sflag:s15] =	ssyncadd.s32 $0xFFFFC000  }
0x128: {  	[tilespmem:s12], [sflag:$0x4] =	stream.linear.gather [hbm4b:s0+s4], $0x400, $0x38;
	[tilespmem:$0x1E000] =	vst v63  }
0x129: {  	s31 =	sadd.s32 s24, s22;
	s24 =	sadd.s32 $0x100, s24;
	s30 =	sadd.s32 $0x800, s30  }
0x12a: {  	[tilespmem:s13], [sflag:$0x4] =	stream.linear.gather [hbm4b:s31+s4], $0x400, $0x38;
	[tilespmem:$0x1E000] =	vst v63  }
.LBB2_6:
0x12b: {  	_ =	swait.ge [sflag:s26], $0x4000  }
0x12c: {  	[sflag:s26] =	ssyncset.done $0x0  }
0x12d: {  	[sflag:s26] =	ssyncadd.s32 $0xFFFFC000  }
0x12e: {  	[spmem:s2] =	stream.indirect.scatter.add.f32 [tilespmem:s19], [sflag:$0x5], $0x80, s29, s17, $0xb8;
	[tilespmem:$0x1E000] =	vst v63  }
0x12f: {  	_ =	swait.ge [sflag:s15], $0x4000  }
0x130: {  	[sflag:s15] =	ssyncset.done $0x0  }
0x131: {  	[sflag:s15] =	ssyncadd.s32 $0xFFFFC000  }
0x132: {  	[bflag:$0x0] =	sbarrier.arrive $0xFFFF  }
0x133: {  	s31 =	rddreg [dreg:$0x8]  }
0x134: {  	[tilespmem:s14], [sflag:$0x5] =	stream.linear.gather [spmem:s31], $0x1000, $0x38;
	[tilespmem:$0x1E000] =	vst v63  }
0x135: {  	_ =	swait.ge [sflag:s15], $0x1000  }
0x136: {  	[sflag:s15] =	ssyncset.done $0x0  }
0x137: {  	s0 =	sadd.s32 $0x0, s25;
	[sflag:s15] =	ssyncadd.s32 $0xFFFFF000  }
0x138: {  	[hbm4b:s0+s4] =	stream.linear.scatter [tilespmem:s14], [sflag:$0x5], $0x1000, $0x38;
	[tilespmem:$0x1E000] =	vst v63  }
0x139: {  	_ =	swait.ge [sflag:s15], $0x1000  }
0x13a: {  	s24 =	simm.s32 $0x200;
	s30 =	smov.u32 s31;
	[sflag:s15] =	ssyncset.done $0x0  }
.LBB2_7:
0x13b: {  	p0 =	sne.s32 s24, $0x2600;
	[sflag:s15] =	ssyncadd.s32 $0xFFFFF000;
	s30 =	sadd.s32 $0x1000, s30  }
0x13c: {  	[tilespmem:s14], [sflag:$0x5] =	stream.linear.gather [spmem:s30], $0x1000, $0x38;
	[tilespmem:$0x1E000] =	vst v63  }
0x13d: {  	s0 =	smov.u32 s24;
	s24 =	sadd.s32 $0x200, s24;
	_ =	swait.ge [sflag:s15], $0x1000  }
.Ltmp3:
0x13e: {  	[sflag:s15] =	ssyncset.done $0x0;
	(pc) =	sbr.rel @p0 .LBB2_7-.Ltmp3, $4  }
0x13f: {  	s0 =	sadd.s32 s0, s25;
	[sflag:s15] =	ssyncadd.s32 $0xFFFFF000  }
0x140: {  	[hbm4b:s0+s4] =	stream.linear.scatter [tilespmem:s14], [sflag:$0x5], $0x1000, $0x38;
	[tilespmem:$0x1E000] =	vst v63  }
0x141: {  	_ =	swait.ge [sflag:s15], $0x1000  }
0x142: {  	[sflag:s15] =	ssyncset.done $0x0  }
0x143: {  	s3 =	rddreg [dreg:$0x1e]  }
0x144: {  	s0 =	rddreg [dreg:$0x9];
	s3 =	sadd.s32 $0x1, s3  }
0x145: {  	p0 =	sne.s32 s3, s0  }
.Ltmp4:
0x146: {  	_ = 	snop;
	(pc) =	sbr.rel @p0 .LBB2_1-.Ltmp4, $2  }
0x147: {  	_ =	sdelay $0x2  }
0x148: {  	[sflag:s15] =	ssyncadd.s32 $0xFFFFF000  }
0x149: {  	_ =	sfence.sel $0x180000  }
0x14a: {  	[bflag:$0x0] =	sbarrier.arrive $0xFFFF  }
0x14b: {  	_ =	strace $0x9000004A  }
0x14c: {  	s0 =	stileid.u32;
	[bflag:$0x2] =	sbarrier.arrive $0xFFFF  }
0x14d: {  	p0 =	sne.s32 s0, $0x0;
	s0 =	rddreg [dreg:$0x3]  }
0x14e: {  	s0 =	sadd.s32 @!p0 $0x100000, s0  }
0x14f: {  	[sflag:s0] =	ssyncadd.tile.s32 @!p0 $0x1;
	_ =	shalt  }
.Lfunc_end2:
_tile_overlayer_lowered:
.L_overlay_start_2:
0x150: {  	(tag) =	ssettag $0x2  }
0x151: {  	s0 =	rddreg [dreg:$0x0];
	s2 =	stileid.u32  }
0x152: {  	s1 =	rddreg [dreg:$0x1];
	p0 =	sne.s32 s2, $0x0  }
0x153: {  	s3 =	rddreg [dreg:$0x2];
	[bflag:$0x3] =	sbarrier.arrive $0xFFFF;
	s2 =	simm.s32 @!p0 $0x1C05  }
0x154: {  	[timem:s3], [sflag:s2] =	dma.local @!p0 [hbm:s0], s1  }
0x155: {  	s0 =	simm.s32 @!p0 $0x5  }
0x156: {  	_ =	swait.ge @!p0 [sflag:s0], s1  }
0x157: {  	s1 =	ssub.s32 @!p0 $0x0, s1;
	[sflag:s0] =	ssyncset.done @!p0 $0x0  }
0x158: {  	[sflag:s0] =	ssyncadd.s32 @!p0 s1  }
0x159: {  	[bflag:$0x3] =	sbarrier.arrive $0xFFFF  }
0x15a: {  	_ =	shalt  }

</sc_bundles>
